<compile_context>
chip_gen: v7x
topology: tpu7x:2x2x1
jax: 0.10.2.dev20260603
libtpu: 0.0.44.dev20260713+nightly
codegen_flags: <defaults>
</compile_context>

<pallas_src>
import jax
import jax.numpy as jnp
from jax import lax
from jax.experimental import pallas as pl
from jax.experimental.pallas import tpu as pltpu
from jax.experimental.pallas import tpu_sc as plsc

_N = 10000
_E2 = 640000
_T = 64
_A = 64
_H = 128
_W = 48
_NW = 32
_NP = 10240
_CHUNK = 512
_NCHUNK = 40
_EP = _NW * _NCHUNK * _CHUNK
_GCHUNK = 320
_STRIPE = _NP // 16
_NGC = _STRIPE // _GCHUNK
_BLK = 512


def _table_body(te_ref, ae_ref, w0_ref, b0_ref, g0_ref, be0_ref,
                outa_ref, outb_ref, outc_ref):
    p = jnp.dot(te_ref[...], w0_ref[0:_T, :], preferred_element_type=jnp.float32)
    q = jnp.dot(ae_ref[...], w0_ref[_T:2 * _T, :], preferred_element_type=jnp.float32)
    h = p[:, None, :] + q[None, :, :] + b0_ref[...][None, :, :]
    h = jnp.maximum(h, 0.0).reshape(_T * _A, _H)
    mu = jnp.mean(h, axis=-1, keepdims=True)
    var = jnp.mean((h - mu) ** 2, axis=-1, keepdims=True)
    ln = (h - mu) / jnp.sqrt(var + 1e-5) * g0_ref[...] + be0_ref[...]
    outa_ref[...] = ln[:, 0:_W]
    outb_ref[...] = ln[:, _W:2 * _W]
    ones = jnp.ones((_T * _A, 1), jnp.float32)
    zeros = jnp.zeros((_T * _A, 3 * _W - _H - 1), jnp.float32)
    outc_ref[...] = jnp.concatenate([ln[:, 2 * _W:_H], ones, zeros], axis=-1)


def _build_table(type_embed, agent_embed, W0, b0, g0, be0):
    return pl.pallas_call(
        _table_body,
        out_shape=[jax.ShapeDtypeStruct((_T * _A, _W), jnp.float32)] * 3,
    )(type_embed, agent_embed, W0, b0.reshape(1, _H), g0.reshape(1, _H),
      be0.reshape(1, _H))


def _make_agg_body():
    def body(comb_ref, table_ref, src_ref, dst_ref, zeros_ref,
             xh_ref, aggp_ref,
             nidx, nrows, s0, s1, d0, d1, r0, r1,
             nsem, i0, i1, g0, g1, x_sh, agg_sh):
        c = lax.axis_index("c")
        s = lax.axis_index("s")
        w = s * 2 + c
        stages = ((s0, d0, r0, i0, g0), (s1, d1, r1, i1, g1))

        pltpu.sync_copy(zeros_ref, agg_sh.at[pl.ds(s * _STRIPE, _STRIPE)])
        for j in range(_NGC):
            pltpu.sync_copy(comb_ref.at[s, j], nidx)
            pltpu.async_copy(table_ref.at[nidx], nrows, nsem).wait()
            pltpu.sync_copy(
                nrows, x_sh.at[pl.ds(s * _STRIPE + j * _GCHUNK, _GCHUNK)])

        @pl.when(c == 0)
        def _():
            pltpu.sync_copy(x_sh.at[pl.ds(s * _STRIPE, _STRIPE)],
                            xh_ref.at[pl.ds(s * _STRIPE, _STRIPE)])

        def fire_idx(k, st):
            pltpu.async_copy(src_ref.at[w, k], st[0], st[3])
            pltpu.async_copy(dst_ref.at[w, k], st[1], st[3])

        def fire_gather(st):
            pltpu.make_async_copy(src_ref.at[w, 0], st[0], st[3]).wait()
            pltpu.make_async_copy(dst_ref.at[w, 0], st[1], st[3]).wait()
            pltpu.async_copy(x_sh.at[st[0]], st[2], st[4])

        def wait_gather(st):
            pltpu.make_async_copy(x_sh.at[st[0]], st[2], st[4]).wait()

        plsc.subcore_barrier()

        fire_idx(0, stages[0])
        fire_idx(1, stages[1])
        fire_gather(stages[0])

        def group(kk, carry):
            for b in range(2):
                k = kk * 2 + b

                @pl.when(k + 1 < _NCHUNK)
                def _():
                    fire_gather(stages[1 - b])

                wait_gather(stages[b])
                pltpu.sync_copy(stages[b][2], agg_sh.at[stages[b][1]],
                                add=True)

                @pl.when(k + 2 < _NCHUNK)
                def _():
                    fire_idx(k + 2, stages[b])
            return carry

        lax.fori_loop(0, _NCHUNK // 2, group, 0)
        plsc.subcore_barrier()

        pltpu.sync_copy(agg_sh.at[pl.ds(s * _STRIPE, _STRIPE)],
                        aggp_ref.at[c].at[pl.ds(s * _STRIPE, _STRIPE)])

    return body


def _edge_aggregate(comb_s, table_h, src_idx, dst_idx, zeros_stripe):
    mesh = plsc.VectorSubcoreMesh(core_axis_name="c", subcore_axis_name="s")
    idx = pltpu.VMEM((_CHUNK,), jnp.int32)
    rows = pltpu.VMEM((_CHUNK, _W), jnp.float32)
    sem = pltpu.SemaphoreType.DMA
    return pl.kernel(
        _make_agg_body(),
        out_type=[jax.ShapeDtypeStruct((_NP, _W), jnp.float32),
                  jax.ShapeDtypeStruct((2, _NP, _W), jnp.float32)],
        mesh=mesh,
        compiler_params=pltpu.CompilerParams(use_tc_tiling_on_sc=False),
        scratch_types=[
            pltpu.VMEM((_GCHUNK,), jnp.int32),
            pltpu.VMEM((_GCHUNK, _W), jnp.float32),
            idx, idx, idx, idx, rows, rows,
            sem, sem, sem, sem, sem,
            pltpu.VMEM_SHARED((_NP, _W), jnp.float32),
            pltpu.VMEM_SHARED((_NP, _W), jnp.float32),
        ],
    )(comb_s, table_h, src_idx, dst_idx, zeros_stripe)


def _final_body(xa_ref, xb_ref, xc_ref, pa_ref, pb_ref, pc_ref,
                w1_ref, b1_ref, g1_ref, be1_ref, wp_ref, bp_ref,
                out_ref, acc_ref):
    i = pl.program_id(0)

    @pl.when(i == 0)
    def _():
        acc_ref[...] = jnp.zeros_like(acc_ref)

    sa = pa_ref[0] + pa_ref[1]
    sb = pb_ref[0] + pb_ref[1]
    sc = pc_ref[0] + pc_ref[1]
    w3 = _H - 2 * _W
    denom = jnp.maximum(sc[:, w3:w3 + 1], 1.0)
    h = (jnp.dot(xa_ref[...], w1_ref[0:_W, :],
                 preferred_element_type=jnp.float32)
         + jnp.dot(xb_ref[...], w1_ref[_W:2 * _W, :],
                   preferred_element_type=jnp.float32)
         + jnp.dot(xc_ref[:, 0:w3], w1_ref[2 * _W:_H, :],
                   preferred_element_type=jnp.float32)
         + jnp.dot(sa / denom, w1_ref[_H:_H + _W, :],
                   preferred_element_type=jnp.float32)
         + jnp.dot(sb / denom, w1_ref[_H + _W:_H + 2 * _W, :],
                   preferred_element_type=jnp.float32)
         + jnp.dot(sc[:, 0:w3] / denom, w1_ref[_H + 2 * _W:2 * _H, :],
                   preferred_element_type=jnp.float32)
         + b1_ref[...])
    h = jnp.maximum(h, 0.0)
    mu = jnp.mean(h, axis=-1, keepdims=True)
    var = jnp.mean((h - mu) ** 2, axis=-1, keepdims=True)
    ln = (h - mu) / jnp.sqrt(var + 1e-5) * g1_ref[...] + be1_ref[...]
    rows = lax.broadcasted_iota(jnp.int32, (_BLK, 1), 0) + i * _BLK
    ln = jnp.where(rows < _N, ln, 0.0)
    acc_ref[...] += jnp.sum(ln, axis=0, keepdims=True)

    @pl.when(i == pl.num_programs(0) - 1)
    def _():
        ge = acc_ref[...] / float(_N)
        out_ref[...] = (jnp.dot(ge, wp_ref[...],
                                preferred_element_type=jnp.float32)
                        + bp_ref[...])


def _finalize(xs, ps, W1, b1, g1, be1, Wp, bp):
    nblk = _NP // _BLK
    return pl.pallas_call(
        _final_body,
        grid=(nblk,),
        in_specs=[pl.BlockSpec((_BLK, _W), lambda i: (i, 0))] * 3
        + [pl.BlockSpec((2, _BLK, _W), lambda i: (0, i, 0))] * 3
        + [
            pl.BlockSpec((2 * _H, _H), lambda i: (0, 0)),
            pl.BlockSpec((1, _H), lambda i: (0, 0)),
            pl.BlockSpec((1, _H), lambda i: (0, 0)),
            pl.BlockSpec((1, _H), lambda i: (0, 0)),
            pl.BlockSpec((_H, _H), lambda i: (0, 0)),
            pl.BlockSpec((1, _H), lambda i: (0, 0)),
        ],
        out_specs=pl.BlockSpec((1, _H), lambda i: (0, 0)),
        out_shape=jax.ShapeDtypeStruct((1, _H), jnp.float32),
        scratch_shapes=[pltpu.VMEM((1, _H), jnp.float32)],
    )(*xs, *ps, W1, b1.reshape(1, _H), g1.reshape(1, _H),
      be1.reshape(1, _H), Wp, bp.reshape(1, _H))


def kernel(type_idx, agent_idx, edge_index, type_embed, agent_embed,
           W0, b0, g0, be0, W1, b1, g1, be1, Wp, bp):
    type_idx = type_idx.astype(jnp.int32)
    agent_idx = agent_idx.astype(jnp.int32)
    edge_index = edge_index.astype(jnp.int32)

    comb = type_idx * _A + agent_idx
    comb_s = jnp.concatenate(
        [comb, jnp.zeros((_NP - _N,), jnp.int32)]).reshape(16, _NGC, _GCHUNK)
    pad = jnp.full((_EP - _E2,), _N, jnp.int32)
    src = jnp.concatenate([edge_index[0], edge_index[1], pad]).reshape(
        _NW, _NCHUNK, _CHUNK)
    dst = jnp.concatenate([edge_index[1], edge_index[0], pad]).reshape(
        _NW, _NCHUNK, _CHUNK)
    z = jnp.zeros((_STRIPE, _W), jnp.float32)

    tables = _build_table(type_embed, agent_embed, W0, b0, g0, be0)
    xs, ps = [], []
    for t in tables:
        xh, aggp = _edge_aggregate(comb_s, t, src, dst, z)
        xs.append(xh)
        ps.append(aggp)
    out = _finalize(xs, ps, W1, b1, g1, be1, Wp, bp)
    return out.reshape(_H)

# --- scband reference (transcript-rebuilt; emitter-appended) ---
"""Pipeline reference for scband-graph-encoder-18940805775870 (READ-ONLY COPY).

The authoritative reference and input builder live on the scoring server;
editing this copy changes nothing except your own understanding.
"""

import jax, jax.numpy as jnp
import numpy as np

N = 10000
E = 320000
NODE = 64
IN = 2 * NODE
H = 128
OUT = 128
T = 64
A = 64


def setup_inputs(seed: int = 0) -> dict:
    key = jax.random.key(seed)
    ks = jax.random.split(key, 12)
    type_idx = jax.random.randint(ks[0], (N,), 0, T)
    agent_idx = jax.random.randint(ks[1], (N,), 0, A)
    edge_index = jax.random.randint(ks[2], (2, E), 0, N)
    type_embed = jax.random.normal(ks[3], (T, NODE), dtype=jnp.float32)
    agent_embed = jax.random.normal(ks[4], (A, NODE), dtype=jnp.float32)
    W0 = jax.random.normal(ks[5], (IN, H), dtype=jnp.float32) / np.sqrt(IN)
    b0 = jnp.zeros((H,), jnp.float32)
    g0 = jnp.ones((H,), jnp.float32)
    be0 = jnp.zeros((H,), jnp.float32)
    W1 = jax.random.normal(ks[6], (H + H, OUT), dtype=jnp.float32) / np.sqrt(H + H)
    b1 = jnp.zeros((OUT,), jnp.float32)
    g1 = jnp.ones((OUT,), jnp.float32)
    be1 = jnp.zeros((OUT,), jnp.float32)
    Wp = jax.random.normal(ks[7], (OUT, OUT), dtype=jnp.float32) / np.sqrt(OUT)
    bp = jnp.zeros((OUT,), jnp.float32)
    return {"type_idx": type_idx, "agent_idx": agent_idx, "edge_index": edge_index,
            "type_embed": type_embed, "agent_embed": agent_embed,
            "W0": W0, "b0": b0, "g0": g0, "be0": be0,
            "W1": W1, "b1": b1, "g1": g1, "be1": be1,
            "Wp": Wp, "bp": bp}


def _layernorm(h, g, b, eps=1e-5):
    mu = jnp.mean(h, axis=-1, keepdims=True)
    var = jnp.mean((h - mu) ** 2, axis=-1, keepdims=True)
    return (h - mu) / jnp.sqrt(var + eps) * g + b


def reference(type_idx, agent_idx, edge_index, type_embed, agent_embed,
              W0, b0, g0, be0, W1, b1, g1, be1, Wp, bp):
    # node features: concat(type_emb, agent_emb)
    x = jnp.concatenate([jnp.take(type_embed, type_idx, axis=0),
                         jnp.take(agent_embed, agent_idx, axis=0)], axis=-1)
    # undirected neighbors (original appends both directions)
    src = jnp.concatenate([edge_index[0], edge_index[1]])
    dst = jnp.concatenate([edge_index[1], edge_index[0]])
    deg = jax.ops.segment_sum(jnp.ones_like(src, jnp.float32), dst, num_segments=N)
    denom = jnp.maximum(deg, 1.0)[:, None]
    # layer 0: agg is computed but unused in original (combined = x)
    x = _layernorm(jax.nn.relu(x @ W0 + b0), g0, be0)
    # layer 1: combined = cat([x, mean-neighbor-agg])
    agg = jax.ops.segment_sum(jnp.take(x, src, axis=0), dst, num_segments=N) / denom
    combined = jnp.concatenate([x, agg], axis=-1)
    x = _layernorm(jax.nn.relu(combined @ W1 + b1), g1, be1)
    graph_embed = jnp.mean(x, axis=0)
    return graph_embed @ Wp + bp

if __name__ == "__main__":
    import jax
    _d = setup_inputs()
    print(jax.jit(kernel)(*tuple(_d.values())))

</pallas_src>

<mosaic_0001>
#map = affine_map<(d0, d1) -> (0, 0, 0)>
#map1 = affine_map<(d0, d1) -> (0, 0)>
module attributes {stable_mosaic.version = 14 : i64} {
  func.func @body(%arg0: i32, %arg1: i32, %arg2: memref<16x2x320xi32, #tpu.memory_space<hbm>>, %arg3: memref<4096x48xf32, #tpu.memory_space<hbm>>, %arg4: memref<32x40x512xi32, #tpu.memory_space<hbm>>, %arg5: memref<32x40x512xi32, #tpu.memory_space<hbm>>, %arg6: memref<640x48xf32, #tpu.memory_space<hbm>>, %arg7: memref<10240x48xf32, #tpu.memory_space<hbm>>, %arg8: memref<2x10240x48xf32, #tpu.memory_space<hbm>>, %arg9: memref<320xi32, #tpu.memory_space<vmem>>, %arg10: memref<320x48xf32, #tpu.memory_space<vmem>>, %arg11: memref<512xi32, #tpu.memory_space<vmem>>, %arg12: memref<512xi32, #tpu.memory_space<vmem>>, %arg13: memref<512xi32, #tpu.memory_space<vmem>>, %arg14: memref<512xi32, #tpu.memory_space<vmem>>, %arg15: memref<512x48xf32, #tpu.memory_space<vmem>>, %arg16: memref<512x48xf32, #tpu.memory_space<vmem>>, %arg17: memref<!tpu.dma_semaphore, #tpu.memory_space<semaphore_mem>>, %arg18: memref<!tpu.dma_semaphore, #tpu.memory_space<semaphore_mem>>, %arg19: memref<!tpu.dma_semaphore, #tpu.memory_space<semaphore_mem>>, %arg20: memref<!tpu.dma_semaphore, #tpu.memory_space<semaphore_mem>>, %arg21: memref<!tpu.dma_semaphore, #tpu.memory_space<semaphore_mem>>, %arg22: memref<10240x48xf32, #tpu.memory_space<vmem_shared>>, %arg23: memref<10240x48xf32, #tpu.memory_space<vmem_shared>>) attributes {dimension_semantics = [#tpu.dimension_semantics<core_parallel>, #tpu.dimension_semantics<subcore_parallel>], iteration_bounds = array<i64: 2, 16>, scalar_prefetch = 0 : i64, scratch_operands = 15 : i64, tpu.core_type = #tpu.core_type<sc_vector_subcore>, window_params = [{transform_indices = #map}, {transform_indices = #map1}, {transform_indices = #map}, {transform_indices = #map}, {transform_indices = #map1}, {transform_indices = #map1}, {transform_indices = #map}]} {
    %mul3A = arith.constant 2 : i32
    %mul3A_0 = arith.muli %arg1, %mul3A : i32
    %add3A = arith.addi %mul3A_0, %arg0 : i32
    %mul3A_1 = arith.constant 640 : i32
    %mul3A_2 = arith.muli %arg1, %mul3A_1 : i32
    "tpu.region"() ({
      %run_scoped3A_79 = tpu.sem_alloc : memref<!tpu.dma_semaphore, #tpu.memory_space<semaphore_mem>>
      %dma_start3A_80 = arith.constant 0 : i32
      %dma_start3A_81 = tpu.memref_slice %arg23[%mul3A_2, %dma_start3A_80] : memref<10240x48xf32, #tpu.memory_space<vmem_shared>> -> memref<640x48xf32, #tpu.memory_space<vmem_shared>>
      tpu.enqueue_dma source(%arg6 : memref<640x48xf32, #tpu.memory_space<hbm>>) target(%dma_start3A_81 : memref<640x48xf32, #tpu.memory_space<vmem_shared>>) target_semaphore(%run_scoped3A_79 : memref<!tpu.dma_semaphore, #tpu.memory_space<semaphore_mem>>)
      %dma_wait3A_82 = arith.constant 0 : i32
      %dma_wait3A_83 = tpu.memref_slice %arg23[%mul3A_2, %dma_wait3A_82] : memref<10240x48xf32, #tpu.memory_space<vmem_shared>> -> memref<640x48xf32, #tpu.memory_space<vmem_shared>>
      tpu.wait_dma2 semaphore(%run_scoped3A_79 : memref<!tpu.dma_semaphore, #tpu.memory_space<semaphore_mem>>) src(%arg6 : memref<640x48xf32, #tpu.memory_space<hbm>>) dst(%dma_wait3A_83 : memref<640x48xf32, #tpu.memory_space<vmem_shared>>)
      tpu.yield
    }) : () -> ()
    %run_scoped3A = arith.constant 0 : i32
    "tpu.region"() ({
      %run_scoped3A_79 = tpu.sem_alloc : memref<!tpu.dma_semaphore, #tpu.memory_space<semaphore_mem>>
      %dma_start3A_80 = arith.constant 0 : i32
      %dma_start3A_81 = tpu.memref_slice %arg2[%arg1, %run_scoped3A, %dma_start3A_80] : memref<16x2x320xi32, #tpu.memory_space<hbm>> -> memref<1x1x320xi32, #tpu.memory_space<hbm>>
      %dma_start3A_82 = tpu.memref_squeeze %dma_start3A_81 : memref<1x1x320xi32, #tpu.memory_space<hbm>> -> memref<320xi32, #tpu.memory_space<hbm>>
      %dma_start3A_83 = arith.constant 0 : i32
      %dma_start3A_84 = tpu.memref_slice %arg2[%arg1, %run_scoped3A, %dma_start3A_83] : memref<16x2x320xi32, #tpu.memory_space<hbm>> -> memref<1x1x320xi32, #tpu.memory_space<hbm>>
      %dma_start3A_85 = tpu.memref_squeeze %dma_start3A_84 : memref<1x1x320xi32, #tpu.memory_space<hbm>> -> memref<320xi32, #tpu.memory_space<hbm>>
      tpu.enqueue_dma source(%dma_start3A_85 : memref<320xi32, #tpu.memory_space<hbm>>) target(%arg9 : memref<320xi32, #tpu.memory_space<vmem>>) target_semaphore(%run_scoped3A_79 : memref<!tpu.dma_semaphore, #tpu.memory_space<semaphore_mem>>)
      %dma_wait3A_86 = arith.constant 0 : i32
      %dma_wait3A_87 = tpu.memref_slice %arg2[%arg1, %run_scoped3A, %dma_wait3A_86] : memref<16x2x320xi32, #tpu.memory_space<hbm>> -> memref<1x1x320xi32, #tpu.memory_space<hbm>>
      %dma_wait3A_88 = tpu.memref_squeeze %dma_wait3A_87 : memref<1x1x320xi32, #tpu.memory_space<hbm>> -> memref<320xi32, #tpu.memory_space<hbm>>
      %dma_wait3A_89 = arith.constant 0 : i32
      %dma_wait3A_90 = tpu.memref_slice %arg2[%arg1, %run_scoped3A, %dma_wait3A_89] : memref<16x2x320xi32, #tpu.memory_space<hbm>> -> memref<1x1x320xi32, #tpu.memory_space<hbm>>
      %dma_wait3A_91 = tpu.memref_squeeze %dma_wait3A_90 : memref<1x1x320xi32, #tpu.memory_space<hbm>> -> memref<320xi32, #tpu.memory_space<hbm>>
      tpu.wait_dma2 semaphore(%run_scoped3A_79 : memref<!tpu.dma_semaphore, #tpu.memory_space<semaphore_mem>>) src(%dma_wait3A_91 : memref<320xi32, #tpu.memory_space<hbm>>) dst(%arg9 : memref<320xi32, #tpu.memory_space<vmem>>)
      tpu.yield
    }) : () -> ()
    %dma_start3A = arith.constant 0 : i32
    %dma_start3A_3 = arith.constant 0 : i32
    %dma_start3A_4 = tpu.memref_slice %arg3[%dma_start3A, %dma_start3A_3] : memref<4096x48xf32, #tpu.memory_space<hbm>> -> memref<4096x48xf32, #tpu.memory_space<hbm>>
    tpu.enqueue_indirect_dma source(%dma_start3A_4 : memref<4096x48xf32, #tpu.memory_space<hbm>>) target(%arg10 : memref<320x48xf32, #tpu.memory_space<vmem>>) offsets(%arg9 : memref<320xi32, #tpu.memory_space<vmem>>) semaphore(%arg17 : memref<!tpu.dma_semaphore, #tpu.memory_space<semaphore_mem>>)
    %dma_wait3A = arith.constant 0 : i32
    %dma_wait3A_5 = arith.constant 0 : i32
    %dma_wait3A_6 = tpu.memref_slice %arg3[%dma_wait3A, %dma_wait3A_5] : memref<4096x48xf32, #tpu.memory_space<hbm>> -> memref<4096x48xf32, #tpu.memory_space<hbm>>
    tpu.wait_indirect_dma semaphore(%arg17 : memref<!tpu.dma_semaphore, #tpu.memory_space<semaphore_mem>>) src(%dma_wait3A_6 : memref<4096x48xf32, #tpu.memory_space<hbm>>) dst(%arg10 : memref<320x48xf32, #tpu.memory_space<vmem>>)
    %mul3A_7 = arith.constant 640 : i32
    %mul3A_8 = arith.muli %arg1, %mul3A_7 : i32
    %add3A_9 = arith.constant 0 : i32
    %add3A_10 = arith.addi %mul3A_8, %add3A_9 : i32
    "tpu.region"() ({
      %run_scoped3A_79 = tpu.sem_alloc : memref<!tpu.dma_semaphore, #tpu.memory_space<semaphore_mem>>
      %dma_start3A_80 = arith.constant 0 : i32
      %dma_start3A_81 = tpu.memref_slice %arg22[%add3A_10, %dma_start3A_80] : memref<10240x48xf32, #tpu.memory_space<vmem_shared>> -> memref<320x48xf32, #tpu.memory_space<vmem_shared>>
      %dma_start3A_82 = arith.constant 0 : i32
      %dma_start3A_83 = tpu.memref_slice %arg22[%add3A_10, %dma_start3A_82] : memref<10240x48xf32, #tpu.memory_space<vmem_shared>> -> memref<320x48xf32, #tpu.memory_space<vmem_shared>>
      tpu.enqueue_dma source(%arg10 : memref<320x48xf32, #tpu.memory_space<vmem>>) target(%dma_start3A_83 : memref<320x48xf32, #tpu.memory_space<vmem_shared>>) target_semaphore(%run_scoped3A_79 : memref<!tpu.dma_semaphore, #tpu.memory_space<semaphore_mem>>)
      %dma_wait3A_84 = arith.constant 0 : i32
      %dma_wait3A_85 = tpu.memref_slice %arg22[%add3A_10, %dma_wait3A_84] : memref<10240x48xf32, #tpu.memory_space<vmem_shared>> -> memref<320x48xf32, #tpu.memory_space<vmem_shared>>
      %dma_wait3A_86 = arith.constant 0 : i32
      %dma_wait3A_87 = tpu.memref_slice %arg22[%add3A_10, %dma_wait3A_86] : memref<10240x48xf32, #tpu.memory_space<vmem_shared>> -> memref<320x48xf32, #tpu.memory_space<vmem_shared>>
      tpu.wait_dma2 semaphore(%run_scoped3A_79 : memref<!tpu.dma_semaphore, #tpu.memory_space<semaphore_mem>>) src(%arg10 : memref<320x48xf32, #tpu.memory_space<vmem>>) dst(%dma_wait3A_87 : memref<320x48xf32, #tpu.memory_space<vmem_shared>>)
      tpu.yield
    }) : () -> ()
    %run_scoped3A_11 = arith.constant 1 : i32
    "tpu.region"() ({
      %run_scoped3A_79 = tpu.sem_alloc : memref<!tpu.dma_semaphore, #tpu.memory_space<semaphore_mem>>
      %dma_start3A_80 = arith.constant 0 : i32
      %dma_start3A_81 = tpu.memref_slice %arg2[%arg1, %run_scoped3A_11, %dma_start3A_80] : memref<16x2x320xi32, #tpu.memory_space<hbm>> -> memref<1x1x320xi32, #tpu.memory_space<hbm>>
      %dma_start3A_82 = tpu.memref_squeeze %dma_start3A_81 : memref<1x1x320xi32, #tpu.memory_space<hbm>> -> memref<320xi32, #tpu.memory_space<hbm>>
      %dma_start3A_83 = arith.constant 0 : i32
      %dma_start3A_84 = tpu.memref_slice %arg2[%arg1, %run_scoped3A_11, %dma_start3A_83] : memref<16x2x320xi32, #tpu.memory_space<hbm>> -> memref<1x1x320xi32, #tpu.memory_space<hbm>>
      %dma_start3A_85 = tpu.memref_squeeze %dma_start3A_84 : memref<1x1x320xi32, #tpu.memory_space<hbm>> -> memref<320xi32, #tpu.memory_space<hbm>>
      tpu.enqueue_dma source(%dma_start3A_85 : memref<320xi32, #tpu.memory_space<hbm>>) target(%arg9 : memref<320xi32, #tpu.memory_space<vmem>>) target_semaphore(%run_scoped3A_79 : memref<!tpu.dma_semaphore, #tpu.memory_space<semaphore_mem>>)
      %dma_wait3A_86 = arith.constant 0 : i32
      %dma_wait3A_87 = tpu.memref_slice %arg2[%arg1, %run_scoped3A_11, %dma_wait3A_86] : memref<16x2x320xi32, #tpu.memory_space<hbm>> -> memref<1x1x320xi32, #tpu.memory_space<hbm>>
      %dma_wait3A_88 = tpu.memref_squeeze %dma_wait3A_87 : memref<1x1x320xi32, #tpu.memory_space<hbm>> -> memref<320xi32, #tpu.memory_space<hbm>>
      %dma_wait3A_89 = arith.constant 0 : i32
      %dma_wait3A_90 = tpu.memref_slice %arg2[%arg1, %run_scoped3A_11, %dma_wait3A_89] : memref<16x2x320xi32, #tpu.memory_space<hbm>> -> memref<1x1x320xi32, #tpu.memory_space<hbm>>
      %dma_wait3A_91 = tpu.memref_squeeze %dma_wait3A_90 : memref<1x1x320xi32, #tpu.memory_space<hbm>> -> memref<320xi32, #tpu.memory_space<hbm>>
      tpu.wait_dma2 semaphore(%run_scoped3A_79 : memref<!tpu.dma_semaphore, #tpu.memory_space<semaphore_mem>>) src(%dma_wait3A_91 : memref<320xi32, #tpu.memory_space<hbm>>) dst(%arg9 : memref<320xi32, #tpu.memory_space<vmem>>)
      tpu.yield
    }) : () -> ()
    %dma_start3A_12 = arith.constant 0 : i32
    %dma_start3A_13 = arith.constant 0 : i32
    %dma_start3A_14 = tpu.memref_slice %arg3[%dma_start3A_12, %dma_start3A_13] : memref<4096x48xf32, #tpu.memory_space<hbm>> -> memref<4096x48xf32, #tpu.memory_space<hbm>>
    tpu.enqueue_indirect_dma source(%dma_start3A_14 : memref<4096x48xf32, #tpu.memory_space<hbm>>) target(%arg10 : memref<320x48xf32, #tpu.memory_space<vmem>>) offsets(%arg9 : memref<320xi32, #tpu.memory_space<vmem>>) semaphore(%arg17 : memref<!tpu.dma_semaphore, #tpu.memory_space<semaphore_mem>>)
    %dma_wait3A_15 = arith.constant 0 : i32
    %dma_wait3A_16 = arith.constant 0 : i32
    %dma_wait3A_17 = tpu.memref_slice %arg3[%dma_wait3A_15, %dma_wait3A_16] : memref<4096x48xf32, #tpu.memory_space<hbm>> -> memref<4096x48xf32, #tpu.memory_space<hbm>>
    tpu.wait_indirect_dma semaphore(%arg17 : memref<!tpu.dma_semaphore, #tpu.memory_space<semaphore_mem>>) src(%dma_wait3A_17 : memref<4096x48xf32, #tpu.memory_space<hbm>>) dst(%arg10 : memref<320x48xf32, #tpu.memory_space<vmem>>)
    %mul3A_18 = arith.constant 640 : i32
    %mul3A_19 = arith.muli %arg1, %mul3A_18 : i32
    %add3A_20 = arith.constant 320 : i32
    %add3A_21 = arith.addi %mul3A_19, %add3A_20 : i32
    "tpu.region"() ({
      %run_scoped3A_79 = tpu.sem_alloc : memref<!tpu.dma_semaphore, #tpu.memory_space<semaphore_mem>>
      %dma_start3A_80 = arith.constant 0 : i32
      %dma_start3A_81 = tpu.memref_slice %arg22[%add3A_21, %dma_start3A_80] : memref<10240x48xf32, #tpu.memory_space<vmem_shared>> -> memref<320x48xf32, #tpu.memory_space<vmem_shared>>
      %dma_start3A_82 = arith.constant 0 : i32
      %dma_start3A_83 = tpu.memref_slice %arg22[%add3A_21, %dma_start3A_82] : memref<10240x48xf32, #tpu.memory_space<vmem_shared>> -> memref<320x48xf32, #tpu.memory_space<vmem_shared>>
      tpu.enqueue_dma source(%arg10 : memref<320x48xf32, #tpu.memory_space<vmem>>) target(%dma_start3A_83 : memref<320x48xf32, #tpu.memory_space<vmem_shared>>) target_semaphore(%run_scoped3A_79 : memref<!tpu.dma_semaphore, #tpu.memory_space<semaphore_mem>>)
      %dma_wait3A_84 = arith.constant 0 : i32
      %dma_wait3A_85 = tpu.memref_slice %arg22[%add3A_21, %dma_wait3A_84] : memref<10240x48xf32, #tpu.memory_space<vmem_shared>> -> memref<320x48xf32, #tpu.memory_space<vmem_shared>>
      %dma_wait3A_86 = arith.constant 0 : i32
      %dma_wait3A_87 = tpu.memref_slice %arg22[%add3A_21, %dma_wait3A_86] : memref<10240x48xf32, #tpu.memory_space<vmem_shared>> -> memref<320x48xf32, #tpu.memory_space<vmem_shared>>
      tpu.wait_dma2 semaphore(%run_scoped3A_79 : memref<!tpu.dma_semaphore, #tpu.memory_space<semaphore_mem>>) src(%arg10 : memref<320x48xf32, #tpu.memory_space<vmem>>) dst(%dma_wait3A_87 : memref<320x48xf32, #tpu.memory_space<vmem_shared>>)
      tpu.yield
    }) : () -> ()
    %eq3A = arith.constant 0 : i32
    %eq3A_22 = arith.cmpi eq, %arg0, %eq3A : i32
    %convert_element_type3A = arith.extui %eq3A_22 : i1 to i32
    %cond3A = arith.constant 0 : i32
    %cond3A_23 = arith.cmpi ne, %convert_element_type3A, %cond3A : i32
    scf.if %cond3A_23 {
      %mul3A_79 = arith.constant 640 : i32
      %mul3A_80 = arith.muli %arg1, %mul3A_79 : i32
      %mul3A_81 = arith.constant 640 : i32
      %mul3A_82 = arith.muli %arg1, %mul3A_81 : i32
      "tpu.region"() ({
        %run_scoped3A_83 = tpu.sem_alloc : memref<!tpu.dma_semaphore, #tpu.memory_space<semaphore_mem>>
        %dma_start3A_84 = arith.constant 0 : i32
        %dma_start3A_85 = tpu.memref_slice %arg7[%mul3A_82, %dma_start3A_84] : memref<10240x48xf32, #tpu.memory_space<hbm>> -> memref<640x48xf32, #tpu.memory_space<hbm>>
        %dma_start3A_86 = arith.constant 0 : i32
        %dma_start3A_87 = tpu.memref_slice %arg22[%mul3A_80, %dma_start3A_86] : memref<10240x48xf32, #tpu.memory_space<vmem_shared>> -> memref<640x48xf32, #tpu.memory_space<vmem_shared>>
        tpu.enqueue_dma source(%dma_start3A_87 : memref<640x48xf32, #tpu.memory_space<vmem_shared>>) target(%dma_start3A_85 : memref<640x48xf32, #tpu.memory_space<hbm>>) target_semaphore(%run_scoped3A_83 : memref<!tpu.dma_semaphore, #tpu.memory_space<semaphore_mem>>)
        %dma_wait3A_88 = arith.constant 0 : i32
        %dma_wait3A_89 = tpu.memref_slice %arg7[%mul3A_82, %dma_wait3A_88] : memref<10240x48xf32, #tpu.memory_space<hbm>> -> memref<640x48xf32, #tpu.memory_space<hbm>>
        %dma_wait3A_90 = arith.constant 0 : i32
        %dma_wait3A_91 = tpu.memref_slice %arg22[%mul3A_80, %dma_wait3A_90] : memref<10240x48xf32, #tpu.memory_space<vmem_shared>> -> memref<640x48xf32, #tpu.memory_space<vmem_shared>>
        tpu.wait_dma2 semaphore(%run_scoped3A_83 : memref<!tpu.dma_semaphore, #tpu.memory_space<semaphore_mem>>) src(%dma_wait3A_91 : memref<640x48xf32, #tpu.memory_space<vmem_shared>>) dst(%dma_wait3A_89 : memref<640x48xf32, #tpu.memory_space<hbm>>)
        tpu.yield
      }) : () -> ()
    } else {
    }
    %barrier3A = arith.constant 0 : index
    tpu.barrier barrier_id(%barrier3A)
    %dma_start3A_24 = arith.constant 0 : i32
    %dma_start3A_25 = arith.constant 0 : i32
    %dma_start3A_26 = tpu.memref_slice %arg4[%add3A, %dma_start3A_24, %dma_start3A_25] : memref<32x40x512xi32, #tpu.memory_space<hbm>> -> memref<1x1x512xi32, #tpu.memory_space<hbm>>
    %dma_start3A_27 = tpu.memref_squeeze %dma_start3A_26 : memref<1x1x512xi32, #tpu.memory_space<hbm>> -> memref<512xi32, #tpu.memory_space<hbm>>
    %dma_start3A_28 = arith.constant 0 : i32
    %dma_start3A_29 = tpu.memref_slice %arg4[%add3A, %dma_start3A_24, %dma_start3A_28] : memref<32x40x512xi32, #tpu.memory_space<hbm>> -> memref<1x1x512xi32, #tpu.memory_space<hbm>>
    %dma_start3A_30 = tpu.memref_squeeze %dma_start3A_29 : memref<1x1x512xi32, #tpu.memory_space<hbm>> -> memref<512xi32, #tpu.memory_space<hbm>>
    tpu.enqueue_dma source(%dma_start3A_30 : memref<512xi32, #tpu.memory_space<hbm>>) target(%arg11 : memref<512xi32, #tpu.memory_space<vmem>>) target_semaphore(%arg18 : memref<!tpu.dma_semaphore, #tpu.memory_space<semaphore_mem>>)
    %dma_start3A_31 = arith.constant 0 : i32
    %dma_start3A_32 = arith.constant 0 : i32
    %dma_start3A_33 = tpu.memref_slice %arg5[%add3A, %dma_start3A_31, %dma_start3A_32] : memref<32x40x512xi32, #tpu.memory_space<hbm>> -> memref<1x1x512xi32, #tpu.memory_space<hbm>>
    %dma_start3A_34 = tpu.memref_squeeze %dma_start3A_33 : memref<1x1x512xi32, #tpu.memory_space<hbm>> -> memref<512xi32, #tpu.memory_space<hbm>>
    %dma_start3A_35 = arith.constant 0 : i32
    %dma_start3A_36 = tpu.memref_slice %arg5[%add3A, %dma_start3A_31, %dma_start3A_35] : memref<32x40x512xi32, #tpu.memory_space<hbm>> -> memref<1x1x512xi32, #tpu.memory_space<hbm>>
    %dma_start3A_37 = tpu.memref_squeeze %dma_start3A_36 : memref<1x1x512xi32, #tpu.memory_space<hbm>> -> memref<512xi32, #tpu.memory_space<hbm>>
    tpu.enqueue_dma source(%dma_start3A_37 : memref<512xi32, #tpu.memory_space<hbm>>) target(%arg13 : memref<512xi32, #tpu.memory_space<vmem>>) target_semaphore(%arg18 : memref<!tpu.dma_semaphore, #tpu.memory_space<semaphore_mem>>)
    %dma_start3A_38 = arith.constant 1 : i32
    %dma_start3A_39 = arith.constant 0 : i32
    %dma_start3A_40 = tpu.memref_slice %arg4[%add3A, %dma_start3A_38, %dma_start3A_39] : memref<32x40x512xi32, #tpu.memory_space<hbm>> -> memref<1x1x512xi32, #tpu.memory_space<hbm>>
    %dma_start3A_41 = tpu.memref_squeeze %dma_start3A_40 : memref<1x1x512xi32, #tpu.memory_space<hbm>> -> memref<512xi32, #tpu.memory_space<hbm>>
    %dma_start3A_42 = arith.constant 0 : i32
    %dma_start3A_43 = tpu.memref_slice %arg4[%add3A, %dma_start3A_38, %dma_start3A_42] : memref<32x40x512xi32, #tpu.memory_space<hbm>> -> memref<1x1x512xi32, #tpu.memory_space<hbm>>
    %dma_start3A_44 = tpu.memref_squeeze %dma_start3A_43 : memref<1x1x512xi32, #tpu.memory_space<hbm>> -> memref<512xi32, #tpu.memory_space<hbm>>
    tpu.enqueue_dma source(%dma_start3A_44 : memref<512xi32, #tpu.memory_space<hbm>>) target(%arg12 : memref<512xi32, #tpu.memory_space<vmem>>) target_semaphore(%arg19 : memref<!tpu.dma_semaphore, #tpu.memory_space<semaphore_mem>>)
    %dma_start3A_45 = arith.constant 1 : i32
    %dma_start3A_46 = arith.constant 0 : i32
    %dma_start3A_47 = tpu.memref_slice %arg5[%add3A, %dma_start3A_45, %dma_start3A_46] : memref<32x40x512xi32, #tpu.memory_space<hbm>> -> memref<1x1x512xi32, #tpu.memory_space<hbm>>
    %dma_start3A_48 = tpu.memref_squeeze %dma_start3A_47 : memref<1x1x512xi32, #tpu.memory_space<hbm>> -> memref<512xi32, #tpu.memory_space<hbm>>
    %dma_start3A_49 = arith.constant 0 : i32
    %dma_start3A_50 = tpu.memref_slice %arg5[%add3A, %dma_start3A_45, %dma_start3A_49] : memref<32x40x512xi32, #tpu.memory_space<hbm>> -> memref<1x1x512xi32, #tpu.memory_space<hbm>>
    %dma_start3A_51 = tpu.memref_squeeze %dma_start3A_50 : memref<1x1x512xi32, #tpu.memory_space<hbm>> -> memref<512xi32, #tpu.memory_space<hbm>>
    tpu.enqueue_dma source(%dma_start3A_51 : memref<512xi32, #tpu.memory_space<hbm>>) target(%arg14 : memref<512xi32, #tpu.memory_space<vmem>>) target_semaphore(%arg19 : memref<!tpu.dma_semaphore, #tpu.memory_space<semaphore_mem>>)
    %dma_wait3A_52 = arith.constant 0 : i32
    %dma_wait3A_53 = arith.constant 0 : i32
    %dma_wait3A_54 = tpu.memref_slice %arg4[%add3A, %dma_wait3A_52, %dma_wait3A_53] : memref<32x40x512xi32, #tpu.memory_space<hbm>> -> memref<1x1x512xi32, #tpu.memory_space<hbm>>
    %dma_wait3A_55 = tpu.memref_squeeze %dma_wait3A_54 : memref<1x1x512xi32, #tpu.memory_space<hbm>> -> memref<512xi32, #tpu.memory_space<hbm>>
    %dma_wait3A_56 = arith.constant 0 : i32
    %dma_wait3A_57 = tpu.memref_slice %arg4[%add3A, %dma_wait3A_52, %dma_wait3A_56] : memref<32x40x512xi32, #tpu.memory_space<hbm>> -> memref<1x1x512xi32, #tpu.memory_space<hbm>>
    %dma_wait3A_58 = tpu.memref_squeeze %dma_wait3A_57 : memref<1x1x512xi32, #tpu.memory_space<hbm>> -> memref<512xi32, #tpu.memory_space<hbm>>
    tpu.wait_dma2 semaphore(%arg18 : memref<!tpu.dma_semaphore, #tpu.memory_space<semaphore_mem>>) src(%dma_wait3A_58 : memref<512xi32, #tpu.memory_space<hbm>>) dst(%arg11 : memref<512xi32, #tpu.memory_space<vmem>>)
    %dma_wait3A_59 = arith.constant 0 : i32
    %dma_wait3A_60 = arith.constant 0 : i32
    %dma_wait3A_61 = tpu.memref_slice %arg5[%add3A, %dma_wait3A_59, %dma_wait3A_60] : memref<32x40x512xi32, #tpu.memory_space<hbm>> -> memref<1x1x512xi32, #tpu.memory_space<hbm>>
    %dma_wait3A_62 = tpu.memref_squeeze %dma_wait3A_61 : memref<1x1x512xi32, #tpu.memory_space<hbm>> -> memref<512xi32, #tpu.memory_space<hbm>>
    %dma_wait3A_63 = arith.constant 0 : i32
    %dma_wait3A_64 = tpu.memref_slice %arg5[%add3A, %dma_wait3A_59, %dma_wait3A_63] : memref<32x40x512xi32, #tpu.memory_space<hbm>> -> memref<1x1x512xi32, #tpu.memory_space<hbm>>
    %dma_wait3A_65 = tpu.memref_squeeze %dma_wait3A_64 : memref<1x1x512xi32, #tpu.memory_space<hbm>> -> memref<512xi32, #tpu.memory_space<hbm>>
    tpu.wait_dma2 semaphore(%arg18 : memref<!tpu.dma_semaphore, #tpu.memory_space<semaphore_mem>>) src(%dma_wait3A_65 : memref<512xi32, #tpu.memory_space<hbm>>) dst(%arg13 : memref<512xi32, #tpu.memory_space<vmem>>)
    %dma_start3A_66 = arith.constant 0 : i32
    %dma_start3A_67 = arith.constant 0 : i32
    %dma_start3A_68 = tpu.memref_slice %arg22[%dma_start3A_66, %dma_start3A_67] : memref<10240x48xf32, #tpu.memory_space<vmem_shared>> -> memref<10240x48xf32, #tpu.memory_space<vmem_shared>>
    tpu.enqueue_indirect_dma source(%dma_start3A_68 : memref<10240x48xf32, #tpu.memory_space<vmem_shared>>) target(%arg15 : memref<512x48xf32, #tpu.memory_space<vmem>>) offsets(%arg11 : memref<512xi32, #tpu.memory_space<vmem>>) semaphore(%arg20 : memref<!tpu.dma_semaphore, #tpu.memory_space<semaphore_mem>>)
    %scan3A = arith.constant 0 : i32
    %scan3A_69 = arith.constant 0 : i32
    %scan3A_70 = arith.constant 20 : i32
    %scan3A_71 = arith.addi %scan3A_69, %scan3A_70 : i32
    %scan3A_72 = arith.constant 1 : i32
    scf.for %scan3A_79 = %scan3A_69 to %scan3A_71 step %scan3A_72  : i32 {
      %mul3A_80 = arith.constant 2 : i32
      %mul3A_81 = arith.muli %scan3A_79, %mul3A_80 : i32
      %add3A_82 = arith.constant 0 : i32
      %add3A_83 = arith.addi %mul3A_81, %add3A_82 : i32
      %add3A_84 = arith.constant 1 : i32
      %add3A_85 = arith.addi %add3A_83, %add3A_84 : i32
      %lt3A = arith.constant 40 : i32
      %lt3A_86 = arith.cmpi slt, %add3A_85, %lt3A : i32
      %convert_element_type3A_87 = arith.extui %lt3A_86 : i1 to i32
      %cond3A_88 = arith.constant 0 : i32
      %cond3A_89 = arith.cmpi ne, %convert_element_type3A_87, %cond3A_88 : i32
      scf.if %cond3A_89 {
        %dma_wait3A_121 = arith.constant 0 : i32
        %dma_wait3A_122 = arith.constant 0 : i32
        %dma_wait3A_123 = tpu.memref_slice %arg4[%add3A, %dma_wait3A_121, %dma_wait3A_122] : memref<32x40x512xi32, #tpu.memory_space<hbm>> -> memref<1x1x512xi32, #tpu.memory_space<hbm>>
        %dma_wait3A_124 = tpu.memref_squeeze %dma_wait3A_123 : memref<1x1x512xi32, #tpu.memory_space<hbm>> -> memref<512xi32, #tpu.memory_space<hbm>>
        %dma_wait3A_125 = arith.constant 0 : i32
        %dma_wait3A_126 = tpu.memref_slice %arg4[%add3A, %dma_wait3A_121, %dma_wait3A_125] : memref<32x40x512xi32, #tpu.memory_space<hbm>> -> memref<1x1x512xi32, #tpu.memory_space<hbm>>
        %dma_wait3A_127 = tpu.memref_squeeze %dma_wait3A_126 : memref<1x1x512xi32, #tpu.memory_space<hbm>> -> memref<512xi32, #tpu.memory_space<hbm>>
        tpu.wait_dma2 semaphore(%arg19 : memref<!tpu.dma_semaphore, #tpu.memory_space<semaphore_mem>>) src(%dma_wait3A_127 : memref<512xi32, #tpu.memory_space<hbm>>) dst(%arg12 : memref<512xi32, #tpu.memory_space<vmem>>)
        %dma_wait3A_128 = arith.constant 0 : i32
        %dma_wait3A_129 = arith.constant 0 : i32
        %dma_wait3A_130 = tpu.memref_slice %arg5[%add3A, %dma_wait3A_128, %dma_wait3A_129] : memref<32x40x512xi32, #tpu.memory_space<hbm>> -> memref<1x1x512xi32, #tpu.memory_space<hbm>>
        %dma_wait3A_131 = tpu.memref_squeeze %dma_wait3A_130 : memref<1x1x512xi32, #tpu.memory_space<hbm>> -> memref<512xi32, #tpu.memory_space<hbm>>
        %dma_wait3A_132 = arith.constant 0 : i32
        %dma_wait3A_133 = tpu.memref_slice %arg5[%add3A, %dma_wait3A_128, %dma_wait3A_132] : memref<32x40x512xi32, #tpu.memory_space<hbm>> -> memref<1x1x512xi32, #tpu.memory_space<hbm>>
        %dma_wait3A_134 = tpu.memref_squeeze %dma_wait3A_133 : memref<1x1x512xi32, #tpu.memory_space<hbm>> -> memref<512xi32, #tpu.memory_space<hbm>>
        tpu.wait_dma2 semaphore(%arg19 : memref<!tpu.dma_semaphore, #tpu.memory_space<semaphore_mem>>) src(%dma_wait3A_134 : memref<512xi32, #tpu.memory_space<hbm>>) dst(%arg14 : memref<512xi32, #tpu.memory_space<vmem>>)
        %dma_start3A_135 = arith.constant 0 : i32
        %dma_start3A_136 = arith.constant 0 : i32
        %dma_start3A_137 = tpu.memref_slice %arg22[%dma_start3A_135, %dma_start3A_136] : memref<10240x48xf32, #tpu.memory_space<vmem_shared>> -> memref<10240x48xf32, #tpu.memory_space<vmem_shared>>
        tpu.enqueue_indirect_dma source(%dma_start3A_137 : memref<10240x48xf32, #tpu.memory_space<vmem_shared>>) target(%arg16 : memref<512x48xf32, #tpu.memory_space<vmem>>) offsets(%arg12 : memref<512xi32, #tpu.memory_space<vmem>>) semaphore(%arg21 : memref<!tpu.dma_semaphore, #tpu.memory_space<semaphore_mem>>)
      } else {
      }
      %dma_wait3A_90 = arith.constant 0 : i32
      %dma_wait3A_91 = arith.constant 0 : i32
      %dma_wait3A_92 = tpu.memref_slice %arg22[%dma_wait3A_90, %dma_wait3A_91] : memref<10240x48xf32, #tpu.memory_space<vmem_shared>> -> memref<10240x48xf32, #tpu.memory_space<vmem_shared>>
      tpu.wait_indirect_dma semaphore(%arg20 : memref<!tpu.dma_semaphore, #tpu.memory_space<semaphore_mem>>) src(%dma_wait3A_92 : memref<10240x48xf32, #tpu.memory_space<vmem_shared>>) dst(%arg15 : memref<512x48xf32, #tpu.memory_space<vmem>>)
      "tpu.region"() ({
        %run_scoped3A_121 = tpu.sem_alloc : memref<!tpu.dma_semaphore, #tpu.memory_space<semaphore_mem>>
        %dma_start3A_122 = arith.constant 0 : i32
        %dma_start3A_123 = arith.constant 0 : i32
        %dma_start3A_124 = tpu.memref_slice %arg23[%dma_start3A_122, %dma_start3A_123] : memref<10240x48xf32, #tpu.memory_space<vmem_shared>> -> memref<10240x48xf32, #tpu.memory_space<vmem_shared>>
        tpu.enqueue_indirect_dma source(%arg15 : memref<512x48xf32, #tpu.memory_space<vmem>>) target(%dma_start3A_124 : memref<10240x48xf32, #tpu.memory_space<vmem_shared>>) offsets(%arg13 : memref<512xi32, #tpu.memory_space<vmem>>) semaphore(%run_scoped3A_121 : memref<!tpu.dma_semaphore, #tpu.memory_space<semaphore_mem>>) {add = true}
        %dma_wait3A_125 = arith.constant 0 : i32
        %dma_wait3A_126 = arith.constant 0 : i32
        %dma_wait3A_127 = tpu.memref_slice %arg23[%dma_wait3A_125, %dma_wait3A_126] : memref<10240x48xf32, #tpu.memory_space<vmem_shared>> -> memref<10240x48xf32, #tpu.memory_space<vmem_shared>>
        tpu.wait_indirect_dma semaphore(%run_scoped3A_121 : memref<!tpu.dma_semaphore, #tpu.memory_space<semaphore_mem>>) src(%arg15 : memref<512x48xf32, #tpu.memory_space<vmem>>) dst(%dma_wait3A_127 : memref<10240x48xf32, #tpu.memory_space<vmem_shared>>)
        tpu.yield
      }) : () -> ()
      %add3A_93 = arith.constant 2 : i32
      %add3A_94 = arith.addi %add3A_83, %add3A_93 : i32
      %lt3A_95 = arith.constant 40 : i32
      %lt3A_96 = arith.cmpi slt, %add3A_94, %lt3A_95 : i32
      %convert_element_type3A_97 = arith.extui %lt3A_96 : i1 to i32
      %cond3A_98 = arith.constant 0 : i32
      %cond3A_99 = arith.cmpi ne, %convert_element_type3A_97, %cond3A_98 : i32
      scf.if %cond3A_99 {
        %add3A_121 = arith.constant 2 : i32
        %add3A_122 = arith.addi %add3A_83, %add3A_121 : i32
        %dma_start3A_123 = arith.constant 0 : i32
        %dma_start3A_124 = tpu.memref_slice %arg4[%add3A, %add3A_122, %dma_start3A_123] : memref<32x40x512xi32, #tpu.memory_space<hbm>> -> memref<1x1x512xi32, #tpu.memory_space<hbm>>
        %dma_start3A_125 = tpu.memref_squeeze %dma_start3A_124 : memref<1x1x512xi32, #tpu.memory_space<hbm>> -> memref<512xi32, #tpu.memory_space<hbm>>
        %dma_start3A_126 = arith.constant 0 : i32
        %dma_start3A_127 = tpu.memref_slice %arg4[%add3A, %add3A_122, %dma_start3A_126] : memref<32x40x512xi32, #tpu.memory_space<hbm>> -> memref<1x1x512xi32, #tpu.memory_space<hbm>>
        %dma_start3A_128 = tpu.memref_squeeze %dma_start3A_127 : memref<1x1x512xi32, #tpu.memory_space<hbm>> -> memref<512xi32, #tpu.memory_space<hbm>>
        tpu.enqueue_dma source(%dma_start3A_128 : memref<512xi32, #tpu.memory_space<hbm>>) target(%arg11 : memref<512xi32, #tpu.memory_space<vmem>>) target_semaphore(%arg18 : memref<!tpu.dma_semaphore, #tpu.memory_space<semaphore_mem>>)
        %dma_start3A_129 = arith.constant 0 : i32
        %dma_start3A_130 = tpu.memref_slice %arg5[%add3A, %add3A_122, %dma_start3A_129] : memref<32x40x512xi32, #tpu.memory_space<hbm>> -> memref<1x1x512xi32, #tpu.memory_space<hbm>>
        %dma_start3A_131 = tpu.memref_squeeze %dma_start3A_130 : memref<1x1x512xi32, #tpu.memory_space<hbm>> -> memref<512xi32, #tpu.memory_space<hbm>>
        %dma_start3A_132 = arith.constant 0 : i32
        %dma_start3A_133 = tpu.memref_slice %arg5[%add3A, %add3A_122, %dma_start3A_132] : memref<32x40x512xi32, #tpu.memory_space<hbm>> -> memref<1x1x512xi32, #tpu.memory_space<hbm>>
        %dma_start3A_134 = tpu.memref_squeeze %dma_start3A_133 : memref<1x1x512xi32, #tpu.memory_space<hbm>> -> memref<512xi32, #tpu.memory_space<hbm>>
        tpu.enqueue_dma source(%dma_start3A_134 : memref<512xi32, #tpu.memory_space<hbm>>) target(%arg13 : memref<512xi32, #tpu.memory_space<vmem>>) target_semaphore(%arg18 : memref<!tpu.dma_semaphore, #tpu.memory_space<semaphore_mem>>)
      } else {
      }
      %mul3A_100 = arith.constant 2 : i32
      %mul3A_101 = arith.muli %scan3A_79, %mul3A_100 : i32
      %add3A_102 = arith.constant 1 : i32
      %add3A_103 = arith.addi %mul3A_101, %add3A_102 : i32
      %add3A_104 = arith.constant 1 : i32
      %add3A_105 = arith.addi %add3A_103, %add3A_104 : i32
      %lt3A_106 = arith.constant 40 : i32
      %lt3A_107 = arith.cmpi slt, %add3A_105, %lt3A_106 : i32
      %convert_element_type3A_108 = arith.extui %lt3A_107 : i1 to i32
      %cond3A_109 = arith.constant 0 : i32
      %cond3A_110 = arith.cmpi ne, %convert_element_type3A_108, %cond3A_109 : i32
      scf.if %cond3A_110 {
        %dma_wait3A_121 = arith.constant 0 : i32
        %dma_wait3A_122 = arith.constant 0 : i32
        %dma_wait3A_123 = tpu.memref_slice %arg4[%add3A, %dma_wait3A_121, %dma_wait3A_122] : memref<32x40x512xi32, #tpu.memory_space<hbm>> -> memref<1x1x512xi32, #tpu.memory_space<hbm>>
        %dma_wait3A_124 = tpu.memref_squeeze %dma_wait3A_123 : memref<1x1x512xi32, #tpu.memory_space<hbm>> -> memref<512xi32, #tpu.memory_space<hbm>>
        %dma_wait3A_125 = arith.constant 0 : i32
        %dma_wait3A_126 = tpu.memref_slice %arg4[%add3A, %dma_wait3A_121, %dma_wait3A_125] : memref<32x40x512xi32, #tpu.memory_space<hbm>> -> memref<1x1x512xi32, #tpu.memory_space<hbm>>
        %dma_wait3A_127 = tpu.memref_squeeze %dma_wait3A_126 : memref<1x1x512xi32, #tpu.memory_space<hbm>> -> memref<512xi32, #tpu.memory_space<hbm>>
        tpu.wait_dma2 semaphore(%arg18 : memref<!tpu.dma_semaphore, #tpu.memory_space<semaphore_mem>>) src(%dma_wait3A_127 : memref<512xi32, #tpu.memory_space<hbm>>) dst(%arg11 : memref<512xi32, #tpu.memory_space<vmem>>)
        %dma_wait3A_128 = arith.constant 0 : i32
        %dma_wait3A_129 = arith.constant 0 : i32
        %dma_wait3A_130 = tpu.memref_slice %arg5[%add3A, %dma_wait3A_128, %dma_wait3A_129] : memref<32x40x512xi32, #tpu.memory_space<hbm>> -> memref<1x1x512xi32, #tpu.memory_space<hbm>>
        %dma_wait3A_131 = tpu.memref_squeeze %dma_wait3A_130 : memref<1x1x512xi32, #tpu.memory_space<hbm>> -> memref<512xi32, #tpu.memory_space<hbm>>
        %dma_wait3A_132 = arith.constant 0 : i32
        %dma_wait3A_133 = tpu.memref_slice %arg5[%add3A, %dma_wait3A_128, %dma_wait3A_132] : memref<32x40x512xi32, #tpu.memory_space<hbm>> -> memref<1x1x512xi32, #tpu.memory_space<hbm>>
        %dma_wait3A_134 = tpu.memref_squeeze %dma_wait3A_133 : memref<1x1x512xi32, #tpu.memory_space<hbm>> -> memref<512xi32, #tpu.memory_space<hbm>>
        tpu.wait_dma2 semaphore(%arg18 : memref<!tpu.dma_semaphore, #tpu.memory_space<semaphore_mem>>) src(%dma_wait3A_134 : memref<512xi32, #tpu.memory_space<hbm>>) dst(%arg13 : memref<512xi32, #tpu.memory_space<vmem>>)
        %dma_start3A_135 = arith.constant 0 : i32
        %dma_start3A_136 = arith.constant 0 : i32
        %dma_start3A_137 = tpu.memref_slice %arg22[%dma_start3A_135, %dma_start3A_136] : memref<10240x48xf32, #tpu.memory_space<vmem_shared>> -> memref<10240x48xf32, #tpu.memory_space<vmem_shared>>
        tpu.enqueue_indirect_dma source(%dma_start3A_137 : memref<10240x48xf32, #tpu.memory_space<vmem_shared>>) target(%arg15 : memref<512x48xf32, #tpu.memory_space<vmem>>) offsets(%arg11 : memref<512xi32, #tpu.memory_space<vmem>>) semaphore(%arg20 : memref<!tpu.dma_semaphore, #tpu.memory_space<semaphore_mem>>)
      } else {
      }
      %dma_wait3A_111 = arith.constant 0 : i32
      %dma_wait3A_112 = arith.constant 0 : i32
      %dma_wait3A_113 = tpu.memref_slice %arg22[%dma_wait3A_111, %dma_wait3A_112] : memref<10240x48xf32, #tpu.memory_space<vmem_shared>> -> memref<10240x48xf32, #tpu.memory_space<vmem_shared>>
      tpu.wait_indirect_dma semaphore(%arg21 : memref<!tpu.dma_semaphore, #tpu.memory_space<semaphore_mem>>) src(%dma_wait3A_113 : memref<10240x48xf32, #tpu.memory_space<vmem_shared>>) dst(%arg16 : memref<512x48xf32, #tpu.memory_space<vmem>>)
      "tpu.region"() ({
        %run_scoped3A_121 = tpu.sem_alloc : memref<!tpu.dma_semaphore, #tpu.memory_space<semaphore_mem>>
        %dma_start3A_122 = arith.constant 0 : i32
        %dma_start3A_123 = arith.constant 0 : i32
        %dma_start3A_124 = tpu.memref_slice %arg23[%dma_start3A_122, %dma_start3A_123] : memref<10240x48xf32, #tpu.memory_space<vmem_shared>> -> memref<10240x48xf32, #tpu.memory_space<vmem_shared>>
        tpu.enqueue_indirect_dma source(%arg16 : memref<512x48xf32, #tpu.memory_space<vmem>>) target(%dma_start3A_124 : memref<10240x48xf32, #tpu.memory_space<vmem_shared>>) offsets(%arg14 : memref<512xi32, #tpu.memory_space<vmem>>) semaphore(%run_scoped3A_121 : memref<!tpu.dma_semaphore, #tpu.memory_space<semaphore_mem>>) {add = true}
        %dma_wait3A_125 = arith.constant 0 : i32
        %dma_wait3A_126 = arith.constant 0 : i32
        %dma_wait3A_127 = tpu.memref_slice %arg23[%dma_wait3A_125, %dma_wait3A_126] : memref<10240x48xf32, #tpu.memory_space<vmem_shared>> -> memref<10240x48xf32, #tpu.memory_space<vmem_shared>>
        tpu.wait_indirect_dma semaphore(%run_scoped3A_121 : memref<!tpu.dma_semaphore, #tpu.memory_space<semaphore_mem>>) src(%arg16 : memref<512x48xf32, #tpu.memory_space<vmem>>) dst(%dma_wait3A_127 : memref<10240x48xf32, #tpu.memory_space<vmem_shared>>)
        tpu.yield
      }) : () -> ()
      %add3A_114 = arith.constant 2 : i32
      %add3A_115 = arith.addi %add3A_103, %add3A_114 : i32
      %lt3A_116 = arith.constant 40 : i32
      %lt3A_117 = arith.cmpi slt, %add3A_115, %lt3A_116 : i32
      %convert_element_type3A_118 = arith.extui %lt3A_117 : i1 to i32
      %cond3A_119 = arith.constant 0 : i32
      %cond3A_120 = arith.cmpi ne, %convert_element_type3A_118, %cond3A_119 : i32
      scf.if %cond3A_120 {
        %add3A_121 = arith.constant 2 : i32
        %add3A_122 = arith.addi %add3A_103, %add3A_121 : i32
        %dma_start3A_123 = arith.constant 0 : i32
        %dma_start3A_124 = tpu.memref_slice %arg4[%add3A, %add3A_122, %dma_start3A_123] : memref<32x40x512xi32, #tpu.memory_space<hbm>> -> memref<1x1x512xi32, #tpu.memory_space<hbm>>
        %dma_start3A_125 = tpu.memref_squeeze %dma_start3A_124 : memref<1x1x512xi32, #tpu.memory_space<hbm>> -> memref<512xi32, #tpu.memory_space<hbm>>
        %dma_start3A_126 = arith.constant 0 : i32
        %dma_start3A_127 = tpu.memref_slice %arg4[%add3A, %add3A_122, %dma_start3A_126] : memref<32x40x512xi32, #tpu.memory_space<hbm>> -> memref<1x1x512xi32, #tpu.memory_space<hbm>>
        %dma_start3A_128 = tpu.memref_squeeze %dma_start3A_127 : memref<1x1x512xi32, #tpu.memory_space<hbm>> -> memref<512xi32, #tpu.memory_space<hbm>>
        tpu.enqueue_dma source(%dma_start3A_128 : memref<512xi32, #tpu.memory_space<hbm>>) target(%arg12 : memref<512xi32, #tpu.memory_space<vmem>>) target_semaphore(%arg19 : memref<!tpu.dma_semaphore, #tpu.memory_space<semaphore_mem>>)
        %dma_start3A_129 = arith.constant 0 : i32
        %dma_start3A_130 = tpu.memref_slice %arg5[%add3A, %add3A_122, %dma_start3A_129] : memref<32x40x512xi32, #tpu.memory_space<hbm>> -> memref<1x1x512xi32, #tpu.memory_space<hbm>>
        %dma_start3A_131 = tpu.memref_squeeze %dma_start3A_130 : memref<1x1x512xi32, #tpu.memory_space<hbm>> -> memref<512xi32, #tpu.memory_space<hbm>>
        %dma_start3A_132 = arith.constant 0 : i32
        %dma_start3A_133 = tpu.memref_slice %arg5[%add3A, %add3A_122, %dma_start3A_132] : memref<32x40x512xi32, #tpu.memory_space<hbm>> -> memref<1x1x512xi32, #tpu.memory_space<hbm>>
        %dma_start3A_134 = tpu.memref_squeeze %dma_start3A_133 : memref<1x1x512xi32, #tpu.memory_space<hbm>> -> memref<512xi32, #tpu.memory_space<hbm>>
        tpu.enqueue_dma source(%dma_start3A_134 : memref<512xi32, #tpu.memory_space<hbm>>) target(%arg14 : memref<512xi32, #tpu.memory_space<vmem>>) target_semaphore(%arg19 : memref<!tpu.dma_semaphore, #tpu.memory_space<semaphore_mem>>)
      } else {
      }
    }
    %scan3A_73 = arith.constant 20 : i32
    %barrier3A_74 = arith.constant 0 : index
    tpu.barrier barrier_id(%barrier3A_74)
    %mul3A_75 = arith.constant 640 : i32
    %mul3A_76 = arith.muli %arg1, %mul3A_75 : i32
    %mul3A_77 = arith.constant 640 : i32
    %mul3A_78 = arith.muli %arg1, %mul3A_77 : i32
    "tpu.region"() ({
      %run_scoped3A_79 = tpu.sem_alloc : memref<!tpu.dma_semaphore, #tpu.memory_space<semaphore_mem>>
      %dma_start3A_80 = arith.constant 0 : i32
      %dma_start3A_81 = arith.constant 0 : i32
      %dma_start3A_82 = tpu.memref_slice %arg8[%arg0, %dma_start3A_80, %dma_start3A_81] : memref<2x10240x48xf32, #tpu.memory_space<hbm>> -> memref<1x10240x48xf32, #tpu.memory_space<hbm>>
      %dma_start3A_83 = tpu.memref_squeeze %dma_start3A_82 : memref<1x10240x48xf32, #tpu.memory_space<hbm>> -> memref<10240x48xf32, #tpu.memory_space<hbm>>
      %dma_start3A_84 = arith.constant 0 : i32
      %dma_start3A_85 = tpu.memref_slice %dma_start3A_83[%mul3A_78, %dma_start3A_84] : memref<10240x48xf32, #tpu.memory_space<hbm>> -> memref<640x48xf32, #tpu.memory_space<hbm>>
      %dma_start3A_86 = arith.constant 0 : i32
      %dma_start3A_87 = tpu.memref_slice %arg23[%mul3A_76, %dma_start3A_86] : memref<10240x48xf32, #tpu.memory_space<vmem_shared>> -> memref<640x48xf32, #tpu.memory_space<vmem_shared>>
      tpu.enqueue_dma source(%dma_start3A_87 : memref<640x48xf32, #tpu.memory_space<vmem_shared>>) target(%dma_start3A_85 : memref<640x48xf32, #tpu.memory_space<hbm>>) target_semaphore(%run_scoped3A_79 : memref<!tpu.dma_semaphore, #tpu.memory_space<semaphore_mem>>)
      %dma_wait3A_88 = arith.constant 0 : i32
      %dma_wait3A_89 = arith.constant 0 : i32
      %dma_wait3A_90 = tpu.memref_slice %arg8[%arg0, %dma_wait3A_88, %dma_wait3A_89] : memref<2x10240x48xf32, #tpu.memory_space<hbm>> -> memref<1x10240x48xf32, #tpu.memory_space<hbm>>
      %dma_wait3A_91 = tpu.memref_squeeze %dma_wait3A_90 : memref<1x10240x48xf32, #tpu.memory_space<hbm>> -> memref<10240x48xf32, #tpu.memory_space<hbm>>
      %dma_wait3A_92 = arith.constant 0 : i32
      %dma_wait3A_93 = tpu.memref_slice %dma_wait3A_91[%mul3A_78, %dma_wait3A_92] : memref<10240x48xf32, #tpu.memory_space<hbm>> -> memref<640x48xf32, #tpu.memory_space<hbm>>
      %dma_wait3A_94 = arith.constant 0 : i32
      %dma_wait3A_95 = tpu.memref_slice %arg23[%mul3A_76, %dma_wait3A_94] : memref<10240x48xf32, #tpu.memory_space<vmem_shared>> -> memref<640x48xf32, #tpu.memory_space<vmem_shared>>
      tpu.wait_dma2 semaphore(%run_scoped3A_79 : memref<!tpu.dma_semaphore, #tpu.memory_space<semaphore_mem>>) src(%dma_wait3A_95 : memref<640x48xf32, #tpu.memory_space<vmem_shared>>) dst(%dma_wait3A_93 : memref<640x48xf32, #tpu.memory_space<hbm>>)
      tpu.yield
    }) : () -> ()
    return
  }
}

#map = affine_map<(d0, d1) -> (0, 0, 0)>
#map1 = affine_map<(d0, d1) -> (0, 0)>
module attributes {stable_mosaic.version = 14 : i64} {
  func.func @body(%arg0: i32, %arg1: i32, %arg2: memref<16x2x320xi32, #tpu.memory_space<hbm>>, %arg3: memref<4096x48xf32, #tpu.memory_space<hbm>>, %arg4: memref<32x40x512xi32, #tpu.memory_space<hbm>>, %arg5: memref<32x40x512xi32, #tpu.memory_space<hbm>>, %arg6: memref<640x48xf32, #tpu.memory_space<hbm>>, %arg7: memref<10240x48xf32, #tpu.memory_space<hbm>>, %arg8: memref<2x10240x48xf32, #tpu.memory_space<hbm>>, %arg9: memref<320xi32, #tpu.memory_space<vmem>>, %arg10: memref<320x48xf32, #tpu.memory_space<vmem>>, %arg11: memref<512xi32, #tpu.memory_space<vmem>>, %arg12: memref<512xi32, #tpu.memory_space<vmem>>, %arg13: memref<512xi32, #tpu.memory_space<vmem>>, %arg14: memref<512xi32, #tpu.memory_space<vmem>>, %arg15: memref<512x48xf32, #tpu.memory_space<vmem>>, %arg16: memref<512x48xf32, #tpu.memory_space<vmem>>, %arg17: memref<!tpu.dma_semaphore, #tpu.memory_space<semaphore_mem>>, %arg18: memref<!tpu.dma_semaphore, #tpu.memory_space<semaphore_mem>>, %arg19: memref<!tpu.dma_semaphore, #tpu.memory_space<semaphore_mem>>, %arg20: memref<!tpu.dma_semaphore, #tpu.memory_space<semaphore_mem>>, %arg21: memref<!tpu.dma_semaphore, #tpu.memory_space<semaphore_mem>>, %arg22: memref<10240x48xf32, #tpu.memory_space<vmem_shared>>, %arg23: memref<10240x48xf32, #tpu.memory_space<vmem_shared>>) attributes {dimension_semantics = [#tpu.dimension_semantics<core_parallel>, #tpu.dimension_semantics<subcore_parallel>], iteration_bounds = array<i64: 2, 16>, scalar_prefetch = 0 : i64, scratch_operands = 15 : i64, tpu.core_type = #tpu.core_type<sc_vector_subcore>, window_params = [{transform_indices = #map}, {transform_indices = #map1}, {transform_indices = #map}, {transform_indices = #map}, {transform_indices = #map1}, {transform_indices = #map1}, {transform_indices = #map}]} {
    %mul3A = arith.constant 2 : i32
    %mul3A_0 = arith.muli %arg1, %mul3A : i32
    %add3A = arith.addi %mul3A_0, %arg0 : i32
    %mul3A_1 = arith.constant 640 : i32
    %mul3A_2 = arith.muli %arg1, %mul3A_1 : i32
    "tpu.region"() ({
      %run_scoped3A_79 = tpu.sem_alloc : memref<!tpu.dma_semaphore, #tpu.memory_space<semaphore_mem>>
      %dma_start3A_80 = arith.constant 0 : i32
      %dma_start3A_81 = tpu.memref_slice %arg23[%mul3A_2, %dma_start3A_80] : memref<10240x48xf32, #tpu.memory_space<vmem_shared>> -> memref<640x48xf32, #tpu.memory_space<vmem_shared>>
      tpu.enqueue_dma source(%arg6 : memref<640x48xf32, #tpu.memory_space<hbm>>) target(%dma_start3A_81 : memref<640x48xf32, #tpu.memory_space<vmem_shared>>) target_semaphore(%run_scoped3A_79 : memref<!tpu.dma_semaphore, #tpu.memory_space<semaphore_mem>>)
      %dma_wait3A_82 = arith.constant 0 : i32
      %dma_wait3A_83 = tpu.memref_slice %arg23[%mul3A_2, %dma_wait3A_82] : memref<10240x48xf32, #tpu.memory_space<vmem_shared>> -> memref<640x48xf32, #tpu.memory_space<vmem_shared>>
      tpu.wait_dma2 semaphore(%run_scoped3A_79 : memref<!tpu.dma_semaphore, #tpu.memory_space<semaphore_mem>>) src(%arg6 : memref<640x48xf32, #tpu.memory_space<hbm>>) dst(%dma_wait3A_83 : memref<640x48xf32, #tpu.memory_space<vmem_shared>>)
      tpu.yield
    }) : () -> ()
    %run_scoped3A = arith.constant 0 : i32
    "tpu.region"() ({
      %run_scoped3A_79 = tpu.sem_alloc : memref<!tpu.dma_semaphore, #tpu.memory_space<semaphore_mem>>
      %dma_start3A_80 = arith.constant 0 : i32
      %dma_start3A_81 = tpu.memref_slice %arg2[%arg1, %run_scoped3A, %dma_start3A_80] : memref<16x2x320xi32, #tpu.memory_space<hbm>> -> memref<1x1x320xi32, #tpu.memory_space<hbm>>
      %dma_start3A_82 = tpu.memref_squeeze %dma_start3A_81 : memref<1x1x320xi32, #tpu.memory_space<hbm>> -> memref<320xi32, #tpu.memory_space<hbm>>
      %dma_start3A_83 = arith.constant 0 : i32
      %dma_start3A_84 = tpu.memref_slice %arg2[%arg1, %run_scoped3A, %dma_start3A_83] : memref<16x2x320xi32, #tpu.memory_space<hbm>> -> memref<1x1x320xi32, #tpu.memory_space<hbm>>
      %dma_start3A_85 = tpu.memref_squeeze %dma_start3A_84 : memref<1x1x320xi32, #tpu.memory_space<hbm>> -> memref<320xi32, #tpu.memory_space<hbm>>
      tpu.enqueue_dma source(%dma_start3A_85 : memref<320xi32, #tpu.memory_space<hbm>>) target(%arg9 : memref<320xi32, #tpu.memory_space<vmem>>) target_semaphore(%run_scoped3A_79 : memref<!tpu.dma_semaphore, #tpu.memory_space<semaphore_mem>>)
      %dma_wait3A_86 = arith.constant 0 : i32
      %dma_wait3A_87 = tpu.memref_slice %arg2[%arg1, %run_scoped3A, %dma_wait3A_86] : memref<16x2x320xi32, #tpu.memory_space<hbm>> -> memref<1x1x320xi32, #tpu.memory_space<hbm>>
      %dma_wait3A_88 = tpu.memref_squeeze %dma_wait3A_87 : memref<1x1x320xi32, #tpu.memory_space<hbm>> -> memref<320xi32, #tpu.memory_space<hbm>>
      %dma_wait3A_89 = arith.constant 0 : i32
      %dma_wait3A_90 = tpu.memref_slice %arg2[%arg1, %run_scoped3A, %dma_wait3A_89] : memref<16x2x320xi32, #tpu.memory_space<hbm>> -> memref<1x1x320xi32, #tpu.memory_space<hbm>>
      %dma_wait3A_91 = tpu.memref_squeeze %dma_wait3A_90 : memref<1x1x320xi32, #tpu.memory_space<hbm>> -> memref<320xi32, #tpu.memory_space<hbm>>
      tpu.wait_dma2 semaphore(%run_scoped3A_79 : memref<!tpu.dma_semaphore, #tpu.memory_space<semaphore_mem>>) src(%dma_wait3A_91 : memref<320xi32, #tpu.memory_space<hbm>>) dst(%arg9 : memref<320xi32, #tpu.memory_space<vmem>>)
      tpu.yield
    }) : () -> ()
    %dma_start3A = arith.constant 0 : i32
    %dma_start3A_3 = arith.constant 0 : i32
    %dma_start3A_4 = tpu.memref_slice %arg3[%dma_start3A, %dma_start3A_3] : memref<4096x48xf32, #tpu.memory_space<hbm>> -> memref<4096x48xf32, #tpu.memory_space<hbm>>
    tpu.enqueue_indirect_dma source(%dma_start3A_4 : memref<4096x48xf32, #tpu.memory_space<hbm>>) target(%arg10 : memref<320x48xf32, #tpu.memory_space<vmem>>) offsets(%arg9 : memref<320xi32, #tpu.memory_space<vmem>>) semaphore(%arg17 : memref<!tpu.dma_semaphore, #tpu.memory_space<semaphore_mem>>)
    %dma_wait3A = arith.constant 0 : i32
    %dma_wait3A_5 = arith.constant 0 : i32
    %dma_wait3A_6 = tpu.memref_slice %arg3[%dma_wait3A, %dma_wait3A_5] : memref<4096x48xf32, #tpu.memory_space<hbm>> -> memref<4096x48xf32, #tpu.memory_space<hbm>>
    tpu.wait_indirect_dma semaphore(%arg17 : memref<!tpu.dma_semaphore, #tpu.memory_space<semaphore_mem>>) src(%dma_wait3A_6 : memref<4096x48xf32, #tpu.memory_space<hbm>>) dst(%arg10 : memref<320x48xf32, #tpu.memory_space<vmem>>)
    %mul3A_7 = arith.constant 640 : i32
    %mul3A_8 = arith.muli %arg1, %mul3A_7 : i32
    %add3A_9 = arith.constant 0 : i32
    %add3A_10 = arith.addi %mul3A_8, %add3A_9 : i32
    "tpu.region"() ({
      %run_scoped3A_79 = tpu.sem_alloc : memref<!tpu.dma_semaphore, #tpu.memory_space<semaphore_mem>>
      %dma_start3A_80 = arith.constant 0 : i32
      %dma_start3A_81 = tpu.memref_slice %arg22[%add3A_10, %dma_start3A_80] : memref<10240x48xf32, #tpu.memory_space<vmem_shared>> -> memref<320x48xf32, #tpu.memory_space<vmem_shared>>
      %dma_start3A_82 = arith.constant 0 : i32
      %dma_start3A_83 = tpu.memref_slice %arg22[%add3A_10, %dma_start3A_82] : memref<10240x48xf32, #tpu.memory_space<vmem_shared>> -> memref<320x48xf32, #tpu.memory_space<vmem_shared>>
      tpu.enqueue_dma source(%arg10 : memref<320x48xf32, #tpu.memory_space<vmem>>) target(%dma_start3A_83 : memref<320x48xf32, #tpu.memory_space<vmem_shared>>) target_semaphore(%run_scoped3A_79 : memref<!tpu.dma_semaphore, #tpu.memory_space<semaphore_mem>>)
      %dma_wait3A_84 = arith.constant 0 : i32
      %dma_wait3A_85 = tpu.memref_slice %arg22[%add3A_10, %dma_wait3A_84] : memref<10240x48xf32, #tpu.memory_space<vmem_shared>> -> memref<320x48xf32, #tpu.memory_space<vmem_shared>>
      %dma_wait3A_86 = arith.constant 0 : i32
      %dma_wait3A_87 = tpu.memref_slice %arg22[%add3A_10, %dma_wait3A_86] : memref<10240x48xf32, #tpu.memory_space<vmem_shared>> -> memref<320x48xf32, #tpu.memory_space<vmem_shared>>
      tpu.wait_dma2 semaphore(%run_scoped3A_79 : memref<!tpu.dma_semaphore, #tpu.memory_space<semaphore_mem>>) src(%arg10 : memref<320x48xf32, #tpu.memory_space<vmem>>) dst(%dma_wait3A_87 : memref<320x48xf32, #tpu.memory_space<vmem_shared>>)
      tpu.yield
    }) : () -> ()
    %run_scoped3A_11 = arith.constant 1 : i32
    "tpu.region"() ({
      %run_scoped3A_79 = tpu.sem_alloc : memref<!tpu.dma_semaphore, #tpu.memory_space<semaphore_mem>>
      %dma_start3A_80 = arith.constant 0 : i32
      %dma_start3A_81 = tpu.memref_slice %arg2[%arg1, %run_scoped3A_11, %dma_start3A_80] : memref<16x2x320xi32, #tpu.memory_space<hbm>> -> memref<1x1x320xi32, #tpu.memory_space<hbm>>
      %dma_start3A_82 = tpu.memref_squeeze %dma_start3A_81 : memref<1x1x320xi32, #tpu.memory_space<hbm>> -> memref<320xi32, #tpu.memory_space<hbm>>
      %dma_start3A_83 = arith.constant 0 : i32
      %dma_start3A_84 = tpu.memref_slice %arg2[%arg1, %run_scoped3A_11, %dma_start3A_83] : memref<16x2x320xi32, #tpu.memory_space<hbm>> -> memref<1x1x320xi32, #tpu.memory_space<hbm>>
      %dma_start3A_85 = tpu.memref_squeeze %dma_start3A_84 : memref<1x1x320xi32, #tpu.memory_space<hbm>> -> memref<320xi32, #tpu.memory_space<hbm>>
      tpu.enqueue_dma source(%dma_start3A_85 : memref<320xi32, #tpu.memory_space<hbm>>) target(%arg9 : memref<320xi32, #tpu.memory_space<vmem>>) target_semaphore(%run_scoped3A_79 : memref<!tpu.dma_semaphore, #tpu.memory_space<semaphore_mem>>)
      %dma_wait3A_86 = arith.constant 0 : i32
      %dma_wait3A_87 = tpu.memref_slice %arg2[%arg1, %run_scoped3A_11, %dma_wait3A_86] : memref<16x2x320xi32, #tpu.memory_space<hbm>> -> memref<1x1x320xi32, #tpu.memory_space<hbm>>
      %dma_wait3A_88 = tpu.memref_squeeze %dma_wait3A_87 : memref<1x1x320xi32, #tpu.memory_space<hbm>> -> memref<320xi32, #tpu.memory_space<hbm>>
      %dma_wait3A_89 = arith.constant 0 : i32
      %dma_wait3A_90 = tpu.memref_slice %arg2[%arg1, %run_scoped3A_11, %dma_wait3A_89] : memref<16x2x320xi32, #tpu.memory_space<hbm>> -> memref<1x1x320xi32, #tpu.memory_space<hbm>>
      %dma_wait3A_91 = tpu.memref_squeeze %dma_wait3A_90 : memref<1x1x320xi32, #tpu.memory_space<hbm>> -> memref<320xi32, #tpu.memory_space<hbm>>
      tpu.wait_dma2 semaphore(%run_scoped3A_79 : memref<!tpu.dma_semaphore, #tpu.memory_space<semaphore_mem>>) src(%dma_wait3A_91 : memref<320xi32, #tpu.memory_space<hbm>>) dst(%arg9 : memref<320xi32, #tpu.memory_space<vmem>>)
      tpu.yield
    }) : () -> ()
    %dma_start3A_12 = arith.constant 0 : i32
    %dma_start3A_13 = arith.constant 0 : i32
    %dma_start3A_14 = tpu.memref_slice %arg3[%dma_start3A_12, %dma_start3A_13] : memref<4096x48xf32, #tpu.memory_space<hbm>> -> memref<4096x48xf32, #tpu.memory_space<hbm>>
    tpu.enqueue_indirect_dma source(%dma_start3A_14 : memref<4096x48xf32, #tpu.memory_space<hbm>>) target(%arg10 : memref<320x48xf32, #tpu.memory_space<vmem>>) offsets(%arg9 : memref<320xi32, #tpu.memory_space<vmem>>) semaphore(%arg17 : memref<!tpu.dma_semaphore, #tpu.memory_space<semaphore_mem>>)
    %dma_wait3A_15 = arith.constant 0 : i32
    %dma_wait3A_16 = arith.constant 0 : i32
    %dma_wait3A_17 = tpu.memref_slice %arg3[%dma_wait3A_15, %dma_wait3A_16] : memref<4096x48xf32, #tpu.memory_space<hbm>> -> memref<4096x48xf32, #tpu.memory_space<hbm>>
    tpu.wait_indirect_dma semaphore(%arg17 : memref<!tpu.dma_semaphore, #tpu.memory_space<semaphore_mem>>) src(%dma_wait3A_17 : memref<4096x48xf32, #tpu.memory_space<hbm>>) dst(%arg10 : memref<320x48xf32, #tpu.memory_space<vmem>>)
    %mul3A_18 = arith.constant 640 : i32
    %mul3A_19 = arith.muli %arg1, %mul3A_18 : i32
    %add3A_20 = arith.constant 320 : i32
    %add3A_21 = arith.addi %mul3A_19, %add3A_20 : i32
    "tpu.region"() ({
      %run_scoped3A_79 = tpu.sem_alloc : memref<!tpu.dma_semaphore, #tpu.memory_space<semaphore_mem>>
      %dma_start3A_80 = arith.constant 0 : i32
      %dma_start3A_81 = tpu.memref_slice %arg22[%add3A_21, %dma_start3A_80] : memref<10240x48xf32, #tpu.memory_space<vmem_shared>> -> memref<320x48xf32, #tpu.memory_space<vmem_shared>>
      %dma_start3A_82 = arith.constant 0 : i32
      %dma_start3A_83 = tpu.memref_slice %arg22[%add3A_21, %dma_start3A_82] : memref<10240x48xf32, #tpu.memory_space<vmem_shared>> -> memref<320x48xf32, #tpu.memory_space<vmem_shared>>
      tpu.enqueue_dma source(%arg10 : memref<320x48xf32, #tpu.memory_space<vmem>>) target(%dma_start3A_83 : memref<320x48xf32, #tpu.memory_space<vmem_shared>>) target_semaphore(%run_scoped3A_79 : memref<!tpu.dma_semaphore, #tpu.memory_space<semaphore_mem>>)
      %dma_wait3A_84 = arith.constant 0 : i32
      %dma_wait3A_85 = tpu.memref_slice %arg22[%add3A_21, %dma_wait3A_84] : memref<10240x48xf32, #tpu.memory_space<vmem_shared>> -> memref<320x48xf32, #tpu.memory_space<vmem_shared>>
      %dma_wait3A_86 = arith.constant 0 : i32
      %dma_wait3A_87 = tpu.memref_slice %arg22[%add3A_21, %dma_wait3A_86] : memref<10240x48xf32, #tpu.memory_space<vmem_shared>> -> memref<320x48xf32, #tpu.memory_space<vmem_shared>>
      tpu.wait_dma2 semaphore(%run_scoped3A_79 : memref<!tpu.dma_semaphore, #tpu.memory_space<semaphore_mem>>) src(%arg10 : memref<320x48xf32, #tpu.memory_space<vmem>>) dst(%dma_wait3A_87 : memref<320x48xf32, #tpu.memory_space<vmem_shared>>)
      tpu.yield
    }) : () -> ()
    %eq3A = arith.constant 0 : i32
    %eq3A_22 = arith.cmpi eq, %arg0, %eq3A : i32
    %convert_element_type3A = arith.extui %eq3A_22 : i1 to i32
    %cond3A = arith.constant 0 : i32
    %cond3A_23 = arith.cmpi ne, %convert_element_type3A, %cond3A : i32
    scf.if %cond3A_23 {
      %mul3A_79 = arith.constant 640 : i32
      %mul3A_80 = arith.muli %arg1, %mul3A_79 : i32
      %mul3A_81 = arith.constant 640 : i32
      %mul3A_82 = arith.muli %arg1, %mul3A_81 : i32
      "tpu.region"() ({
        %run_scoped3A_83 = tpu.sem_alloc : memref<!tpu.dma_semaphore, #tpu.memory_space<semaphore_mem>>
        %dma_start3A_84 = arith.constant 0 : i32
        %dma_start3A_85 = tpu.memref_slice %arg7[%mul3A_82, %dma_start3A_84] : memref<10240x48xf32, #tpu.memory_space<hbm>> -> memref<640x48xf32, #tpu.memory_space<hbm>>
        %dma_start3A_86 = arith.constant 0 : i32
        %dma_start3A_87 = tpu.memref_slice %arg22[%mul3A_80, %dma_start3A_86] : memref<10240x48xf32, #tpu.memory_space<vmem_shared>> -> memref<640x48xf32, #tpu.memory_space<vmem_shared>>
        tpu.enqueue_dma source(%dma_start3A_87 : memref<640x48xf32, #tpu.memory_space<vmem_shared>>) target(%dma_start3A_85 : memref<640x48xf32, #tpu.memory_space<hbm>>) target_semaphore(%run_scoped3A_83 : memref<!tpu.dma_semaphore, #tpu.memory_space<semaphore_mem>>)
        %dma_wait3A_88 = arith.constant 0 : i32
        %dma_wait3A_89 = tpu.memref_slice %arg7[%mul3A_82, %dma_wait3A_88] : memref<10240x48xf32, #tpu.memory_space<hbm>> -> memref<640x48xf32, #tpu.memory_space<hbm>>
        %dma_wait3A_90 = arith.constant 0 : i32
        %dma_wait3A_91 = tpu.memref_slice %arg22[%mul3A_80, %dma_wait3A_90] : memref<10240x48xf32, #tpu.memory_space<vmem_shared>> -> memref<640x48xf32, #tpu.memory_space<vmem_shared>>
        tpu.wait_dma2 semaphore(%run_scoped3A_83 : memref<!tpu.dma_semaphore, #tpu.memory_space<semaphore_mem>>) src(%dma_wait3A_91 : memref<640x48xf32, #tpu.memory_space<vmem_shared>>) dst(%dma_wait3A_89 : memref<640x48xf32, #tpu.memory_space<hbm>>)
        tpu.yield
      }) : () -> ()
    } else {
    }
    %barrier3A = arith.constant 0 : index
    tpu.barrier barrier_id(%barrier3A)
    %dma_start3A_24 = arith.constant 0 : i32
    %dma_start3A_25 = arith.constant 0 : i32
    %dma_start3A_26 = tpu.memref_slice %arg4[%add3A, %dma_start3A_24, %dma_start3A_25] : memref<32x40x512xi32, #tpu.memory_space<hbm>> -> memref<1x1x512xi32, #tpu.memory_space<hbm>>
    %dma_start3A_27 = tpu.memref_squeeze %dma_start3A_26 : memref<1x1x512xi32, #tpu.memory_space<hbm>> -> memref<512xi32, #tpu.memory_space<hbm>>
    %dma_start3A_28 = arith.constant 0 : i32
    %dma_start3A_29 = tpu.memref_slice %arg4[%add3A, %dma_start3A_24, %dma_start3A_28] : memref<32x40x512xi32, #tpu.memory_space<hbm>> -> memref<1x1x512xi32, #tpu.memory_space<hbm>>
    %dma_start3A_30 = tpu.memref_squeeze %dma_start3A_29 : memref<1x1x512xi32, #tpu.memory_space<hbm>> -> memref<512xi32, #tpu.memory_space<hbm>>
    tpu.enqueue_dma source(%dma_start3A_30 : memref<512xi32, #tpu.memory_space<hbm>>) target(%arg11 : memref<512xi32, #tpu.memory_space<vmem>>) target_semaphore(%arg18 : memref<!tpu.dma_semaphore, #tpu.memory_space<semaphore_mem>>)
    %dma_start3A_31 = arith.constant 0 : i32
    %dma_start3A_32 = arith.constant 0 : i32
    %dma_start3A_33 = tpu.memref_slice %arg5[%add3A, %dma_start3A_31, %dma_start3A_32] : memref<32x40x512xi32, #tpu.memory_space<hbm>> -> memref<1x1x512xi32, #tpu.memory_space<hbm>>
    %dma_start3A_34 = tpu.memref_squeeze %dma_start3A_33 : memref<1x1x512xi32, #tpu.memory_space<hbm>> -> memref<512xi32, #tpu.memory_space<hbm>>
    %dma_start3A_35 = arith.constant 0 : i32
    %dma_start3A_36 = tpu.memref_slice %arg5[%add3A, %dma_start3A_31, %dma_start3A_35] : memref<32x40x512xi32, #tpu.memory_space<hbm>> -> memref<1x1x512xi32, #tpu.memory_space<hbm>>
    %dma_start3A_37 = tpu.memref_squeeze %dma_start3A_36 : memref<1x1x512xi32, #tpu.memory_space<hbm>> -> memref<512xi32, #tpu.memory_space<hbm>>
    tpu.enqueue_dma source(%dma_start3A_37 : memref<512xi32, #tpu.memory_space<hbm>>) target(%arg13 : memref<512xi32, #tpu.memory_space<vmem>>) target_semaphore(%arg18 : memref<!tpu.dma_semaphore, #tpu.memory_space<semaphore_mem>>)
    %dma_start3A_38 = arith.constant 1 : i32
    %dma_start3A_39 = arith.constant 0 : i32
    %dma_start3A_40 = tpu.memref_slice %arg4[%add3A, %dma_start3A_38, %dma_start3A_39] : memref<32x40x512xi32, #tpu.memory_space<hbm>> -> memref<1x1x512xi32, #tpu.memory_space<hbm>>
    %dma_start3A_41 = tpu.memref_squeeze %dma_start3A_40 : memref<1x1x512xi32, #tpu.memory_space<hbm>> -> memref<512xi32, #tpu.memory_space<hbm>>
    %dma_start3A_42 = arith.constant 0 : i32
    %dma_start3A_43 = tpu.memref_slice %arg4[%add3A, %dma_start3A_38, %dma_start3A_42] : memref<32x40x512xi32, #tpu.memory_space<hbm>> -> memref<1x1x512xi32, #tpu.memory_space<hbm>>
    %dma_start3A_44 = tpu.memref_squeeze %dma_start3A_43 : memref<1x1x512xi32, #tpu.memory_space<hbm>> -> memref<512xi32, #tpu.memory_space<hbm>>
    tpu.enqueue_dma source(%dma_start3A_44 : memref<512xi32, #tpu.memory_space<hbm>>) target(%arg12 : memref<512xi32, #tpu.memory_space<vmem>>) target_semaphore(%arg19 : memref<!tpu.dma_semaphore, #tpu.memory_space<semaphore_mem>>)
    %dma_start3A_45 = arith.constant 1 : i32
    %dma_start3A_46 = arith.constant 0 : i32
    %dma_start3A_47 = tpu.memref_slice %arg5[%add3A, %dma_start3A_45, %dma_start3A_46] : memref<32x40x512xi32, #tpu.memory_space<hbm>> -> memref<1x1x512xi32, #tpu.memory_space<hbm>>
    %dma_start3A_48 = tpu.memref_squeeze %dma_start3A_47 : memref<1x1x512xi32, #tpu.memory_space<hbm>> -> memref<512xi32, #tpu.memory_space<hbm>>
    %dma_start3A_49 = arith.constant 0 : i32
    %dma_start3A_50 = tpu.memref_slice %arg5[%add3A, %dma_start3A_45, %dma_start3A_49] : memref<32x40x512xi32, #tpu.memory_space<hbm>> -> memref<1x1x512xi32, #tpu.memory_space<hbm>>
    %dma_start3A_51 = tpu.memref_squeeze %dma_start3A_50 : memref<1x1x512xi32, #tpu.memory_space<hbm>> -> memref<512xi32, #tpu.memory_space<hbm>>
    tpu.enqueue_dma source(%dma_start3A_51 : memref<512xi32, #tpu.memory_space<hbm>>) target(%arg14 : memref<512xi32, #tpu.memory_space<vmem>>) target_semaphore(%arg19 : memref<!tpu.dma_semaphore, #tpu.memory_space<semaphore_mem>>)
    %dma_wait3A_52 = arith.constant 0 : i32
    %dma_wait3A_53 = arith.constant 0 : i32
    %dma_wait3A_54 = tpu.memref_slice %arg4[%add3A, %dma_wait3A_52, %dma_wait3A_53] : memref<32x40x512xi32, #tpu.memory_space<hbm>> -> memref<1x1x512xi32, #tpu.memory_space<hbm>>
    %dma_wait3A_55 = tpu.memref_squeeze %dma_wait3A_54 : memref<1x1x512xi32, #tpu.memory_space<hbm>> -> memref<512xi32, #tpu.memory_space<hbm>>
    %dma_wait3A_56 = arith.constant 0 : i32
    %dma_wait3A_57 = tpu.memref_slice %arg4[%add3A, %dma_wait3A_52, %dma_wait3A_56] : memref<32x40x512xi32, #tpu.memory_space<hbm>> -> memref<1x1x512xi32, #tpu.memory_space<hbm>>
    %dma_wait3A_58 = tpu.memref_squeeze %dma_wait3A_57 : memref<1x1x512xi32, #tpu.memory_space<hbm>> -> memref<512xi32, #tpu.memory_space<hbm>>
    tpu.wait_dma2 semaphore(%arg18 : memref<!tpu.dma_semaphore, #tpu.memory_space<semaphore_mem>>) src(%dma_wait3A_58 : memref<512xi32, #tpu.memory_space<hbm>>) dst(%arg11 : memref<512xi32, #tpu.memory_space<vmem>>)
    %dma_wait3A_59 = arith.constant 0 : i32
    %dma_wait3A_60 = arith.constant 0 : i32
    %dma_wait3A_61 = tpu.memref_slice %arg5[%add3A, %dma_wait3A_59, %dma_wait3A_60] : memref<32x40x512xi32, #tpu.memory_space<hbm>> -> memref<1x1x512xi32, #tpu.memory_space<hbm>>
    %dma_wait3A_62 = tpu.memref_squeeze %dma_wait3A_61 : memref<1x1x512xi32, #tpu.memory_space<hbm>> -> memref<512xi32, #tpu.memory_space<hbm>>
    %dma_wait3A_63 = arith.constant 0 : i32
    %dma_wait3A_64 = tpu.memref_slice %arg5[%add3A, %dma_wait3A_59, %dma_wait3A_63] : memref<32x40x512xi32, #tpu.memory_space<hbm>> -> memref<1x1x512xi32, #tpu.memory_space<hbm>>
    %dma_wait3A_65 = tpu.memref_squeeze %dma_wait3A_64 : memref<1x1x512xi32, #tpu.memory_space<hbm>> -> memref<512xi32, #tpu.memory_space<hbm>>
    tpu.wait_dma2 semaphore(%arg18 : memref<!tpu.dma_semaphore, #tpu.memory_space<semaphore_mem>>) src(%dma_wait3A_65 : memref<512xi32, #tpu.memory_space<hbm>>) dst(%arg13 : memref<512xi32, #tpu.memory_space<vmem>>)
    %dma_start3A_66 = arith.constant 0 : i32
    %dma_start3A_67 = arith.constant 0 : i32
    %dma_start3A_68 = tpu.memref_slice %arg22[%dma_start3A_66, %dma_start3A_67] : memref<10240x48xf32, #tpu.memory_space<vmem_shared>> -> memref<10240x48xf32, #tpu.memory_space<vmem_shared>>
    tpu.enqueue_indirect_dma source(%dma_start3A_68 : memref<10240x48xf32, #tpu.memory_space<vmem_shared>>) target(%arg15 : memref<512x48xf32, #tpu.memory_space<vmem>>) offsets(%arg11 : memref<512xi32, #tpu.memory_space<vmem>>) semaphore(%arg20 : memref<!tpu.dma_semaphore, #tpu.memory_space<semaphore_mem>>)
    %scan3A = arith.constant 0 : i32
    %scan3A_69 = arith.constant 0 : i32
    %scan3A_70 = arith.constant 20 : i32
    %scan3A_71 = arith.addi %scan3A_69, %scan3A_70 : i32
    %scan3A_72 = arith.constant 1 : i32
    scf.for %scan3A_79 = %scan3A_69 to %scan3A_71 step %scan3A_72  : i32 {
      %mul3A_80 = arith.constant 2 : i32
      %mul3A_81 = arith.muli %scan3A_79, %mul3A_80 : i32
      %add3A_82 = arith.constant 0 : i32
      %add3A_83 = arith.addi %mul3A_81, %add3A_82 : i32
      %add3A_84 = arith.constant 1 : i32
      %add3A_85 = arith.addi %add3A_83, %add3A_84 : i32
      %lt3A = arith.constant 40 : i32
      %lt3A_86 = arith.cmpi slt, %add3A_85, %lt3A : i32
      %convert_element_type3A_87 = arith.extui %lt3A_86 : i1 to i32
      %cond3A_88 = arith.constant 0 : i32
      %cond3A_89 = arith.cmpi ne, %convert_element_type3A_87, %cond3A_88 : i32
      scf.if %cond3A_89 {
        %dma_wait3A_121 = arith.constant 0 : i32
        %dma_wait3A_122 = arith.constant 0 : i32
        %dma_wait3A_123 = tpu.memref_slice %arg4[%add3A, %dma_wait3A_121, %dma_wait3A_122] : memref<32x40x512xi32, #tpu.memory_space<hbm>> -> memref<1x1x512xi32, #tpu.memory_space<hbm>>
        %dma_wait3A_124 = tpu.memref_squeeze %dma_wait3A_123 : memref<1x1x512xi32, #tpu.memory_space<hbm>> -> memref<512xi32, #tpu.memory_space<hbm>>
        %dma_wait3A_125 = arith.constant 0 : i32
        %dma_wait3A_126 = tpu.memref_slice %arg4[%add3A, %dma_wait3A_121, %dma_wait3A_125] : memref<32x40x512xi32, #tpu.memory_space<hbm>> -> memref<1x1x512xi32, #tpu.memory_space<hbm>>
        %dma_wait3A_127 = tpu.memref_squeeze %dma_wait3A_126 : memref<1x1x512xi32, #tpu.memory_space<hbm>> -> memref<512xi32, #tpu.memory_space<hbm>>
        tpu.wait_dma2 semaphore(%arg19 : memref<!tpu.dma_semaphore, #tpu.memory_space<semaphore_mem>>) src(%dma_wait3A_127 : memref<512xi32, #tpu.memory_space<hbm>>) dst(%arg12 : memref<512xi32, #tpu.memory_space<vmem>>)
        %dma_wait3A_128 = arith.constant 0 : i32
        %dma_wait3A_129 = arith.constant 0 : i32
        %dma_wait3A_130 = tpu.memref_slice %arg5[%add3A, %dma_wait3A_128, %dma_wait3A_129] : memref<32x40x512xi32, #tpu.memory_space<hbm>> -> memref<1x1x512xi32, #tpu.memory_space<hbm>>
        %dma_wait3A_131 = tpu.memref_squeeze %dma_wait3A_130 : memref<1x1x512xi32, #tpu.memory_space<hbm>> -> memref<512xi32, #tpu.memory_space<hbm>>
        %dma_wait3A_132 = arith.constant 0 : i32
        %dma_wait3A_133 = tpu.memref_slice %arg5[%add3A, %dma_wait3A_128, %dma_wait3A_132] : memref<32x40x512xi32, #tpu.memory_space<hbm>> -> memref<1x1x512xi32, #tpu.memory_space<hbm>>
        %dma_wait3A_134 = tpu.memref_squeeze %dma_wait3A_133 : memref<1x1x512xi32, #tpu.memory_space<hbm>> -> memref<512xi32, #tpu.memory_space<hbm>>
        tpu.wait_dma2 semaphore(%arg19 : memref<!tpu.dma_semaphore, #tpu.memory_space<semaphore_mem>>) src(%dma_wait3A_134 : memref<512xi32, #tpu.memory_space<hbm>>) dst(%arg14 : memref<512xi32, #tpu.memory_space<vmem>>)
        %dma_start3A_135 = arith.constant 0 : i32
        %dma_start3A_136 = arith.constant 0 : i32
        %dma_start3A_137 = tpu.memref_slice %arg22[%dma_start3A_135, %dma_start3A_136] : memref<10240x48xf32, #tpu.memory_space<vmem_shared>> -> memref<10240x48xf32, #tpu.memory_space<vmem_shared>>
        tpu.enqueue_indirect_dma source(%dma_start3A_137 : memref<10240x48xf32, #tpu.memory_space<vmem_shared>>) target(%arg16 : memref<512x48xf32, #tpu.memory_space<vmem>>) offsets(%arg12 : memref<512xi32, #tpu.memory_space<vmem>>) semaphore(%arg21 : memref<!tpu.dma_semaphore, #tpu.memory_space<semaphore_mem>>)
      } else {
      }
      %dma_wait3A_90 = arith.constant 0 : i32
      %dma_wait3A_91 = arith.constant 0 : i32
      %dma_wait3A_92 = tpu.memref_slice %arg22[%dma_wait3A_90, %dma_wait3A_91] : memref<10240x48xf32, #tpu.memory_space<vmem_shared>> -> memref<10240x48xf32, #tpu.memory_space<vmem_shared>>
      tpu.wait_indirect_dma semaphore(%arg20 : memref<!tpu.dma_semaphore, #tpu.memory_space<semaphore_mem>>) src(%dma_wait3A_92 : memref<10240x48xf32, #tpu.memory_space<vmem_shared>>) dst(%arg15 : memref<512x48xf32, #tpu.memory_space<vmem>>)
      "tpu.region"() ({
        %run_scoped3A_121 = tpu.sem_alloc : memref<!tpu.dma_semaphore, #tpu.memory_space<semaphore_mem>>
        %dma_start3A_122 = arith.constant 0 : i32
        %dma_start3A_123 = arith.constant 0 : i32
        %dma_start3A_124 = tpu.memref_slice %arg23[%dma_start3A_122, %dma_start3A_123] : memref<10240x48xf32, #tpu.memory_space<vmem_shared>> -> memref<10240x48xf32, #tpu.memory_space<vmem_shared>>
        tpu.enqueue_indirect_dma source(%arg15 : memref<512x48xf32, #tpu.memory_space<vmem>>) target(%dma_start3A_124 : memref<10240x48xf32, #tpu.memory_space<vmem_shared>>) offsets(%arg13 : memref<512xi32, #tpu.memory_space<vmem>>) semaphore(%run_scoped3A_121 : memref<!tpu.dma_semaphore, #tpu.memory_space<semaphore_mem>>) {add = true}
        %dma_wait3A_125 = arith.constant 0 : i32
        %dma_wait3A_126 = arith.constant 0 : i32
        %dma_wait3A_127 = tpu.memref_slice %arg23[%dma_wait3A_125, %dma_wait3A_126] : memref<10240x48xf32, #tpu.memory_space<vmem_shared>> -> memref<10240x48xf32, #tpu.memory_space<vmem_shared>>
        tpu.wait_indirect_dma semaphore(%run_scoped3A_121 : memref<!tpu.dma_semaphore, #tpu.memory_space<semaphore_mem>>) src(%arg15 : memref<512x48xf32, #tpu.memory_space<vmem>>) dst(%dma_wait3A_127 : memref<10240x48xf32, #tpu.memory_space<vmem_shared>>)
        tpu.yield
      }) : () -> ()
      %add3A_93 = arith.constant 2 : i32
      %add3A_94 = arith.addi %add3A_83, %add3A_93 : i32
      %lt3A_95 = arith.constant 40 : i32
      %lt3A_96 = arith.cmpi slt, %add3A_94, %lt3A_95 : i32
      %convert_element_type3A_97 = arith.extui %lt3A_96 : i1 to i32
      %cond3A_98 = arith.constant 0 : i32
      %cond3A_99 = arith.cmpi ne, %convert_element_type3A_97, %cond3A_98 : i32
      scf.if %cond3A_99 {
        %add3A_121 = arith.constant 2 : i32
        %add3A_122 = arith.addi %add3A_83, %add3A_121 : i32
        %dma_start3A_123 = arith.constant 0 : i32
        %dma_start3A_124 = tpu.memref_slice %arg4[%add3A, %add3A_122, %dma_start3A_123] : memref<32x40x512xi32, #tpu.memory_space<hbm>> -> memref<1x1x512xi32, #tpu.memory_space<hbm>>
        %dma_start3A_125 = tpu.memref_squeeze %dma_start3A_124 : memref<1x1x512xi32, #tpu.memory_space<hbm>> -> memref<512xi32, #tpu.memory_space<hbm>>
        %dma_start3A_126 = arith.constant 0 : i32
        %dma_start3A_127 = tpu.memref_slice %arg4[%add3A, %add3A_122, %dma_start3A_126] : memref<32x40x512xi32, #tpu.memory_space<hbm>> -> memref<1x1x512xi32, #tpu.memory_space<hbm>>
        %dma_start3A_128 = tpu.memref_squeeze %dma_start3A_127 : memref<1x1x512xi32, #tpu.memory_space<hbm>> -> memref<512xi32, #tpu.memory_space<hbm>>
        tpu.enqueue_dma source(%dma_start3A_128 : memref<512xi32, #tpu.memory_space<hbm>>) target(%arg11 : memref<512xi32, #tpu.memory_space<vmem>>) target_semaphore(%arg18 : memref<!tpu.dma_semaphore, #tpu.memory_space<semaphore_mem>>)
        %dma_start3A_129 = arith.constant 0 : i32
        %dma_start3A_130 = tpu.memref_slice %arg5[%add3A, %add3A_122, %dma_start3A_129] : memref<32x40x512xi32, #tpu.memory_space<hbm>> -> memref<1x1x512xi32, #tpu.memory_space<hbm>>
        %dma_start3A_131 = tpu.memref_squeeze %dma_start3A_130 : memref<1x1x512xi32, #tpu.memory_space<hbm>> -> memref<512xi32, #tpu.memory_space<hbm>>
        %dma_start3A_132 = arith.constant 0 : i32
        %dma_start3A_133 = tpu.memref_slice %arg5[%add3A, %add3A_122, %dma_start3A_132] : memref<32x40x512xi32, #tpu.memory_space<hbm>> -> memref<1x1x512xi32, #tpu.memory_space<hbm>>
        %dma_start3A_134 = tpu.memref_squeeze %dma_start3A_133 : memref<1x1x512xi32, #tpu.memory_space<hbm>> -> memref<512xi32, #tpu.memory_space<hbm>>
        tpu.enqueue_dma source(%dma_start3A_134 : memref<512xi32, #tpu.memory_space<hbm>>) target(%arg13 : memref<512xi32, #tpu.memory_space<vmem>>) target_semaphore(%arg18 : memref<!tpu.dma_semaphore, #tpu.memory_space<semaphore_mem>>)
      } else {
      }
      %mul3A_100 = arith.constant 2 : i32
      %mul3A_101 = arith.muli %scan3A_79, %mul3A_100 : i32
      %add3A_102 = arith.constant 1 : i32
      %add3A_103 = arith.addi %mul3A_101, %add3A_102 : i32
      %add3A_104 = arith.constant 1 : i32
      %add3A_105 = arith.addi %add3A_103, %add3A_104 : i32
      %lt3A_106 = arith.constant 40 : i32
      %lt3A_107 = arith.cmpi slt, %add3A_105, %lt3A_106 : i32
      %convert_element_type3A_108 = arith.extui %lt3A_107 : i1 to i32
      %cond3A_109 = arith.constant 0 : i32
      %cond3A_110 = arith.cmpi ne, %convert_element_type3A_108, %cond3A_109 : i32
      scf.if %cond3A_110 {
        %dma_wait3A_121 = arith.constant 0 : i32
        %dma_wait3A_122 = arith.constant 0 : i32
        %dma_wait3A_123 = tpu.memref_slice %arg4[%add3A, %dma_wait3A_121, %dma_wait3A_122] : memref<32x40x512xi32, #tpu.memory_space<hbm>> -> memref<1x1x512xi32, #tpu.memory_space<hbm>>
        %dma_wait3A_124 = tpu.memref_squeeze %dma_wait3A_123 : memref<1x1x512xi32, #tpu.memory_space<hbm>> -> memref<512xi32, #tpu.memory_space<hbm>>
        %dma_wait3A_125 = arith.constant 0 : i32
        %dma_wait3A_126 = tpu.memref_slice %arg4[%add3A, %dma_wait3A_121, %dma_wait3A_125] : memref<32x40x512xi32, #tpu.memory_space<hbm>> -> memref<1x1x512xi32, #tpu.memory_space<hbm>>
        %dma_wait3A_127 = tpu.memref_squeeze %dma_wait3A_126 : memref<1x1x512xi32, #tpu.memory_space<hbm>> -> memref<512xi32, #tpu.memory_space<hbm>>
        tpu.wait_dma2 semaphore(%arg18 : memref<!tpu.dma_semaphore, #tpu.memory_space<semaphore_mem>>) src(%dma_wait3A_127 : memref<512xi32, #tpu.memory_space<hbm>>) dst(%arg11 : memref<512xi32, #tpu.memory_space<vmem>>)
        %dma_wait3A_128 = arith.constant 0 : i32
        %dma_wait3A_129 = arith.constant 0 : i32
        %dma_wait3A_130 = tpu.memref_slice %arg5[%add3A, %dma_wait3A_128, %dma_wait3A_129] : memref<32x40x512xi32, #tpu.memory_space<hbm>> -> memref<1x1x512xi32, #tpu.memory_space<hbm>>
        %dma_wait3A_131 = tpu.memref_squeeze %dma_wait3A_130 : memref<1x1x512xi32, #tpu.memory_space<hbm>> -> memref<512xi32, #tpu.memory_space<hbm>>
        %dma_wait3A_132 = arith.constant 0 : i32
        %dma_wait3A_133 = tpu.memref_slice %arg5[%add3A, %dma_wait3A_128, %dma_wait3A_132] : memref<32x40x512xi32, #tpu.memory_space<hbm>> -> memref<1x1x512xi32, #tpu.memory_space<hbm>>
        %dma_wait3A_134 = tpu.memref_squeeze %dma_wait3A_133 : memref<1x1x512xi32, #tpu.memory_space<hbm>> -> memref<512xi32, #tpu.memory_space<hbm>>
        tpu.wait_dma2 semaphore(%arg18 : memref<!tpu.dma_semaphore, #tpu.memory_space<semaphore_mem>>) src(%dma_wait3A_134 : memref<512xi32, #tpu.memory_space<hbm>>) dst(%arg13 : memref<512xi32, #tpu.memory_space<vmem>>)
        %dma_start3A_135 = arith.constant 0 : i32
        %dma_start3A_136 = arith.constant 0 : i32
        %dma_start3A_137 = tpu.memref_slice %arg22[%dma_start3A_135, %dma_start3A_136] : memref<10240x48xf32, #tpu.memory_space<vmem_shared>> -> memref<10240x48xf32, #tpu.memory_space<vmem_shared>>
        tpu.enqueue_indirect_dma source(%dma_start3A_137 : memref<10240x48xf32, #tpu.memory_space<vmem_shared>>) target(%arg15 : memref<512x48xf32, #tpu.memory_space<vmem>>) offsets(%arg11 : memref<512xi32, #tpu.memory_space<vmem>>) semaphore(%arg20 : memref<!tpu.dma_semaphore, #tpu.memory_space<semaphore_mem>>)
      } else {
      }
      %dma_wait3A_111 = arith.constant 0 : i32
      %dma_wait3A_112 = arith.constant 0 : i32
      %dma_wait3A_113 = tpu.memref_slice %arg22[%dma_wait3A_111, %dma_wait3A_112] : memref<10240x48xf32, #tpu.memory_space<vmem_shared>> -> memref<10240x48xf32, #tpu.memory_space<vmem_shared>>
      tpu.wait_indirect_dma semaphore(%arg21 : memref<!tpu.dma_semaphore, #tpu.memory_space<semaphore_mem>>) src(%dma_wait3A_113 : memref<10240x48xf32, #tpu.memory_space<vmem_shared>>) dst(%arg16 : memref<512x48xf32, #tpu.memory_space<vmem>>)
      "tpu.region"() ({
        %run_scoped3A_121 = tpu.sem_alloc : memref<!tpu.dma_semaphore, #tpu.memory_space<semaphore_mem>>
        %dma_start3A_122 = arith.constant 0 : i32
        %dma_start3A_123 = arith.constant 0 : i32
        %dma_start3A_124 = tpu.memref_slice %arg23[%dma_start3A_122, %dma_start3A_123] : memref<10240x48xf32, #tpu.memory_space<vmem_shared>> -> memref<10240x48xf32, #tpu.memory_space<vmem_shared>>
        tpu.enqueue_indirect_dma source(%arg16 : memref<512x48xf32, #tpu.memory_space<vmem>>) target(%dma_start3A_124 : memref<10240x48xf32, #tpu.memory_space<vmem_shared>>) offsets(%arg14 : memref<512xi32, #tpu.memory_space<vmem>>) semaphore(%run_scoped3A_121 : memref<!tpu.dma_semaphore, #tpu.memory_space<semaphore_mem>>) {add = true}
        %dma_wait3A_125 = arith.constant 0 : i32
        %dma_wait3A_126 = arith.constant 0 : i32
        %dma_wait3A_127 = tpu.memref_slice %arg23[%dma_wait3A_125, %dma_wait3A_126] : memref<10240x48xf32, #tpu.memory_space<vmem_shared>> -> memref<10240x48xf32, #tpu.memory_space<vmem_shared>>
        tpu.wait_indirect_dma semaphore(%run_scoped3A_121 : memref<!tpu.dma_semaphore, #tpu.memory_space<semaphore_mem>>) src(%arg16 : memref<512x48xf32, #tpu.memory_space<vmem>>) dst(%dma_wait3A_127 : memref<10240x48xf32, #tpu.memory_space<vmem_shared>>)
        tpu.yield
      }) : () -> ()
      %add3A_114 = arith.constant 2 : i32
      %add3A_115 = arith.addi %add3A_103, %add3A_114 : i32
      %lt3A_116 = arith.constant 40 : i32
      %lt3A_117 = arith.cmpi slt, %add3A_115, %lt3A_116 : i32
      %convert_element_type3A_118 = arith.extui %lt3A_117 : i1 to i32
      %cond3A_119 = arith.constant 0 : i32
      %cond3A_120 = arith.cmpi ne, %convert_element_type3A_118, %cond3A_119 : i32
      scf.if %cond3A_120 {
        %add3A_121 = arith.constant 2 : i32
        %add3A_122 = arith.addi %add3A_103, %add3A_121 : i32
        %dma_start3A_123 = arith.constant 0 : i32
        %dma_start3A_124 = tpu.memref_slice %arg4[%add3A, %add3A_122, %dma_start3A_123] : memref<32x40x512xi32, #tpu.memory_space<hbm>> -> memref<1x1x512xi32, #tpu.memory_space<hbm>>
        %dma_start3A_125 = tpu.memref_squeeze %dma_start3A_124 : memref<1x1x512xi32, #tpu.memory_space<hbm>> -> memref<512xi32, #tpu.memory_space<hbm>>
        %dma_start3A_126 = arith.constant 0 : i32
        %dma_start3A_127 = tpu.memref_slice %arg4[%add3A, %add3A_122, %dma_start3A_126] : memref<32x40x512xi32, #tpu.memory_space<hbm>> -> memref<1x1x512xi32, #tpu.memory_space<hbm>>
        %dma_start3A_128 = tpu.memref_squeeze %dma_start3A_127 : memref<1x1x512xi32, #tpu.memory_space<hbm>> -> memref<512xi32, #tpu.memory_space<hbm>>
        tpu.enqueue_dma source(%dma_start3A_128 : memref<512xi32, #tpu.memory_space<hbm>>) target(%arg12 : memref<512xi32, #tpu.memory_space<vmem>>) target_semaphore(%arg19 : memref<!tpu.dma_semaphore, #tpu.memory_space<semaphore_mem>>)
        %dma_start3A_129 = arith.constant 0 : i32
        %dma_start3A_130 = tpu.memref_slice %arg5[%add3A, %add3A_122, %dma_start3A_129] : memref<32x40x512xi32, #tpu.memory_space<hbm>> -> memref<1x1x512xi32, #tpu.memory_space<hbm>>
        %dma_start3A_131 = tpu.memref_squeeze %dma_start3A_130 : memref<1x1x512xi32, #tpu.memory_space<hbm>> -> memref<512xi32, #tpu.memory_space<hbm>>
        %dma_start3A_132 = arith.constant 0 : i32
        %dma_start3A_133 = tpu.memref_slice %arg5[%add3A, %add3A_122, %dma_start3A_132] : memref<32x40x512xi32, #tpu.memory_space<hbm>> -> memref<1x1x512xi32, #tpu.memory_space<hbm>>
        %dma_start3A_134 = tpu.memref_squeeze %dma_start3A_133 : memref<1x1x512xi32, #tpu.memory_space<hbm>> -> memref<512xi32, #tpu.memory_space<hbm>>
        tpu.enqueue_dma source(%dma_start3A_134 : memref<512xi32, #tpu.memory_space<hbm>>) target(%arg14 : memref<512xi32, #tpu.memory_space<vmem>>) target_semaphore(%arg19 : memref<!tpu.dma_semaphore, #tpu.memory_space<semaphore_mem>>)
      } else {
      }
    }
    %scan3A_73 = arith.constant 20 : i32
    %barrier3A_74 = arith.constant 0 : index
    tpu.barrier barrier_id(%barrier3A_74)
    %mul3A_75 = arith.constant 640 : i32
    %mul3A_76 = arith.muli %arg1, %mul3A_75 : i32
    %mul3A_77 = arith.constant 640 : i32
    %mul3A_78 = arith.muli %arg1, %mul3A_77 : i32
    "tpu.region"() ({
      %run_scoped3A_79 = tpu.sem_alloc : memref<!tpu.dma_semaphore, #tpu.memory_space<semaphore_mem>>
      %dma_start3A_80 = arith.constant 0 : i32
      %dma_start3A_81 = arith.constant 0 : i32
      %dma_start3A_82 = tpu.memref_slice %arg8[%arg0, %dma_start3A_80, %dma_start3A_81] : memref<2x10240x48xf32, #tpu.memory_space<hbm>> -> memref<1x10240x48xf32, #tpu.memory_space<hbm>>
      %dma_start3A_83 = tpu.memref_squeeze %dma_start3A_82 : memref<1x10240x48xf32, #tpu.memory_space<hbm>> -> memref<10240x48xf32, #tpu.memory_space<hbm>>
      %dma_start3A_84 = arith.constant 0 : i32
      %dma_start3A_85 = tpu.memref_slice %dma_start3A_83[%mul3A_78, %dma_start3A_84] : memref<10240x48xf32, #tpu.memory_space<hbm>> -> memref<640x48xf32, #tpu.memory_space<hbm>>
      %dma_start3A_86 = arith.constant 0 : i32
      %dma_start3A_87 = tpu.memref_slice %arg23[%mul3A_76, %dma_start3A_86] : memref<10240x48xf32, #tpu.memory_space<vmem_shared>> -> memref<640x48xf32, #tpu.memory_space<vmem_shared>>
      tpu.enqueue_dma source(%dma_start3A_87 : memref<640x48xf32, #tpu.memory_space<vmem_shared>>) target(%dma_start3A_85 : memref<640x48xf32, #tpu.memory_space<hbm>>) target_semaphore(%run_scoped3A_79 : memref<!tpu.dma_semaphore, #tpu.memory_space<semaphore_mem>>)
      %dma_wait3A_88 = arith.constant 0 : i32
      %dma_wait3A_89 = arith.constant 0 : i32
      %dma_wait3A_90 = tpu.memref_slice %arg8[%arg0, %dma_wait3A_88, %dma_wait3A_89] : memref<2x10240x48xf32, #tpu.memory_space<hbm>> -> memref<1x10240x48xf32, #tpu.memory_space<hbm>>
      %dma_wait3A_91 = tpu.memref_squeeze %dma_wait3A_90 : memref<1x10240x48xf32, #tpu.memory_space<hbm>> -> memref<10240x48xf32, #tpu.memory_space<hbm>>
      %dma_wait3A_92 = arith.constant 0 : i32
      %dma_wait3A_93 = tpu.memref_slice %dma_wait3A_91[%mul3A_78, %dma_wait3A_92] : memref<10240x48xf32, #tpu.memory_space<hbm>> -> memref<640x48xf32, #tpu.memory_space<hbm>>
      %dma_wait3A_94 = arith.constant 0 : i32
      %dma_wait3A_95 = tpu.memref_slice %arg23[%mul3A_76, %dma_wait3A_94] : memref<10240x48xf32, #tpu.memory_space<vmem_shared>> -> memref<640x48xf32, #tpu.memory_space<vmem_shared>>
      tpu.wait_dma2 semaphore(%run_scoped3A_79 : memref<!tpu.dma_semaphore, #tpu.memory_space<semaphore_mem>>) src(%dma_wait3A_95 : memref<640x48xf32, #tpu.memory_space<vmem_shared>>) dst(%dma_wait3A_93 : memref<640x48xf32, #tpu.memory_space<hbm>>)
      tpu.yield
    }) : () -> ()
    return
  }
}

#map = affine_map<(d0, d1) -> (0, 0, 0)>
#map1 = affine_map<(d0, d1) -> (0, 0)>
module attributes {stable_mosaic.version = 14 : i64} {
  func.func @body(%arg0: i32, %arg1: i32, %arg2: memref<16x2x320xi32, #tpu.memory_space<hbm>>, %arg3: memref<4096x48xf32, #tpu.memory_space<hbm>>, %arg4: memref<32x40x512xi32, #tpu.memory_space<hbm>>, %arg5: memref<32x40x512xi32, #tpu.memory_space<hbm>>, %arg6: memref<640x48xf32, #tpu.memory_space<hbm>>, %arg7: memref<10240x48xf32, #tpu.memory_space<hbm>>, %arg8: memref<2x10240x48xf32, #tpu.memory_space<hbm>>, %arg9: memref<320xi32, #tpu.memory_space<vmem>>, %arg10: memref<320x48xf32, #tpu.memory_space<vmem>>, %arg11: memref<512xi32, #tpu.memory_space<vmem>>, %arg12: memref<512xi32, #tpu.memory_space<vmem>>, %arg13: memref<512xi32, #tpu.memory_space<vmem>>, %arg14: memref<512xi32, #tpu.memory_space<vmem>>, %arg15: memref<512x48xf32, #tpu.memory_space<vmem>>, %arg16: memref<512x48xf32, #tpu.memory_space<vmem>>, %arg17: memref<!tpu.dma_semaphore, #tpu.memory_space<semaphore_mem>>, %arg18: memref<!tpu.dma_semaphore, #tpu.memory_space<semaphore_mem>>, %arg19: memref<!tpu.dma_semaphore, #tpu.memory_space<semaphore_mem>>, %arg20: memref<!tpu.dma_semaphore, #tpu.memory_space<semaphore_mem>>, %arg21: memref<!tpu.dma_semaphore, #tpu.memory_space<semaphore_mem>>, %arg22: memref<10240x48xf32, #tpu.memory_space<vmem_shared>>, %arg23: memref<10240x48xf32, #tpu.memory_space<vmem_shared>>) attributes {dimension_semantics = [#tpu.dimension_semantics<core_parallel>, #tpu.dimension_semantics<subcore_parallel>], iteration_bounds = array<i64: 2, 16>, scalar_prefetch = 0 : i64, scratch_operands = 15 : i64, tpu.core_type = #tpu.core_type<sc_vector_subcore>, window_params = [{transform_indices = #map}, {transform_indices = #map1}, {transform_indices = #map}, {transform_indices = #map}, {transform_indices = #map1}, {transform_indices = #map1}, {transform_indices = #map}]} {
    %mul3A = arith.constant 2 : i32
    %mul3A_0 = arith.muli %arg1, %mul3A : i32
    %add3A = arith.addi %mul3A_0, %arg0 : i32
    %mul3A_1 = arith.constant 640 : i32
    %mul3A_2 = arith.muli %arg1, %mul3A_1 : i32
    "tpu.region"() ({
      %run_scoped3A_79 = tpu.sem_alloc : memref<!tpu.dma_semaphore, #tpu.memory_space<semaphore_mem>>
      %dma_start3A_80 = arith.constant 0 : i32
      %dma_start3A_81 = tpu.memref_slice %arg23[%mul3A_2, %dma_start3A_80] : memref<10240x48xf32, #tpu.memory_space<vmem_shared>> -> memref<640x48xf32, #tpu.memory_space<vmem_shared>>
      tpu.enqueue_dma source(%arg6 : memref<640x48xf32, #tpu.memory_space<hbm>>) target(%dma_start3A_81 : memref<640x48xf32, #tpu.memory_space<vmem_shared>>) target_semaphore(%run_scoped3A_79 : memref<!tpu.dma_semaphore, #tpu.memory_space<semaphore_mem>>)
      %dma_wait3A_82 = arith.constant 0 : i32
      %dma_wait3A_83 = tpu.memref_slice %arg23[%mul3A_2, %dma_wait3A_82] : memref<10240x48xf32, #tpu.memory_space<vmem_shared>> -> memref<640x48xf32, #tpu.memory_space<vmem_shared>>
      tpu.wait_dma2 semaphore(%run_scoped3A_79 : memref<!tpu.dma_semaphore, #tpu.memory_space<semaphore_mem>>) src(%arg6 : memref<640x48xf32, #tpu.memory_space<hbm>>) dst(%dma_wait3A_83 : memref<640x48xf32, #tpu.memory_space<vmem_shared>>)
      tpu.yield
    }) : () -> ()
    %run_scoped3A = arith.constant 0 : i32
    "tpu.region"() ({
      %run_scoped3A_79 = tpu.sem_alloc : memref<!tpu.dma_semaphore, #tpu.memory_space<semaphore_mem>>
      %dma_start3A_80 = arith.constant 0 : i32
      %dma_start3A_81 = tpu.memref_slice %arg2[%arg1, %run_scoped3A, %dma_start3A_80] : memref<16x2x320xi32, #tpu.memory_space<hbm>> -> memref<1x1x320xi32, #tpu.memory_space<hbm>>
      %dma_start3A_82 = tpu.memref_squeeze %dma_start3A_81 : memref<1x1x320xi32, #tpu.memory_space<hbm>> -> memref<320xi32, #tpu.memory_space<hbm>>
      %dma_start3A_83 = arith.constant 0 : i32
      %dma_start3A_84 = tpu.memref_slice %arg2[%arg1, %run_scoped3A, %dma_start3A_83] : memref<16x2x320xi32, #tpu.memory_space<hbm>> -> memref<1x1x320xi32, #tpu.memory_space<hbm>>
      %dma_start3A_85 = tpu.memref_squeeze %dma_start3A_84 : memref<1x1x320xi32, #tpu.memory_space<hbm>> -> memref<320xi32, #tpu.memory_space<hbm>>
      tpu.enqueue_dma source(%dma_start3A_85 : memref<320xi32, #tpu.memory_space<hbm>>) target(%arg9 : memref<320xi32, #tpu.memory_space<vmem>>) target_semaphore(%run_scoped3A_79 : memref<!tpu.dma_semaphore, #tpu.memory_space<semaphore_mem>>)
      %dma_wait3A_86 = arith.constant 0 : i32
      %dma_wait3A_87 = tpu.memref_slice %arg2[%arg1, %run_scoped3A, %dma_wait3A_86] : memref<16x2x320xi32, #tpu.memory_space<hbm>> -> memref<1x1x320xi32, #tpu.memory_space<hbm>>
      %dma_wait3A_88 = tpu.memref_squeeze %dma_wait3A_87 : memref<1x1x320xi32, #tpu.memory_space<hbm>> -> memref<320xi32, #tpu.memory_space<hbm>>
      %dma_wait3A_89 = arith.constant 0 : i32
      %dma_wait3A_90 = tpu.memref_slice %arg2[%arg1, %run_scoped3A, %dma_wait3A_89] : memref<16x2x320xi32, #tpu.memory_space<hbm>> -> memref<1x1x320xi32, #tpu.memory_space<hbm>>
      %dma_wait3A_91 = tpu.memref_squeeze %dma_wait3A_90 : memref<1x1x320xi32, #tpu.memory_space<hbm>> -> memref<320xi32, #tpu.memory_space<hbm>>
      tpu.wait_dma2 semaphore(%run_scoped3A_79 : memref<!tpu.dma_semaphore, #tpu.memory_space<semaphore_mem>>) src(%dma_wait3A_91 : memref<320xi32, #tpu.memory_space<hbm>>) dst(%arg9 : memref<320xi32, #tpu.memory_space<vmem>>)
      tpu.yield
    }) : () -> ()
    %dma_start3A = arith.constant 0 : i32
    %dma_start3A_3 = arith.constant 0 : i32
    %dma_start3A_4 = tpu.memref_slice %arg3[%dma_start3A, %dma_start3A_3] : memref<4096x48xf32, #tpu.memory_space<hbm>> -> memref<4096x48xf32, #tpu.memory_space<hbm>>
    tpu.enqueue_indirect_dma source(%dma_start3A_4 : memref<4096x48xf32, #tpu.memory_space<hbm>>) target(%arg10 : memref<320x48xf32, #tpu.memory_space<vmem>>) offsets(%arg9 : memref<320xi32, #tpu.memory_space<vmem>>) semaphore(%arg17 : memref<!tpu.dma_semaphore, #tpu.memory_space<semaphore_mem>>)
    %dma_wait3A = arith.constant 0 : i32
    %dma_wait3A_5 = arith.constant 0 : i32
    %dma_wait3A_6 = tpu.memref_slice %arg3[%dma_wait3A, %dma_wait3A_5] : memref<4096x48xf32, #tpu.memory_space<hbm>> -> memref<4096x48xf32, #tpu.memory_space<hbm>>
    tpu.wait_indirect_dma semaphore(%arg17 : memref<!tpu.dma_semaphore, #tpu.memory_space<semaphore_mem>>) src(%dma_wait3A_6 : memref<4096x48xf32, #tpu.memory_space<hbm>>) dst(%arg10 : memref<320x48xf32, #tpu.memory_space<vmem>>)
    %mul3A_7 = arith.constant 640 : i32
    %mul3A_8 = arith.muli %arg1, %mul3A_7 : i32
    %add3A_9 = arith.constant 0 : i32
    %add3A_10 = arith.addi %mul3A_8, %add3A_9 : i32
    "tpu.region"() ({
      %run_scoped3A_79 = tpu.sem_alloc : memref<!tpu.dma_semaphore, #tpu.memory_space<semaphore_mem>>
      %dma_start3A_80 = arith.constant 0 : i32
      %dma_start3A_81 = tpu.memref_slice %arg22[%add3A_10, %dma_start3A_80] : memref<10240x48xf32, #tpu.memory_space<vmem_shared>> -> memref<320x48xf32, #tpu.memory_space<vmem_shared>>
      %dma_start3A_82 = arith.constant 0 : i32
      %dma_start3A_83 = tpu.memref_slice %arg22[%add3A_10, %dma_start3A_82] : memref<10240x48xf32, #tpu.memory_space<vmem_shared>> -> memref<320x48xf32, #tpu.memory_space<vmem_shared>>
      tpu.enqueue_dma source(%arg10 : memref<320x48xf32, #tpu.memory_space<vmem>>) target(%dma_start3A_83 : memref<320x48xf32, #tpu.memory_space<vmem_shared>>) target_semaphore(%run_scoped3A_79 : memref<!tpu.dma_semaphore, #tpu.memory_space<semaphore_mem>>)
      %dma_wait3A_84 = arith.constant 0 : i32
      %dma_wait3A_85 = tpu.memref_slice %arg22[%add3A_10, %dma_wait3A_84] : memref<10240x48xf32, #tpu.memory_space<vmem_shared>> -> memref<320x48xf32, #tpu.memory_space<vmem_shared>>
      %dma_wait3A_86 = arith.constant 0 : i32
      %dma_wait3A_87 = tpu.memref_slice %arg22[%add3A_10, %dma_wait3A_86] : memref<10240x48xf32, #tpu.memory_space<vmem_shared>> -> memref<320x48xf32, #tpu.memory_space<vmem_shared>>
      tpu.wait_dma2 semaphore(%run_scoped3A_79 : memref<!tpu.dma_semaphore, #tpu.memory_space<semaphore_mem>>) src(%arg10 : memref<320x48xf32, #tpu.memory_space<vmem>>) dst(%dma_wait3A_87 : memref<320x48xf32, #tpu.memory_space<vmem_shared>>)
      tpu.yield
    }) : () -> ()
    %run_scoped3A_11 = arith.constant 1 : i32
    "tpu.region"() ({
      %run_scoped3A_79 = tpu.sem_alloc : memref<!tpu.dma_semaphore, #tpu.memory_space<semaphore_mem>>
      %dma_start3A_80 = arith.constant 0 : i32
      %dma_start3A_81 = tpu.memref_slice %arg2[%arg1, %run_scoped3A_11, %dma_start3A_80] : memref<16x2x320xi32, #tpu.memory_space<hbm>> -> memref<1x1x320xi32, #tpu.memory_space<hbm>>
      %dma_start3A_82 = tpu.memref_squeeze %dma_start3A_81 : memref<1x1x320xi32, #tpu.memory_space<hbm>> -> memref<320xi32, #tpu.memory_space<hbm>>
      %dma_start3A_83 = arith.constant 0 : i32
      %dma_start3A_84 = tpu.memref_slice %arg2[%arg1, %run_scoped3A_11, %dma_start3A_83] : memref<16x2x320xi32, #tpu.memory_space<hbm>> -> memref<1x1x320xi32, #tpu.memory_space<hbm>>
      %dma_start3A_85 = tpu.memref_squeeze %dma_start3A_84 : memref<1x1x320xi32, #tpu.memory_space<hbm>> -> memref<320xi32, #tpu.memory_space<hbm>>
      tpu.enqueue_dma source(%dma_start3A_85 : memref<320xi32, #tpu.memory_space<hbm>>) target(%arg9 : memref<320xi32, #tpu.memory_space<vmem>>) target_semaphore(%run_scoped3A_79 : memref<!tpu.dma_semaphore, #tpu.memory_space<semaphore_mem>>)
      %dma_wait3A_86 = arith.constant 0 : i32
      %dma_wait3A_87 = tpu.memref_slice %arg2[%arg1, %run_scoped3A_11, %dma_wait3A_86] : memref<16x2x320xi32, #tpu.memory_space<hbm>> -> memref<1x1x320xi32, #tpu.memory_space<hbm>>
      %dma_wait3A_88 = tpu.memref_squeeze %dma_wait3A_87 : memref<1x1x320xi32, #tpu.memory_space<hbm>> -> memref<320xi32, #tpu.memory_space<hbm>>
      %dma_wait3A_89 = arith.constant 0 : i32
      %dma_wait3A_90 = tpu.memref_slice %arg2[%arg1, %run_scoped3A_11, %dma_wait3A_89] : memref<16x2x320xi32, #tpu.memory_space<hbm>> -> memref<1x1x320xi32, #tpu.memory_space<hbm>>
      %dma_wait3A_91 = tpu.memref_squeeze %dma_wait3A_90 : memref<1x1x320xi32, #tpu.memory_space<hbm>> -> memref<320xi32, #tpu.memory_space<hbm>>
      tpu.wait_dma2 semaphore(%run_scoped3A_79 : memref<!tpu.dma_semaphore, #tpu.memory_space<semaphore_mem>>) src(%dma_wait3A_91 : memref<320xi32, #tpu.memory_space<hbm>>) dst(%arg9 : memref<320xi32, #tpu.memory_space<vmem>>)
      tpu.yield
    }) : () -> ()
    %dma_start3A_12 = arith.constant 0 : i32
    %dma_start3A_13 = arith.constant 0 : i32
    %dma_start3A_14 = tpu.memref_slice %arg3[%dma_start3A_12, %dma_start3A_13] : memref<4096x48xf32, #tpu.memory_space<hbm>> -> memref<4096x48xf32, #tpu.memory_space<hbm>>
    tpu.enqueue_indirect_dma source(%dma_start3A_14 : memref<4096x48xf32, #tpu.memory_space<hbm>>) target(%arg10 : memref<320x48xf32, #tpu.memory_space<vmem>>) offsets(%arg9 : memref<320xi32, #tpu.memory_space<vmem>>) semaphore(%arg17 : memref<!tpu.dma_semaphore, #tpu.memory_space<semaphore_mem>>)
    %dma_wait3A_15 = arith.constant 0 : i32
    %dma_wait3A_16 = arith.constant 0 : i32
    %dma_wait3A_17 = tpu.memref_slice %arg3[%dma_wait3A_15, %dma_wait3A_16] : memref<4096x48xf32, #tpu.memory_space<hbm>> -> memref<4096x48xf32, #tpu.memory_space<hbm>>
    tpu.wait_indirect_dma semaphore(%arg17 : memref<!tpu.dma_semaphore, #tpu.memory_space<semaphore_mem>>) src(%dma_wait3A_17 : memref<4096x48xf32, #tpu.memory_space<hbm>>) dst(%arg10 : memref<320x48xf32, #tpu.memory_space<vmem>>)
    %mul3A_18 = arith.constant 640 : i32
    %mul3A_19 = arith.muli %arg1, %mul3A_18 : i32
    %add3A_20 = arith.constant 320 : i32
    %add3A_21 = arith.addi %mul3A_19, %add3A_20 : i32
    "tpu.region"() ({
      %run_scoped3A_79 = tpu.sem_alloc : memref<!tpu.dma_semaphore, #tpu.memory_space<semaphore_mem>>
      %dma_start3A_80 = arith.constant 0 : i32
      %dma_start3A_81 = tpu.memref_slice %arg22[%add3A_21, %dma_start3A_80] : memref<10240x48xf32, #tpu.memory_space<vmem_shared>> -> memref<320x48xf32, #tpu.memory_space<vmem_shared>>
      %dma_start3A_82 = arith.constant 0 : i32
      %dma_start3A_83 = tpu.memref_slice %arg22[%add3A_21, %dma_start3A_82] : memref<10240x48xf32, #tpu.memory_space<vmem_shared>> -> memref<320x48xf32, #tpu.memory_space<vmem_shared>>
      tpu.enqueue_dma source(%arg10 : memref<320x48xf32, #tpu.memory_space<vmem>>) target(%dma_start3A_83 : memref<320x48xf32, #tpu.memory_space<vmem_shared>>) target_semaphore(%run_scoped3A_79 : memref<!tpu.dma_semaphore, #tpu.memory_space<semaphore_mem>>)
      %dma_wait3A_84 = arith.constant 0 : i32
      %dma_wait3A_85 = tpu.memref_slice %arg22[%add3A_21, %dma_wait3A_84] : memref<10240x48xf32, #tpu.memory_space<vmem_shared>> -> memref<320x48xf32, #tpu.memory_space<vmem_shared>>
      %dma_wait3A_86 = arith.constant 0 : i32
      %dma_wait3A_87 = tpu.memref_slice %arg22[%add3A_21, %dma_wait3A_86] : memref<10240x48xf32, #tpu.memory_space<vmem_shared>> -> memref<320x48xf32, #tpu.memory_space<vmem_shared>>
      tpu.wait_dma2 semaphore(%run_scoped3A_79 : memref<!tpu.dma_semaphore, #tpu.memory_space<semaphore_mem>>) src(%arg10 : memref<320x48xf32, #tpu.memory_space<vmem>>) dst(%dma_wait3A_87 : memref<320x48xf32, #tpu.memory_space<vmem_shared>>)
      tpu.yield
    }) : () -> ()
    %eq3A = arith.constant 0 : i32
    %eq3A_22 = arith.cmpi eq, %arg0, %eq3A : i32
    %convert_element_type3A = arith.extui %eq3A_22 : i1 to i32
    %cond3A = arith.constant 0 : i32
    %cond3A_23 = arith.cmpi ne, %convert_element_type3A, %cond3A : i32
    scf.if %cond3A_23 {
      %mul3A_79 = arith.constant 640 : i32
      %mul3A_80 = arith.muli %arg1, %mul3A_79 : i32
      %mul3A_81 = arith.constant 640 : i32
      %mul3A_82 = arith.muli %arg1, %mul3A_81 : i32
      "tpu.region"() ({
        %run_scoped3A_83 = tpu.sem_alloc : memref<!tpu.dma_semaphore, #tpu.memory_space<semaphore_mem>>
        %dma_start3A_84 = arith.constant 0 : i32
        %dma_start3A_85 = tpu.memref_slice %arg7[%mul3A_82, %dma_start3A_84] : memref<10240x48xf32, #tpu.memory_space<hbm>> -> memref<640x48xf32, #tpu.memory_space<hbm>>
        %dma_start3A_86 = arith.constant 0 : i32
        %dma_start3A_87 = tpu.memref_slice %arg22[%mul3A_80, %dma_start3A_86] : memref<10240x48xf32, #tpu.memory_space<vmem_shared>> -> memref<640x48xf32, #tpu.memory_space<vmem_shared>>
        tpu.enqueue_dma source(%dma_start3A_87 : memref<640x48xf32, #tpu.memory_space<vmem_shared>>) target(%dma_start3A_85 : memref<640x48xf32, #tpu.memory_space<hbm>>) target_semaphore(%run_scoped3A_83 : memref<!tpu.dma_semaphore, #tpu.memory_space<semaphore_mem>>)
        %dma_wait3A_88 = arith.constant 0 : i32
        %dma_wait3A_89 = tpu.memref_slice %arg7[%mul3A_82, %dma_wait3A_88] : memref<10240x48xf32, #tpu.memory_space<hbm>> -> memref<640x48xf32, #tpu.memory_space<hbm>>
        %dma_wait3A_90 = arith.constant 0 : i32
        %dma_wait3A_91 = tpu.memref_slice %arg22[%mul3A_80, %dma_wait3A_90] : memref<10240x48xf32, #tpu.memory_space<vmem_shared>> -> memref<640x48xf32, #tpu.memory_space<vmem_shared>>
        tpu.wait_dma2 semaphore(%run_scoped3A_83 : memref<!tpu.dma_semaphore, #tpu.memory_space<semaphore_mem>>) src(%dma_wait3A_91 : memref<640x48xf32, #tpu.memory_space<vmem_shared>>) dst(%dma_wait3A_89 : memref<640x48xf32, #tpu.memory_space<hbm>>)
        tpu.yield
      }) : () -> ()
    } else {
    }
    %barrier3A = arith.constant 0 : index
    tpu.barrier barrier_id(%barrier3A)
    %dma_start3A_24 = arith.constant 0 : i32
    %dma_start3A_25 = arith.constant 0 : i32
    %dma_start3A_26 = tpu.memref_slice %arg4[%add3A, %dma_start3A_24, %dma_start3A_25] : memref<32x40x512xi32, #tpu.memory_space<hbm>> -> memref<1x1x512xi32, #tpu.memory_space<hbm>>
    %dma_start3A_27 = tpu.memref_squeeze %dma_start3A_26 : memref<1x1x512xi32, #tpu.memory_space<hbm>> -> memref<512xi32, #tpu.memory_space<hbm>>
    %dma_start3A_28 = arith.constant 0 : i32
    %dma_start3A_29 = tpu.memref_slice %arg4[%add3A, %dma_start3A_24, %dma_start3A_28] : memref<32x40x512xi32, #tpu.memory_space<hbm>> -> memref<1x1x512xi32, #tpu.memory_space<hbm>>
    %dma_start3A_30 = tpu.memref_squeeze %dma_start3A_29 : memref<1x1x512xi32, #tpu.memory_space<hbm>> -> memref<512xi32, #tpu.memory_space<hbm>>
    tpu.enqueue_dma source(%dma_start3A_30 : memref<512xi32, #tpu.memory_space<hbm>>) target(%arg11 : memref<512xi32, #tpu.memory_space<vmem>>) target_semaphore(%arg18 : memref<!tpu.dma_semaphore, #tpu.memory_space<semaphore_mem>>)
    %dma_start3A_31 = arith.constant 0 : i32
    %dma_start3A_32 = arith.constant 0 : i32
    %dma_start3A_33 = tpu.memref_slice %arg5[%add3A, %dma_start3A_31, %dma_start3A_32] : memref<32x40x512xi32, #tpu.memory_space<hbm>> -> memref<1x1x512xi32, #tpu.memory_space<hbm>>
    %dma_start3A_34 = tpu.memref_squeeze %dma_start3A_33 : memref<1x1x512xi32, #tpu.memory_space<hbm>> -> memref<512xi32, #tpu.memory_space<hbm>>
    %dma_start3A_35 = arith.constant 0 : i32
    %dma_start3A_36 = tpu.memref_slice %arg5[%add3A, %dma_start3A_31, %dma_start3A_35] : memref<32x40x512xi32, #tpu.memory_space<hbm>> -> memref<1x1x512xi32, #tpu.memory_space<hbm>>
    %dma_start3A_37 = tpu.memref_squeeze %dma_start3A_36 : memref<1x1x512xi32, #tpu.memory_space<hbm>> -> memref<512xi32, #tpu.memory_space<hbm>>
    tpu.enqueue_dma source(%dma_start3A_37 : memref<512xi32, #tpu.memory_space<hbm>>) target(%arg13 : memref<512xi32, #tpu.memory_space<vmem>>) target_semaphore(%arg18 : memref<!tpu.dma_semaphore, #tpu.memory_space<semaphore_mem>>)
    %dma_start3A_38 = arith.constant 1 : i32
    %dma_start3A_39 = arith.constant 0 : i32
    %dma_start3A_40 = tpu.memref_slice %arg4[%add3A, %dma_start3A_38, %dma_start3A_39] : memref<32x40x512xi32, #tpu.memory_space<hbm>> -> memref<1x1x512xi32, #tpu.memory_space<hbm>>
    %dma_start3A_41 = tpu.memref_squeeze %dma_start3A_40 : memref<1x1x512xi32, #tpu.memory_space<hbm>> -> memref<512xi32, #tpu.memory_space<hbm>>
    %dma_start3A_42 = arith.constant 0 : i32
    %dma_start3A_43 = tpu.memref_slice %arg4[%add3A, %dma_start3A_38, %dma_start3A_42] : memref<32x40x512xi32, #tpu.memory_space<hbm>> -> memref<1x1x512xi32, #tpu.memory_space<hbm>>
    %dma_start3A_44 = tpu.memref_squeeze %dma_start3A_43 : memref<1x1x512xi32, #tpu.memory_space<hbm>> -> memref<512xi32, #tpu.memory_space<hbm>>
    tpu.enqueue_dma source(%dma_start3A_44 : memref<512xi32, #tpu.memory_space<hbm>>) target(%arg12 : memref<512xi32, #tpu.memory_space<vmem>>) target_semaphore(%arg19 : memref<!tpu.dma_semaphore, #tpu.memory_space<semaphore_mem>>)
    %dma_start3A_45 = arith.constant 1 : i32
    %dma_start3A_46 = arith.constant 0 : i32
    %dma_start3A_47 = tpu.memref_slice %arg5[%add3A, %dma_start3A_45, %dma_start3A_46] : memref<32x40x512xi32, #tpu.memory_space<hbm>> -> memref<1x1x512xi32, #tpu.memory_space<hbm>>
    %dma_start3A_48 = tpu.memref_squeeze %dma_start3A_47 : memref<1x1x512xi32, #tpu.memory_space<hbm>> -> memref<512xi32, #tpu.memory_space<hbm>>
    %dma_start3A_49 = arith.constant 0 : i32
    %dma_start3A_50 = tpu.memref_slice %arg5[%add3A, %dma_start3A_45, %dma_start3A_49] : memref<32x40x512xi32, #tpu.memory_space<hbm>> -> memref<1x1x512xi32, #tpu.memory_space<hbm>>
    %dma_start3A_51 = tpu.memref_squeeze %dma_start3A_50 : memref<1x1x512xi32, #tpu.memory_space<hbm>> -> memref<512xi32, #tpu.memory_space<hbm>>
    tpu.enqueue_dma source(%dma_start3A_51 : memref<512xi32, #tpu.memory_space<hbm>>) target(%arg14 : memref<512xi32, #tpu.memory_space<vmem>>) target_semaphore(%arg19 : memref<!tpu.dma_semaphore, #tpu.memory_space<semaphore_mem>>)
    %dma_wait3A_52 = arith.constant 0 : i32
    %dma_wait3A_53 = arith.constant 0 : i32
    %dma_wait3A_54 = tpu.memref_slice %arg4[%add3A, %dma_wait3A_52, %dma_wait3A_53] : memref<32x40x512xi32, #tpu.memory_space<hbm>> -> memref<1x1x512xi32, #tpu.memory_space<hbm>>
    %dma_wait3A_55 = tpu.memref_squeeze %dma_wait3A_54 : memref<1x1x512xi32, #tpu.memory_space<hbm>> -> memref<512xi32, #tpu.memory_space<hbm>>
    %dma_wait3A_56 = arith.constant 0 : i32
    %dma_wait3A_57 = tpu.memref_slice %arg4[%add3A, %dma_wait3A_52, %dma_wait3A_56] : memref<32x40x512xi32, #tpu.memory_space<hbm>> -> memref<1x1x512xi32, #tpu.memory_space<hbm>>
    %dma_wait3A_58 = tpu.memref_squeeze %dma_wait3A_57 : memref<1x1x512xi32, #tpu.memory_space<hbm>> -> memref<512xi32, #tpu.memory_space<hbm>>
    tpu.wait_dma2 semaphore(%arg18 : memref<!tpu.dma_semaphore, #tpu.memory_space<semaphore_mem>>) src(%dma_wait3A_58 : memref<512xi32, #tpu.memory_space<hbm>>) dst(%arg11 : memref<512xi32, #tpu.memory_space<vmem>>)
    %dma_wait3A_59 = arith.constant 0 : i32
    %dma_wait3A_60 = arith.constant 0 : i32
    %dma_wait3A_61 = tpu.memref_slice %arg5[%add3A, %dma_wait3A_59, %dma_wait3A_60] : memref<32x40x512xi32, #tpu.memory_space<hbm>> -> memref<1x1x512xi32, #tpu.memory_space<hbm>>
    %dma_wait3A_62 = tpu.memref_squeeze %dma_wait3A_61 : memref<1x1x512xi32, #tpu.memory_space<hbm>> -> memref<512xi32, #tpu.memory_space<hbm>>
    %dma_wait3A_63 = arith.constant 0 : i32
    %dma_wait3A_64 = tpu.memref_slice %arg5[%add3A, %dma_wait3A_59, %dma_wait3A_63] : memref<32x40x512xi32, #tpu.memory_space<hbm>> -> memref<1x1x512xi32, #tpu.memory_space<hbm>>
    %dma_wait3A_65 = tpu.memref_squeeze %dma_wait3A_64 : memref<1x1x512xi32, #tpu.memory_space<hbm>> -> memref<512xi32, #tpu.memory_space<hbm>>
    tpu.wait_dma2 semaphore(%arg18 : memref<!tpu.dma_semaphore, #tpu.memory_space<semaphore_mem>>) src(%dma_wait3A_65 : memref<512xi32, #tpu.memory_space<hbm>>) dst(%arg13 : memref<512xi32, #tpu.memory_space<vmem>>)
    %dma_start3A_66 = arith.constant 0 : i32
    %dma_start3A_67 = arith.constant 0 : i32
    %dma_start3A_68 = tpu.memref_slice %arg22[%dma_start3A_66, %dma_start3A_67] : memref<10240x48xf32, #tpu.memory_space<vmem_shared>> -> memref<10240x48xf32, #tpu.memory_space<vmem_shared>>
    tpu.enqueue_indirect_dma source(%dma_start3A_68 : memref<10240x48xf32, #tpu.memory_space<vmem_shared>>) target(%arg15 : memref<512x48xf32, #tpu.memory_space<vmem>>) offsets(%arg11 : memref<512xi32, #tpu.memory_space<vmem>>) semaphore(%arg20 : memref<!tpu.dma_semaphore, #tpu.memory_space<semaphore_mem>>)
    %scan3A = arith.constant 0 : i32
    %scan3A_69 = arith.constant 0 : i32
    %scan3A_70 = arith.constant 20 : i32
    %scan3A_71 = arith.addi %scan3A_69, %scan3A_70 : i32
    %scan3A_72 = arith.constant 1 : i32
    scf.for %scan3A_79 = %scan3A_69 to %scan3A_71 step %scan3A_72  : i32 {
      %mul3A_80 = arith.constant 2 : i32
      %mul3A_81 = arith.muli %scan3A_79, %mul3A_80 : i32
      %add3A_82 = arith.constant 0 : i32
      %add3A_83 = arith.addi %mul3A_81, %add3A_82 : i32
      %add3A_84 = arith.constant 1 : i32
      %add3A_85 = arith.addi %add3A_83, %add3A_84 : i32
      %lt3A = arith.constant 40 : i32
      %lt3A_86 = arith.cmpi slt, %add3A_85, %lt3A : i32
      %convert_element_type3A_87 = arith.extui %lt3A_86 : i1 to i32
      %cond3A_88 = arith.constant 0 : i32
      %cond3A_89 = arith.cmpi ne, %convert_element_type3A_87, %cond3A_88 : i32
      scf.if %cond3A_89 {
        %dma_wait3A_121 = arith.constant 0 : i32
        %dma_wait3A_122 = arith.constant 0 : i32
        %dma_wait3A_123 = tpu.memref_slice %arg4[%add3A, %dma_wait3A_121, %dma_wait3A_122] : memref<32x40x512xi32, #tpu.memory_space<hbm>> -> memref<1x1x512xi32, #tpu.memory_space<hbm>>
        %dma_wait3A_124 = tpu.memref_squeeze %dma_wait3A_123 : memref<1x1x512xi32, #tpu.memory_space<hbm>> -> memref<512xi32, #tpu.memory_space<hbm>>
        %dma_wait3A_125 = arith.constant 0 : i32
        %dma_wait3A_126 = tpu.memref_slice %arg4[%add3A, %dma_wait3A_121, %dma_wait3A_125] : memref<32x40x512xi32, #tpu.memory_space<hbm>> -> memref<1x1x512xi32, #tpu.memory_space<hbm>>
        %dma_wait3A_127 = tpu.memref_squeeze %dma_wait3A_126 : memref<1x1x512xi32, #tpu.memory_space<hbm>> -> memref<512xi32, #tpu.memory_space<hbm>>
        tpu.wait_dma2 semaphore(%arg19 : memref<!tpu.dma_semaphore, #tpu.memory_space<semaphore_mem>>) src(%dma_wait3A_127 : memref<512xi32, #tpu.memory_space<hbm>>) dst(%arg12 : memref<512xi32, #tpu.memory_space<vmem>>)
        %dma_wait3A_128 = arith.constant 0 : i32
        %dma_wait3A_129 = arith.constant 0 : i32
        %dma_wait3A_130 = tpu.memref_slice %arg5[%add3A, %dma_wait3A_128, %dma_wait3A_129] : memref<32x40x512xi32, #tpu.memory_space<hbm>> -> memref<1x1x512xi32, #tpu.memory_space<hbm>>
        %dma_wait3A_131 = tpu.memref_squeeze %dma_wait3A_130 : memref<1x1x512xi32, #tpu.memory_space<hbm>> -> memref<512xi32, #tpu.memory_space<hbm>>
        %dma_wait3A_132 = arith.constant 0 : i32
        %dma_wait3A_133 = tpu.memref_slice %arg5[%add3A, %dma_wait3A_128, %dma_wait3A_132] : memref<32x40x512xi32, #tpu.memory_space<hbm>> -> memref<1x1x512xi32, #tpu.memory_space<hbm>>
        %dma_wait3A_134 = tpu.memref_squeeze %dma_wait3A_133 : memref<1x1x512xi32, #tpu.memory_space<hbm>> -> memref<512xi32, #tpu.memory_space<hbm>>
        tpu.wait_dma2 semaphore(%arg19 : memref<!tpu.dma_semaphore, #tpu.memory_space<semaphore_mem>>) src(%dma_wait3A_134 : memref<512xi32, #tpu.memory_space<hbm>>) dst(%arg14 : memref<512xi32, #tpu.memory_space<vmem>>)
        %dma_start3A_135 = arith.constant 0 : i32
        %dma_start3A_136 = arith.constant 0 : i32
        %dma_start3A_137 = tpu.memref_slice %arg22[%dma_start3A_135, %dma_start3A_136] : memref<10240x48xf32, #tpu.memory_space<vmem_shared>> -> memref<10240x48xf32, #tpu.memory_space<vmem_shared>>
        tpu.enqueue_indirect_dma source(%dma_start3A_137 : memref<10240x48xf32, #tpu.memory_space<vmem_shared>>) target(%arg16 : memref<512x48xf32, #tpu.memory_space<vmem>>) offsets(%arg12 : memref<512xi32, #tpu.memory_space<vmem>>) semaphore(%arg21 : memref<!tpu.dma_semaphore, #tpu.memory_space<semaphore_mem>>)
      } else {
      }
      %dma_wait3A_90 = arith.constant 0 : i32
      %dma_wait3A_91 = arith.constant 0 : i32
      %dma_wait3A_92 = tpu.memref_slice %arg22[%dma_wait3A_90, %dma_wait3A_91] : memref<10240x48xf32, #tpu.memory_space<vmem_shared>> -> memref<10240x48xf32, #tpu.memory_space<vmem_shared>>
      tpu.wait_indirect_dma semaphore(%arg20 : memref<!tpu.dma_semaphore, #tpu.memory_space<semaphore_mem>>) src(%dma_wait3A_92 : memref<10240x48xf32, #tpu.memory_space<vmem_shared>>) dst(%arg15 : memref<512x48xf32, #tpu.memory_space<vmem>>)
      "tpu.region"() ({
        %run_scoped3A_121 = tpu.sem_alloc : memref<!tpu.dma_semaphore, #tpu.memory_space<semaphore_mem>>
        %dma_start3A_122 = arith.constant 0 : i32
        %dma_start3A_123 = arith.constant 0 : i32
        %dma_start3A_124 = tpu.memref_slice %arg23[%dma_start3A_122, %dma_start3A_123] : memref<10240x48xf32, #tpu.memory_space<vmem_shared>> -> memref<10240x48xf32, #tpu.memory_space<vmem_shared>>
        tpu.enqueue_indirect_dma source(%arg15 : memref<512x48xf32, #tpu.memory_space<vmem>>) target(%dma_start3A_124 : memref<10240x48xf32, #tpu.memory_space<vmem_shared>>) offsets(%arg13 : memref<512xi32, #tpu.memory_space<vmem>>) semaphore(%run_scoped3A_121 : memref<!tpu.dma_semaphore, #tpu.memory_space<semaphore_mem>>) {add = true}
        %dma_wait3A_125 = arith.constant 0 : i32
        %dma_wait3A_126 = arith.constant 0 : i32
        %dma_wait3A_127 = tpu.memref_slice %arg23[%dma_wait3A_125, %dma_wait3A_126] : memref<10240x48xf32, #tpu.memory_space<vmem_shared>> -> memref<10240x48xf32, #tpu.memory_space<vmem_shared>>
        tpu.wait_indirect_dma semaphore(%run_scoped3A_121 : memref<!tpu.dma_semaphore, #tpu.memory_space<semaphore_mem>>) src(%arg15 : memref<512x48xf32, #tpu.memory_space<vmem>>) dst(%dma_wait3A_127 : memref<10240x48xf32, #tpu.memory_space<vmem_shared>>)
        tpu.yield
      }) : () -> ()
      %add3A_93 = arith.constant 2 : i32
      %add3A_94 = arith.addi %add3A_83, %add3A_93 : i32
      %lt3A_95 = arith.constant 40 : i32
      %lt3A_96 = arith.cmpi slt, %add3A_94, %lt3A_95 : i32
      %convert_element_type3A_97 = arith.extui %lt3A_96 : i1 to i32
      %cond3A_98 = arith.constant 0 : i32
      %cond3A_99 = arith.cmpi ne, %convert_element_type3A_97, %cond3A_98 : i32
      scf.if %cond3A_99 {
        %add3A_121 = arith.constant 2 : i32
        %add3A_122 = arith.addi %add3A_83, %add3A_121 : i32
        %dma_start3A_123 = arith.constant 0 : i32
        %dma_start3A_124 = tpu.memref_slice %arg4[%add3A, %add3A_122, %dma_start3A_123] : memref<32x40x512xi32, #tpu.memory_space<hbm>> -> memref<1x1x512xi32, #tpu.memory_space<hbm>>
        %dma_start3A_125 = tpu.memref_squeeze %dma_start3A_124 : memref<1x1x512xi32, #tpu.memory_space<hbm>> -> memref<512xi32, #tpu.memory_space<hbm>>
        %dma_start3A_126 = arith.constant 0 : i32
        %dma_start3A_127 = tpu.memref_slice %arg4[%add3A, %add3A_122, %dma_start3A_126] : memref<32x40x512xi32, #tpu.memory_space<hbm>> -> memref<1x1x512xi32, #tpu.memory_space<hbm>>
        %dma_start3A_128 = tpu.memref_squeeze %dma_start3A_127 : memref<1x1x512xi32, #tpu.memory_space<hbm>> -> memref<512xi32, #tpu.memory_space<hbm>>
        tpu.enqueue_dma source(%dma_start3A_128 : memref<512xi32, #tpu.memory_space<hbm>>) target(%arg11 : memref<512xi32, #tpu.memory_space<vmem>>) target_semaphore(%arg18 : memref<!tpu.dma_semaphore, #tpu.memory_space<semaphore_mem>>)
        %dma_start3A_129 = arith.constant 0 : i32
        %dma_start3A_130 = tpu.memref_slice %arg5[%add3A, %add3A_122, %dma_start3A_129] : memref<32x40x512xi32, #tpu.memory_space<hbm>> -> memref<1x1x512xi32, #tpu.memory_space<hbm>>
        %dma_start3A_131 = tpu.memref_squeeze %dma_start3A_130 : memref<1x1x512xi32, #tpu.memory_space<hbm>> -> memref<512xi32, #tpu.memory_space<hbm>>
        %dma_start3A_132 = arith.constant 0 : i32
        %dma_start3A_133 = tpu.memref_slice %arg5[%add3A, %add3A_122, %dma_start3A_132] : memref<32x40x512xi32, #tpu.memory_space<hbm>> -> memref<1x1x512xi32, #tpu.memory_space<hbm>>
        %dma_start3A_134 = tpu.memref_squeeze %dma_start3A_133 : memref<1x1x512xi32, #tpu.memory_space<hbm>> -> memref<512xi32, #tpu.memory_space<hbm>>
        tpu.enqueue_dma source(%dma_start3A_134 : memref<512xi32, #tpu.memory_space<hbm>>) target(%arg13 : memref<512xi32, #tpu.memory_space<vmem>>) target_semaphore(%arg18 : memref<!tpu.dma_semaphore, #tpu.memory_space<semaphore_mem>>)
      } else {
      }
      %mul3A_100 = arith.constant 2 : i32
      %mul3A_101 = arith.muli %scan3A_79, %mul3A_100 : i32
      %add3A_102 = arith.constant 1 : i32
      %add3A_103 = arith.addi %mul3A_101, %add3A_102 : i32
      %add3A_104 = arith.constant 1 : i32
      %add3A_105 = arith.addi %add3A_103, %add3A_104 : i32
      %lt3A_106 = arith.constant 40 : i32
      %lt3A_107 = arith.cmpi slt, %add3A_105, %lt3A_106 : i32
      %convert_element_type3A_108 = arith.extui %lt3A_107 : i1 to i32
      %cond3A_109 = arith.constant 0 : i32
      %cond3A_110 = arith.cmpi ne, %convert_element_type3A_108, %cond3A_109 : i32
      scf.if %cond3A_110 {
        %dma_wait3A_121 = arith.constant 0 : i32
        %dma_wait3A_122 = arith.constant 0 : i32
        %dma_wait3A_123 = tpu.memref_slice %arg4[%add3A, %dma_wait3A_121, %dma_wait3A_122] : memref<32x40x512xi32, #tpu.memory_space<hbm>> -> memref<1x1x512xi32, #tpu.memory_space<hbm>>
        %dma_wait3A_124 = tpu.memref_squeeze %dma_wait3A_123 : memref<1x1x512xi32, #tpu.memory_space<hbm>> -> memref<512xi32, #tpu.memory_space<hbm>>
        %dma_wait3A_125 = arith.constant 0 : i32
        %dma_wait3A_126 = tpu.memref_slice %arg4[%add3A, %dma_wait3A_121, %dma_wait3A_125] : memref<32x40x512xi32, #tpu.memory_space<hbm>> -> memref<1x1x512xi32, #tpu.memory_space<hbm>>
        %dma_wait3A_127 = tpu.memref_squeeze %dma_wait3A_126 : memref<1x1x512xi32, #tpu.memory_space<hbm>> -> memref<512xi32, #tpu.memory_space<hbm>>
        tpu.wait_dma2 semaphore(%arg18 : memref<!tpu.dma_semaphore, #tpu.memory_space<semaphore_mem>>) src(%dma_wait3A_127 : memref<512xi32, #tpu.memory_space<hbm>>) dst(%arg11 : memref<512xi32, #tpu.memory_space<vmem>>)
        %dma_wait3A_128 = arith.constant 0 : i32
        %dma_wait3A_129 = arith.constant 0 : i32
        %dma_wait3A_130 = tpu.memref_slice %arg5[%add3A, %dma_wait3A_128, %dma_wait3A_129] : memref<32x40x512xi32, #tpu.memory_space<hbm>> -> memref<1x1x512xi32, #tpu.memory_space<hbm>>
        %dma_wait3A_131 = tpu.memref_squeeze %dma_wait3A_130 : memref<1x1x512xi32, #tpu.memory_space<hbm>> -> memref<512xi32, #tpu.memory_space<hbm>>
        %dma_wait3A_132 = arith.constant 0 : i32
        %dma_wait3A_133 = tpu.memref_slice %arg5[%add3A, %dma_wait3A_128, %dma_wait3A_132] : memref<32x40x512xi32, #tpu.memory_space<hbm>> -> memref<1x1x512xi32, #tpu.memory_space<hbm>>
        %dma_wait3A_134 = tpu.memref_squeeze %dma_wait3A_133 : memref<1x1x512xi32, #tpu.memory_space<hbm>> -> memref<512xi32, #tpu.memory_space<hbm>>
        tpu.wait_dma2 semaphore(%arg18 : memref<!tpu.dma_semaphore, #tpu.memory_space<semaphore_mem>>) src(%dma_wait3A_134 : memref<512xi32, #tpu.memory_space<hbm>>) dst(%arg13 : memref<512xi32, #tpu.memory_space<vmem>>)
        %dma_start3A_135 = arith.constant 0 : i32
        %dma_start3A_136 = arith.constant 0 : i32
        %dma_start3A_137 = tpu.memref_slice %arg22[%dma_start3A_135, %dma_start3A_136] : memref<10240x48xf32, #tpu.memory_space<vmem_shared>> -> memref<10240x48xf32, #tpu.memory_space<vmem_shared>>
        tpu.enqueue_indirect_dma source(%dma_start3A_137 : memref<10240x48xf32, #tpu.memory_space<vmem_shared>>) target(%arg15 : memref<512x48xf32, #tpu.memory_space<vmem>>) offsets(%arg11 : memref<512xi32, #tpu.memory_space<vmem>>) semaphore(%arg20 : memref<!tpu.dma_semaphore, #tpu.memory_space<semaphore_mem>>)
      } else {
      }
      %dma_wait3A_111 = arith.constant 0 : i32
      %dma_wait3A_112 = arith.constant 0 : i32
      %dma_wait3A_113 = tpu.memref_slice %arg22[%dma_wait3A_111, %dma_wait3A_112] : memref<10240x48xf32, #tpu.memory_space<vmem_shared>> -> memref<10240x48xf32, #tpu.memory_space<vmem_shared>>
      tpu.wait_indirect_dma semaphore(%arg21 : memref<!tpu.dma_semaphore, #tpu.memory_space<semaphore_mem>>) src(%dma_wait3A_113 : memref<10240x48xf32, #tpu.memory_space<vmem_shared>>) dst(%arg16 : memref<512x48xf32, #tpu.memory_space<vmem>>)
      "tpu.region"() ({
        %run_scoped3A_121 = tpu.sem_alloc : memref<!tpu.dma_semaphore, #tpu.memory_space<semaphore_mem>>
        %dma_start3A_122 = arith.constant 0 : i32
        %dma_start3A_123 = arith.constant 0 : i32
        %dma_start3A_124 = tpu.memref_slice %arg23[%dma_start3A_122, %dma_start3A_123] : memref<10240x48xf32, #tpu.memory_space<vmem_shared>> -> memref<10240x48xf32, #tpu.memory_space<vmem_shared>>
        tpu.enqueue_indirect_dma source(%arg16 : memref<512x48xf32, #tpu.memory_space<vmem>>) target(%dma_start3A_124 : memref<10240x48xf32, #tpu.memory_space<vmem_shared>>) offsets(%arg14 : memref<512xi32, #tpu.memory_space<vmem>>) semaphore(%run_scoped3A_121 : memref<!tpu.dma_semaphore, #tpu.memory_space<semaphore_mem>>) {add = true}
        %dma_wait3A_125 = arith.constant 0 : i32
        %dma_wait3A_126 = arith.constant 0 : i32
        %dma_wait3A_127 = tpu.memref_slice %arg23[%dma_wait3A_125, %dma_wait3A_126] : memref<10240x48xf32, #tpu.memory_space<vmem_shared>> -> memref<10240x48xf32, #tpu.memory_space<vmem_shared>>
        tpu.wait_indirect_dma semaphore(%run_scoped3A_121 : memref<!tpu.dma_semaphore, #tpu.memory_space<semaphore_mem>>) src(%arg16 : memref<512x48xf32, #tpu.memory_space<vmem>>) dst(%dma_wait3A_127 : memref<10240x48xf32, #tpu.memory_space<vmem_shared>>)
        tpu.yield
      }) : () -> ()
      %add3A_114 = arith.constant 2 : i32
      %add3A_115 = arith.addi %add3A_103, %add3A_114 : i32
      %lt3A_116 = arith.constant 40 : i32
      %lt3A_117 = arith.cmpi slt, %add3A_115, %lt3A_116 : i32
      %convert_element_type3A_118 = arith.extui %lt3A_117 : i1 to i32
      %cond3A_119 = arith.constant 0 : i32
      %cond3A_120 = arith.cmpi ne, %convert_element_type3A_118, %cond3A_119 : i32
      scf.if %cond3A_120 {
        %add3A_121 = arith.constant 2 : i32
        %add3A_122 = arith.addi %add3A_103, %add3A_121 : i32
        %dma_start3A_123 = arith.constant 0 : i32
        %dma_start3A_124 = tpu.memref_slice %arg4[%add3A, %add3A_122, %dma_start3A_123] : memref<32x40x512xi32, #tpu.memory_space<hbm>> -> memref<1x1x512xi32, #tpu.memory_space<hbm>>
        %dma_start3A_125 = tpu.memref_squeeze %dma_start3A_124 : memref<1x1x512xi32, #tpu.memory_space<hbm>> -> memref<512xi32, #tpu.memory_space<hbm>>
        %dma_start3A_126 = arith.constant 0 : i32
        %dma_start3A_127 = tpu.memref_slice %arg4[%add3A, %add3A_122, %dma_start3A_126] : memref<32x40x512xi32, #tpu.memory_space<hbm>> -> memref<1x1x512xi32, #tpu.memory_space<hbm>>
        %dma_start3A_128 = tpu.memref_squeeze %dma_start3A_127 : memref<1x1x512xi32, #tpu.memory_space<hbm>> -> memref<512xi32, #tpu.memory_space<hbm>>
        tpu.enqueue_dma source(%dma_start3A_128 : memref<512xi32, #tpu.memory_space<hbm>>) target(%arg12 : memref<512xi32, #tpu.memory_space<vmem>>) target_semaphore(%arg19 : memref<!tpu.dma_semaphore, #tpu.memory_space<semaphore_mem>>)
        %dma_start3A_129 = arith.constant 0 : i32
        %dma_start3A_130 = tpu.memref_slice %arg5[%add3A, %add3A_122, %dma_start3A_129] : memref<32x40x512xi32, #tpu.memory_space<hbm>> -> memref<1x1x512xi32, #tpu.memory_space<hbm>>
        %dma_start3A_131 = tpu.memref_squeeze %dma_start3A_130 : memref<1x1x512xi32, #tpu.memory_space<hbm>> -> memref<512xi32, #tpu.memory_space<hbm>>
        %dma_start3A_132 = arith.constant 0 : i32
        %dma_start3A_133 = tpu.memref_slice %arg5[%add3A, %add3A_122, %dma_start3A_132] : memref<32x40x512xi32, #tpu.memory_space<hbm>> -> memref<1x1x512xi32, #tpu.memory_space<hbm>>
        %dma_start3A_134 = tpu.memref_squeeze %dma_start3A_133 : memref<1x1x512xi32, #tpu.memory_space<hbm>> -> memref<512xi32, #tpu.memory_space<hbm>>
        tpu.enqueue_dma source(%dma_start3A_134 : memref<512xi32, #tpu.memory_space<hbm>>) target(%arg14 : memref<512xi32, #tpu.memory_space<vmem>>) target_semaphore(%arg19 : memref<!tpu.dma_semaphore, #tpu.memory_space<semaphore_mem>>)
      } else {
      }
    }
    %scan3A_73 = arith.constant 20 : i32
    %barrier3A_74 = arith.constant 0 : index
    tpu.barrier barrier_id(%barrier3A_74)
    %mul3A_75 = arith.constant 640 : i32
    %mul3A_76 = arith.muli %arg1, %mul3A_75 : i32
    %mul3A_77 = arith.constant 640 : i32
    %mul3A_78 = arith.muli %arg1, %mul3A_77 : i32
    "tpu.region"() ({
      %run_scoped3A_79 = tpu.sem_alloc : memref<!tpu.dma_semaphore, #tpu.memory_space<semaphore_mem>>
      %dma_start3A_80 = arith.constant 0 : i32
      %dma_start3A_81 = arith.constant 0 : i32
      %dma_start3A_82 = tpu.memref_slice %arg8[%arg0, %dma_start3A_80, %dma_start3A_81] : memref<2x10240x48xf32, #tpu.memory_space<hbm>> -> memref<1x10240x48xf32, #tpu.memory_space<hbm>>
      %dma_start3A_83 = tpu.memref_squeeze %dma_start3A_82 : memref<1x10240x48xf32, #tpu.memory_space<hbm>> -> memref<10240x48xf32, #tpu.memory_space<hbm>>
      %dma_start3A_84 = arith.constant 0 : i32
      %dma_start3A_85 = tpu.memref_slice %dma_start3A_83[%mul3A_78, %dma_start3A_84] : memref<10240x48xf32, #tpu.memory_space<hbm>> -> memref<640x48xf32, #tpu.memory_space<hbm>>
      %dma_start3A_86 = arith.constant 0 : i32
      %dma_start3A_87 = tpu.memref_slice %arg23[%mul3A_76, %dma_start3A_86] : memref<10240x48xf32, #tpu.memory_space<vmem_shared>> -> memref<640x48xf32, #tpu.memory_space<vmem_shared>>
      tpu.enqueue_dma source(%dma_start3A_87 : memref<640x48xf32, #tpu.memory_space<vmem_shared>>) target(%dma_start3A_85 : memref<640x48xf32, #tpu.memory_space<hbm>>) target_semaphore(%run_scoped3A_79 : memref<!tpu.dma_semaphore, #tpu.memory_space<semaphore_mem>>)
      %dma_wait3A_88 = arith.constant 0 : i32
      %dma_wait3A_89 = arith.constant 0 : i32
      %dma_wait3A_90 = tpu.memref_slice %arg8[%arg0, %dma_wait3A_88, %dma_wait3A_89] : memref<2x10240x48xf32, #tpu.memory_space<hbm>> -> memref<1x10240x48xf32, #tpu.memory_space<hbm>>
      %dma_wait3A_91 = tpu.memref_squeeze %dma_wait3A_90 : memref<1x10240x48xf32, #tpu.memory_space<hbm>> -> memref<10240x48xf32, #tpu.memory_space<hbm>>
      %dma_wait3A_92 = arith.constant 0 : i32
      %dma_wait3A_93 = tpu.memref_slice %dma_wait3A_91[%mul3A_78, %dma_wait3A_92] : memref<10240x48xf32, #tpu.memory_space<hbm>> -> memref<640x48xf32, #tpu.memory_space<hbm>>
      %dma_wait3A_94 = arith.constant 0 : i32
      %dma_wait3A_95 = tpu.memref_slice %arg23[%mul3A_76, %dma_wait3A_94] : memref<10240x48xf32, #tpu.memory_space<vmem_shared>> -> memref<640x48xf32, #tpu.memory_space<vmem_shared>>
      tpu.wait_dma2 semaphore(%run_scoped3A_79 : memref<!tpu.dma_semaphore, #tpu.memory_space<semaphore_mem>>) src(%dma_wait3A_95 : memref<640x48xf32, #tpu.memory_space<vmem_shared>>) dst(%dma_wait3A_93 : memref<640x48xf32, #tpu.memory_space<hbm>>)
      tpu.yield
    }) : () -> ()
    return
  }
}

module attributes {stable_mosaic.version = 14 : i64} {
  func.func @_table_body(%arg0: memref<64x64xf32, #tpu.memory_space<vmem>>, %arg1: memref<64x64xf32, #tpu.memory_space<vmem>>, %arg2: memref<128x128xf32, #tpu.memory_space<vmem>>, %arg3: memref<1x128xf32, #tpu.memory_space<vmem>>, %arg4: memref<1x128xf32, #tpu.memory_space<vmem>>, %arg5: memref<1x128xf32, #tpu.memory_space<vmem>>, %arg6: memref<4096x48xf32, #tpu.memory_space<vmem>>, %arg7: memref<4096x48xf32, #tpu.memory_space<vmem>>, %arg8: memref<4096x48xf32, #tpu.memory_space<vmem>>) attributes {dimension_semantics = [], scalar_prefetch = 0 : i64, scratch_operands = 0 : i64, tpu.core_type = #tpu.core_type<tc>} {
    %get3A = arith.constant 0 : index
    %get3A_0 = arith.constant 0 : index
    %get3A_1 = vector.load %arg0[%get3A, %get3A_0] : memref<64x64xf32, #tpu.memory_space<vmem>>, vector<64x64xf32>
    %get3A_2 = arith.constant 0 : index
    %get3A_3 = arith.constant 0 : index
    %get3A_4 = vector.load %arg2[%get3A_2, %get3A_3] : memref<128x128xf32, #tpu.memory_space<vmem>>, vector<64x128xf32>
    %dot_general3A = arith.constant dense<0.000000e+00> : vector<64x128xf32>
    %dot_general3A_5 = tpu.matmul %get3A_1, %get3A_4, %dot_general3A {dimension_numbers = #tpu.dot_dimension_numbers<[1], [0], [0], [1], [0, 0, 1, 1], [], []>, transpose_lhs_hint = false} : vector<64x64xf32>, vector<64x128xf32>, vector<64x128xf32> -> vector<64x128xf32>
    %get3A_6 = arith.constant 0 : index
    %get3A_7 = arith.constant 0 : index
    %get3A_8 = vector.load %arg1[%get3A_6, %get3A_7] : memref<64x64xf32, #tpu.memory_space<vmem>>, vector<64x64xf32>
    %get3A_9 = arith.constant 64 : index
    %get3A_10 = arith.constant 0 : index
    %get3A_11 = vector.load %arg2[%get3A_9, %get3A_10] : memref<128x128xf32, #tpu.memory_space<vmem>>, vector<64x128xf32>
    %dot_general3A_12 = arith.constant dense<0.000000e+00> : vector<64x128xf32>
    %dot_general3A_13 = tpu.matmul %get3A_8, %get3A_11, %dot_general3A_12 {dimension_numbers = #tpu.dot_dimension_numbers<[1], [0], [0], [1], [0, 0, 1, 1], [], []>, transpose_lhs_hint = false} : vector<64x64xf32>, vector<64x128xf32>, vector<64x128xf32> -> vector<64x128xf32>
    %broadcast_in_dim3A = vector.shape_cast %dot_general3A_5 : vector<64x128xf32> to vector<64x1x128xf32>
    %broadcast_in_dim3A_14 = vector.shape_cast %dot_general3A_13 : vector<64x128xf32> to vector<1x64x128xf32>
    %add3A = vector.broadcast %broadcast_in_dim3A : vector<64x1x128xf32> to vector<64x64x128xf32>
    %add3A_15 = vector.broadcast %broadcast_in_dim3A_14 : vector<1x64x128xf32> to vector<64x64x128xf32>
    %add3A_16 = arith.addf %add3A, %add3A_15 : vector<64x64x128xf32>
    %get3A_17 = arith.constant 0 : index
    %get3A_18 = arith.constant 0 : index
    %get3A_19 = vector.load %arg3[%get3A_17, %get3A_18] : memref<1x128xf32, #tpu.memory_space<vmem>>, vector<1x128xf32>
    %broadcast_in_dim3A_20 = vector.shape_cast %get3A_19 : vector<1x128xf32> to vector<1x1x128xf32>
    %add3A_21 = vector.broadcast %broadcast_in_dim3A_20 : vector<1x1x128xf32> to vector<64x64x128xf32>
    %add3A_22 = arith.addf %add3A_16, %add3A_21 : vector<64x64x128xf32>
    %max3A = arith.constant 0.000000e+00 : f32
    %max3A_23 = vector.broadcast %max3A : f32 to vector<64x64x128xf32>
    %max3A_24 = arith.maximumf %add3A_22, %max3A_23 : vector<64x64x128xf32>
    %reshape3A = vector.shape_cast %max3A_24 : vector<64x64x128xf32> to vector<4096x128xf32>
    %reduce_sum3A = arith.constant dense<0.000000e+00> : vector<4096xf32>
    %reduce_sum3A_25 = vector.multi_reduction <add>, %reshape3A, %reduce_sum3A [1] : vector<4096x128xf32> to vector<4096xf32>
    %broadcast_in_dim3A_26 = vector.shape_cast %reduce_sum3A_25 : vector<4096xf32> to vector<4096x1xf32>
    %div3A = arith.constant 1.280000e+02 : f32
    %div3A_27 = vector.broadcast %div3A : f32 to vector<4096x1xf32>
    %div3A_28 = arith.divf %broadcast_in_dim3A_26, %div3A_27 : vector<4096x1xf32>
    %sub3A = vector.broadcast %div3A_28 : vector<4096x1xf32> to vector<4096x128xf32>
    %sub3A_29 = arith.subf %reshape3A, %sub3A : vector<4096x128xf32>
    %integer_pow3A = arith.mulf %sub3A_29, %sub3A_29 : vector<4096x128xf32>
    %reduce_sum3A_30 = arith.constant dense<0.000000e+00> : vector<4096xf32>
    %reduce_sum3A_31 = vector.multi_reduction <add>, %integer_pow3A, %reduce_sum3A_30 [1] : vector<4096x128xf32> to vector<4096xf32>
    %broadcast_in_dim3A_32 = vector.shape_cast %reduce_sum3A_31 : vector<4096xf32> to vector<4096x1xf32>
    %div3A_33 = arith.constant 1.280000e+02 : f32
    %div3A_34 = vector.broadcast %div3A_33 : f32 to vector<4096x1xf32>
    %div3A_35 = arith.divf %broadcast_in_dim3A_32, %div3A_34 : vector<4096x1xf32>
    %sub3A_36 = vector.broadcast %div3A_28 : vector<4096x1xf32> to vector<4096x128xf32>
    %sub3A_37 = arith.subf %reshape3A, %sub3A_36 : vector<4096x128xf32>
    %add3A_38 = arith.constant 9.99999974E-6 : f32
    %add3A_39 = vector.broadcast %add3A_38 : f32 to vector<4096x1xf32>
    %add3A_40 = arith.addf %div3A_35, %add3A_39 : vector<4096x1xf32>
    %sqrt3A = math.sqrt %add3A_40 : vector<4096x1xf32>
    %div3A_41 = vector.broadcast %sqrt3A : vector<4096x1xf32> to vector<4096x128xf32>
    %div3A_42 = arith.divf %sub3A_37, %div3A_41 : vector<4096x128xf32>
    %get3A_43 = arith.constant 0 : index
    %get3A_44 = arith.constant 0 : index
    %get3A_45 = vector.load %arg4[%get3A_43, %get3A_44] : memref<1x128xf32, #tpu.memory_space<vmem>>, vector<1x128xf32>
    %mul3A = vector.broadcast %get3A_45 : vector<1x128xf32> to vector<4096x128xf32>
    %mul3A_46 = arith.mulf %div3A_42, %mul3A : vector<4096x128xf32>
    %get3A_47 = arith.constant 0 : index
    %get3A_48 = arith.constant 0 : index
    %get3A_49 = vector.load %arg5[%get3A_47, %get3A_48] : memref<1x128xf32, #tpu.memory_space<vmem>>, vector<1x128xf32>
    %add3A_50 = vector.broadcast %get3A_49 : vector<1x128xf32> to vector<4096x128xf32>
    %add3A_51 = arith.addf %mul3A_46, %add3A_50 : vector<4096x128xf32>
    %slice3A = vector.extract_strided_slice %add3A_51 {offsets = [0, 0], sizes = [4096, 48], strides = [1, 1]} : vector<4096x128xf32> to vector<4096x48xf32>
    %swap3A = arith.constant 0 : index
    %swap3A_52 = arith.constant 0 : index
    %swap3A_53 = vector.load %arg6[%swap3A, %swap3A_52] : memref<4096x48xf32, #tpu.memory_space<vmem>>, vector<4096x48xf32>
    tpu.vector_store %arg6[%swap3A, %swap3A_52], %slice3A {strides = array<i32>} : memref<4096x48xf32, #tpu.memory_space<vmem>>, vector<4096x48xf32>,
    %slice3A_54 = vector.extract_strided_slice %add3A_51 {offsets = [0, 48], sizes = [4096, 48], strides = [1, 1]} : vector<4096x128xf32> to vector<4096x48xf32>
    %swap3A_55 = arith.constant 0 : index
    %swap3A_56 = arith.constant 0 : index
    %swap3A_57 = vector.load %arg7[%swap3A_55, %swap3A_56] : memref<4096x48xf32, #tpu.memory_space<vmem>>, vector<4096x48xf32>
    tpu.vector_store %arg7[%swap3A_55, %swap3A_56], %slice3A_54 {strides = array<i32>} : memref<4096x48xf32, #tpu.memory_space<vmem>>, vector<4096x48xf32>,
    %broadcast_in_dim3A_58 = arith.constant 1.000000e+00 : f32
    %broadcast_in_dim3A_59 = vector.broadcast %broadcast_in_dim3A_58 : f32 to vector<4096x1xf32>
    %broadcast_in_dim3A_60 = arith.constant 0.000000e+00 : f32
    %broadcast_in_dim3A_61 = vector.broadcast %broadcast_in_dim3A_60 : f32 to vector<4096x15xf32>
    %slice3A_62 = vector.extract_strided_slice %add3A_51 {offsets = [0, 96], sizes = [4096, 32], strides = [1, 1]} : vector<4096x128xf32> to vector<4096x32xf32>
    %concatenate3A = tpu.concatenate %slice3A_62, %broadcast_in_dim3A_59, %broadcast_in_dim3A_61 in 1 : vector<4096x32xf32>, vector<4096x1xf32>, vector<4096x15xf32> -> vector<4096x48xf32>
    %swap3A_63 = arith.constant 0 : index
    %swap3A_64 = arith.constant 0 : index
    %swap3A_65 = vector.load %arg8[%swap3A_63, %swap3A_64] : memref<4096x48xf32, #tpu.memory_space<vmem>>, vector<4096x48xf32>
    tpu.vector_store %arg8[%swap3A_63, %swap3A_64], %concatenate3A {strides = array<i32>} : memref<4096x48xf32, #tpu.memory_space<vmem>>, vector<4096x48xf32>,
    return
  }
}

module attributes {stable_mosaic.version = 14 : i64} {
  func.func @_final_body(%arg0: i32, %arg1: memref<512x48xf32, #tpu.memory_space<vmem>>, %arg2: memref<512x48xf32, #tpu.memory_space<vmem>>, %arg3: memref<512x48xf32, #tpu.memory_space<vmem>>, %arg4: memref<2x512x48xf32, #tpu.memory_space<vmem>>, %arg5: memref<2x512x48xf32, #tpu.memory_space<vmem>>, %arg6: memref<2x512x48xf32, #tpu.memory_space<vmem>>, %arg7: memref<256x128xf32, #tpu.memory_space<vmem>>, %arg8: memref<1x128xf32, #tpu.memory_space<vmem>>, %arg9: memref<1x128xf32, #tpu.memory_space<vmem>>, %arg10: memref<1x128xf32, #tpu.memory_space<vmem>>, %arg11: memref<128x128xf32, #tpu.memory_space<vmem>>, %arg12: memref<1x128xf32, #tpu.memory_space<vmem>>, %arg13: memref<1x128xf32, #tpu.memory_space<vmem>>, %arg14: memref<1x128xf32, #tpu.memory_space<vmem>>) attributes {dimension_semantics = [#tpu.dimension_semantics<arbitrary>], iteration_bounds = array<i64: 20>, scalar_prefetch = 0 : i64, scratch_operands = 1 : i64, tpu.core_type = #tpu.core_type<tc>, window_params = [{transform_indices = @transform_0, window_bounds = array<i64: 512, 48>}, {transform_indices = @transform_1, window_bounds = array<i64: 512, 48>}, {transform_indices = @transform_2, window_bounds = array<i64: 512, 48>}, {transform_indices = @transform_3, window_bounds = array<i64: 2, 512, 48>}, {transform_indices = @transform_4, window_bounds = array<i64: 2, 512, 48>}, {transform_indices = @transform_5, window_bounds = array<i64: 2, 512, 48>}, {pipeline_mode = #tpu.pipeline_mode<synchronous>, transform_indices = @transform_6, window_bounds = array<i64: 256, 128>}, {pipeline_mode = #tpu.pipeline_mode<synchronous>, transform_indices = @transform_7, window_bounds = array<i64: 1, 128>}, {pipeline_mode = #tpu.pipeline_mode<synchronous>, transform_indices = @transform_8, window_bounds = array<i64: 1, 128>}, {pipeline_mode = #tpu.pipeline_mode<synchronous>, transform_indices = @transform_9, window_bounds = array<i64: 1, 128>}, {pipeline_mode = #tpu.pipeline_mode<synchronous>, transform_indices = @transform_10, window_bounds = array<i64: 128, 128>}, {pipeline_mode = #tpu.pipeline_mode<synchronous>, transform_indices = @transform_11, window_bounds = array<i64: 1, 128>}, {pipeline_mode = #tpu.pipeline_mode<synchronous>, transform_indices = @transform_12, window_bounds = array<i64: 1, 128>}]} {
    %eq3A = arith.constant 0 : i32
    %eq3A_0 = arith.cmpi eq, %arg0, %eq3A : i32
    %convert_element_type3A = arith.extui %eq3A_0 : i1 to i32
    %cond3A = arith.constant 0 : i32
    %cond3A_1 = arith.cmpi ne, %convert_element_type3A, %cond3A : i32
    scf.if %cond3A_1 {
      %broadcast_in_dim3A_142 = arith.constant 0.000000e+00 : f32
      %broadcast_in_dim3A_143 = vector.broadcast %broadcast_in_dim3A_142 : f32 to vector<1x128xf32>
      %swap3A_144 = arith.constant 0 : index
      %swap3A_145 = arith.constant 0 : index
      %swap3A_146 = vector.load %arg14[%swap3A_144, %swap3A_145] : memref<1x128xf32, #tpu.memory_space<vmem>>, vector<1x128xf32>
      tpu.vector_store %arg14[%swap3A_144, %swap3A_145], %broadcast_in_dim3A_143 {strides = array<i32>} : memref<1x128xf32, #tpu.memory_space<vmem>>, vector<1x128xf32>,
    } else {
    }
    %get3A = arith.constant 0 : index
    %get3A_2 = arith.constant 0 : index
    %get3A_3 = arith.constant 0 : index
    %get3A_4 = vector.load %arg4[%get3A, %get3A_2, %get3A_3] : memref<2x512x48xf32, #tpu.memory_space<vmem>>, vector<1x512x48xf32>
    %get3A_5 = vector.shape_cast %get3A_4 : vector<1x512x48xf32> to vector<512x48xf32>
    %get3A_6 = arith.constant 1 : index
    %get3A_7 = arith.constant 0 : index
    %get3A_8 = arith.constant 0 : index
    %get3A_9 = vector.load %arg4[%get3A_6, %get3A_7, %get3A_8] : memref<2x512x48xf32, #tpu.memory_space<vmem>>, vector<1x512x48xf32>
    %get3A_10 = vector.shape_cast %get3A_9 : vector<1x512x48xf32> to vector<512x48xf32>
    %add3A = arith.addf %get3A_5, %get3A_10 : vector<512x48xf32>
    %get3A_11 = arith.constant 0 : index
    %get3A_12 = arith.constant 0 : index
    %get3A_13 = arith.constant 0 : index
    %get3A_14 = vector.load %arg5[%get3A_11, %get3A_12, %get3A_13] : memref<2x512x48xf32, #tpu.memory_space<vmem>>, vector<1x512x48xf32>
    %get3A_15 = vector.shape_cast %get3A_14 : vector<1x512x48xf32> to vector<512x48xf32>
    %get3A_16 = arith.constant 1 : index
    %get3A_17 = arith.constant 0 : index
    %get3A_18 = arith.constant 0 : index
    %get3A_19 = vector.load %arg5[%get3A_16, %get3A_17, %get3A_18] : memref<2x512x48xf32, #tpu.memory_space<vmem>>, vector<1x512x48xf32>
    %get3A_20 = vector.shape_cast %get3A_19 : vector<1x512x48xf32> to vector<512x48xf32>
    %add3A_21 = arith.addf %get3A_15, %get3A_20 : vector<512x48xf32>
    %get3A_22 = arith.constant 0 : index
    %get3A_23 = arith.constant 0 : index
    %get3A_24 = arith.constant 0 : index
    %get3A_25 = vector.load %arg6[%get3A_22, %get3A_23, %get3A_24] : memref<2x512x48xf32, #tpu.memory_space<vmem>>, vector<1x512x48xf32>
    %get3A_26 = vector.shape_cast %get3A_25 : vector<1x512x48xf32> to vector<512x48xf32>
    %get3A_27 = arith.constant 1 : index
    %get3A_28 = arith.constant 0 : index
    %get3A_29 = arith.constant 0 : index
    %get3A_30 = vector.load %arg6[%get3A_27, %get3A_28, %get3A_29] : memref<2x512x48xf32, #tpu.memory_space<vmem>>, vector<1x512x48xf32>
    %get3A_31 = vector.shape_cast %get3A_30 : vector<1x512x48xf32> to vector<512x48xf32>
    %add3A_32 = arith.addf %get3A_26, %get3A_31 : vector<512x48xf32>
    %slice3A = vector.extract_strided_slice %add3A_32 {offsets = [0, 32], sizes = [512, 1], strides = [1, 1]} : vector<512x48xf32> to vector<512x1xf32>
    %max3A = arith.constant 1.000000e+00 : f32
    %max3A_33 = vector.broadcast %max3A : f32 to vector<512x1xf32>
    %max3A_34 = arith.maximumf %slice3A, %max3A_33 : vector<512x1xf32>
    %get3A_35 = arith.constant 0 : index
    %get3A_36 = arith.constant 0 : index
    %get3A_37 = vector.load %arg1[%get3A_35, %get3A_36] : memref<512x48xf32, #tpu.memory_space<vmem>>, vector<512x48xf32>
    %get3A_38 = arith.constant 0 : index
    %get3A_39 = arith.constant 0 : index
    %get3A_40 = vector.load %arg7[%get3A_38, %get3A_39] : memref<256x128xf32, #tpu.memory_space<vmem>>, vector<48x128xf32>
    %dot_general3A = arith.constant dense<0.000000e+00> : vector<512x128xf32>
    %dot_general3A_41 = tpu.matmul %get3A_37, %get3A_40, %dot_general3A {dimension_numbers = #tpu.dot_dimension_numbers<[1], [0], [0], [1], [0, 0, 1, 1], [], []>, transpose_lhs_hint = false} : vector<512x48xf32>, vector<48x128xf32>, vector<512x128xf32> -> vector<512x128xf32>
    %get3A_42 = arith.constant 0 : index
    %get3A_43 = arith.constant 0 : index
    %get3A_44 = vector.load %arg2[%get3A_42, %get3A_43] : memref<512x48xf32, #tpu.memory_space<vmem>>, vector<512x48xf32>
    %get3A_45 = arith.constant 48 : index
    %get3A_46 = arith.constant 0 : index
    %get3A_47 = vector.load %arg7[%get3A_45, %get3A_46] : memref<256x128xf32, #tpu.memory_space<vmem>>, vector<48x128xf32>
    %dot_general3A_48 = arith.constant dense<0.000000e+00> : vector<512x128xf32>
    %dot_general3A_49 = tpu.matmul %get3A_44, %get3A_47, %dot_general3A_48 {dimension_numbers = #tpu.dot_dimension_numbers<[1], [0], [0], [1], [0, 0, 1, 1], [], []>, transpose_lhs_hint = false} : vector<512x48xf32>, vector<48x128xf32>, vector<512x128xf32> -> vector<512x128xf32>
    %add3A_50 = arith.addf %dot_general3A_41, %dot_general3A_49 : vector<512x128xf32>
    %get3A_51 = arith.constant 0 : index
    %get3A_52 = arith.constant 0 : index
    %get3A_53 = vector.load %arg3[%get3A_51, %get3A_52] : memref<512x48xf32, #tpu.memory_space<vmem>>, vector<512x32xf32>
    %get3A_54 = arith.constant 96 : index
    %get3A_55 = arith.constant 0 : index
    %get3A_56 = vector.load %arg7[%get3A_54, %get3A_55] : memref<256x128xf32, #tpu.memory_space<vmem>>, vector<32x128xf32>
    %dot_general3A_57 = arith.constant dense<0.000000e+00> : vector<512x128xf32>
    %dot_general3A_58 = tpu.matmul %get3A_53, %get3A_56, %dot_general3A_57 {dimension_numbers = #tpu.dot_dimension_numbers<[1], [0], [0], [1], [0, 0, 1, 1], [], []>, transpose_lhs_hint = false} : vector<512x32xf32>, vector<32x128xf32>, vector<512x128xf32> -> vector<512x128xf32>
    %add3A_59 = arith.addf %add3A_50, %dot_general3A_58 : vector<512x128xf32>
    %div3A = vector.broadcast %max3A_34 : vector<512x1xf32> to vector<512x48xf32>
    %div3A_60 = arith.divf %add3A, %div3A : vector<512x48xf32>
    %get3A_61 = arith.constant 128 : index
    %get3A_62 = arith.constant 0 : index
    %get3A_63 = vector.load %arg7[%get3A_61, %get3A_62] : memref<256x128xf32, #tpu.memory_space<vmem>>, vector<48x128xf32>
    %dot_general3A_64 = arith.constant dense<0.000000e+00> : vector<512x128xf32>
    %dot_general3A_65 = tpu.matmul %div3A_60, %get3A_63, %dot_general3A_64 {dimension_numbers = #tpu.dot_dimension_numbers<[1], [0], [0], [1], [0, 0, 1, 1], [], []>, transpose_lhs_hint = false} : vector<512x48xf32>, vector<48x128xf32>, vector<512x128xf32> -> vector<512x128xf32>
    %add3A_66 = arith.addf %add3A_59, %dot_general3A_65 : vector<512x128xf32>
    %div3A_67 = vector.broadcast %max3A_34 : vector<512x1xf32> to vector<512x48xf32>
    %div3A_68 = arith.divf %add3A_21, %div3A_67 : vector<512x48xf32>
    %get3A_69 = arith.constant 176 : index
    %get3A_70 = arith.constant 0 : index
    %get3A_71 = vector.load %arg7[%get3A_69, %get3A_70] : memref<256x128xf32, #tpu.memory_space<vmem>>, vector<48x128xf32>
    %dot_general3A_72 = arith.constant dense<0.000000e+00> : vector<512x128xf32>
    %dot_general3A_73 = tpu.matmul %div3A_68, %get3A_71, %dot_general3A_72 {dimension_numbers = #tpu.dot_dimension_numbers<[1], [0], [0], [1], [0, 0, 1, 1], [], []>, transpose_lhs_hint = false} : vector<512x48xf32>, vector<48x128xf32>, vector<512x128xf32> -> vector<512x128xf32>
    %add3A_74 = arith.addf %add3A_66, %dot_general3A_73 : vector<512x128xf32>
    %slice3A_75 = vector.extract_strided_slice %add3A_32 {offsets = [0, 0], sizes = [512, 32], strides = [1, 1]} : vector<512x48xf32> to vector<512x32xf32>
    %div3A_76 = vector.broadcast %max3A_34 : vector<512x1xf32> to vector<512x32xf32>
    %div3A_77 = arith.divf %slice3A_75, %div3A_76 : vector<512x32xf32>
    %get3A_78 = arith.constant 224 : index
    %get3A_79 = arith.constant 0 : index
    %get3A_80 = vector.load %arg7[%get3A_78, %get3A_79] : memref<256x128xf32, #tpu.memory_space<vmem>>, vector<32x128xf32>
    %dot_general3A_81 = arith.constant dense<0.000000e+00> : vector<512x128xf32>
    %dot_general3A_82 = tpu.matmul %div3A_77, %get3A_80, %dot_general3A_81 {dimension_numbers = #tpu.dot_dimension_numbers<[1], [0], [0], [1], [0, 0, 1, 1], [], []>, transpose_lhs_hint = false} : vector<512x32xf32>, vector<32x128xf32>, vector<512x128xf32> -> vector<512x128xf32>
    %add3A_83 = arith.addf %add3A_74, %dot_general3A_82 : vector<512x128xf32>
    %get3A_84 = arith.constant 0 : index
    %get3A_85 = arith.constant 0 : index
    %get3A_86 = vector.load %arg8[%get3A_84, %get3A_85] : memref<1x128xf32, #tpu.memory_space<vmem>>, vector<1x128xf32>
    %add3A_87 = vector.broadcast %get3A_86 : vector<1x128xf32> to vector<512x128xf32>
    %add3A_88 = arith.addf %add3A_83, %add3A_87 : vector<512x128xf32>
    %max3A_89 = arith.constant 0.000000e+00 : f32
    %max3A_90 = vector.broadcast %max3A_89 : f32 to vector<512x128xf32>
    %max3A_91 = arith.maximumf %add3A_88, %max3A_90 : vector<512x128xf32>
    %reduce_sum3A = arith.constant dense<0.000000e+00> : vector<512xf32>
    %reduce_sum3A_92 = vector.multi_reduction <add>, %max3A_91, %reduce_sum3A [1] : vector<512x128xf32> to vector<512xf32>
    %broadcast_in_dim3A = vector.shape_cast %reduce_sum3A_92 : vector<512xf32> to vector<512x1xf32>
    %div3A_93 = arith.constant 1.280000e+02 : f32
    %div3A_94 = vector.broadcast %div3A_93 : f32 to vector<512x1xf32>
    %div3A_95 = arith.divf %broadcast_in_dim3A, %div3A_94 : vector<512x1xf32>
    %sub3A = vector.broadcast %div3A_95 : vector<512x1xf32> to vector<512x128xf32>
    %sub3A_96 = arith.subf %max3A_91, %sub3A : vector<512x128xf32>
    %integer_pow3A = arith.mulf %sub3A_96, %sub3A_96 : vector<512x128xf32>
    %reduce_sum3A_97 = arith.constant dense<0.000000e+00> : vector<512xf32>
    %reduce_sum3A_98 = vector.multi_reduction <add>, %integer_pow3A, %reduce_sum3A_97 [1] : vector<512x128xf32> to vector<512xf32>
    %broadcast_in_dim3A_99 = vector.shape_cast %reduce_sum3A_98 : vector<512xf32> to vector<512x1xf32>
    %div3A_100 = arith.constant 1.280000e+02 : f32
    %div3A_101 = vector.broadcast %div3A_100 : f32 to vector<512x1xf32>
    %div3A_102 = arith.divf %broadcast_in_dim3A_99, %div3A_101 : vector<512x1xf32>
    %sub3A_103 = vector.broadcast %div3A_95 : vector<512x1xf32> to vector<512x128xf32>
    %sub3A_104 = arith.subf %max3A_91, %sub3A_103 : vector<512x128xf32>
    %add3A_105 = arith.constant 9.99999974E-6 : f32
    %add3A_106 = vector.broadcast %add3A_105 : f32 to vector<512x1xf32>
    %add3A_107 = arith.addf %div3A_102, %add3A_106 : vector<512x1xf32>
    %sqrt3A = math.sqrt %add3A_107 : vector<512x1xf32>
    %div3A_108 = vector.broadcast %sqrt3A : vector<512x1xf32> to vector<512x128xf32>
    %div3A_109 = arith.divf %sub3A_104, %div3A_108 : vector<512x128xf32>
    %get3A_110 = arith.constant 0 : index
    %get3A_111 = arith.constant 0 : index
    %get3A_112 = vector.load %arg9[%get3A_110, %get3A_111] : memref<1x128xf32, #tpu.memory_space<vmem>>, vector<1x128xf32>
    %mul3A = vector.broadcast %get3A_112 : vector<1x128xf32> to vector<512x128xf32>
    %mul3A_113 = arith.mulf %div3A_109, %mul3A : vector<512x128xf32>
    %get3A_114 = arith.constant 0 : index
    %get3A_115 = arith.constant 0 : index
    %get3A_116 = vector.load %arg10[%get3A_114, %get3A_115] : memref<1x128xf32, #tpu.memory_space<vmem>>, vector<1x128xf32>
    %add3A_117 = vector.broadcast %get3A_116 : vector<1x128xf32> to vector<512x128xf32>
    %add3A_118 = arith.addf %mul3A_113, %add3A_117 : vector<512x128xf32>
    %iota3A = tpu.iota {dimensions = array<i32: 0>} : vector<512x1xi32>
    %mul3A_119 = arith.constant 512 : i32
    %mul3A_120 = arith.muli %arg0, %mul3A_119 : i32
    %add3A_121 = vector.broadcast %mul3A_120 : i32 to vector<512x1xi32>
    %add3A_122 = arith.addi %iota3A, %add3A_121 : vector<512x1xi32>
    %lt3A = arith.constant 10000 : i32
    %lt3A_123 = vector.broadcast %lt3A : i32 to vector<512x1xi32>
    %lt3A_124 = arith.cmpi slt, %add3A_122, %lt3A_123 : vector<512x1xi32>
    %jit3A = arith.constant 0.000000e+00 : f32
    %broadcast_in_dim3A_125 = vector.shape_cast %lt3A_124 : vector<512x1xi1> to vector<512x1xi1>
    %broadcast_in_dim3A_126 = vector.broadcast %broadcast_in_dim3A_125 : vector<512x1xi1> to vector<512x128xi1>
    %broadcast_in_dim3A_127 = vector.broadcast %jit3A : f32 to vector<512x128xf32>
    %select_n3A = arith.select %broadcast_in_dim3A_126, %add3A_118, %broadcast_in_dim3A_127 : vector<512x128xi1>, vector<512x128xf32>
    %get3A_128 = arith.constant 0 : index
    %get3A_129 = arith.constant 0 : index
    %get3A_130 = vector.load %arg14[%get3A_128, %get3A_129] : memref<1x128xf32, #tpu.memory_space<vmem>>, vector<1x128xf32>
    %reduce_sum3A_131 = arith.constant dense<0.000000e+00> : vector<128xf32>
    %reduce_sum3A_132 = vector.multi_reduction <add>, %select_n3A, %reduce_sum3A_131 [0] : vector<512x128xf32> to vector<128xf32>
    %broadcast_in_dim3A_133 = vector.shape_cast %reduce_sum3A_132 : vector<128xf32> to vector<1x128xf32>
    %add3A_134 = arith.addf %get3A_130, %broadcast_in_dim3A_133 : vector<1x128xf32>
    %swap3A = arith.constant 0 : index
    %swap3A_135 = arith.constant 0 : index
    %swap3A_136 = vector.load %arg14[%swap3A, %swap3A_135] : memref<1x128xf32, #tpu.memory_space<vmem>>, vector<1x128xf32>
    tpu.vector_store %arg14[%swap3A, %swap3A_135], %add3A_134 {strides = array<i32>} : memref<1x128xf32, #tpu.memory_space<vmem>>, vector<1x128xf32>,
    %eq3A_137 = arith.constant 19 : i32
    %eq3A_138 = arith.cmpi eq, %arg0, %eq3A_137 : i32
    %convert_element_type3A_139 = arith.extui %eq3A_138 : i1 to i32
    %cond3A_140 = arith.constant 0 : i32
    %cond3A_141 = arith.cmpi ne, %convert_element_type3A_139, %cond3A_140 : i32
    scf.if %cond3A_141 {
      %get3A_142 = arith.constant 0 : index
      %get3A_143 = arith.constant 0 : index
      %get3A_144 = vector.load %arg14[%get3A_142, %get3A_143] : memref<1x128xf32, #tpu.memory_space<vmem>>, vector<1x128xf32>
      %div3A_145 = arith.constant 1.000000e+04 : f32
      %div3A_146 = vector.broadcast %div3A_145 : f32 to vector<1x128xf32>
      %div3A_147 = arith.divf %get3A_144, %div3A_146 : vector<1x128xf32>
      %get3A_148 = arith.constant 0 : index
      %get3A_149 = arith.constant 0 : index
      %get3A_150 = vector.load %arg11[%get3A_148, %get3A_149] : memref<128x128xf32, #tpu.memory_space<vmem>>, vector<128x128xf32>
      %dot_general3A_151 = arith.constant dense<0.000000e+00> : vector<1x128xf32>
      %dot_general3A_152 = tpu.matmul %div3A_147, %get3A_150, %dot_general3A_151 {dimension_numbers = #tpu.dot_dimension_numbers<[1], [0], [0], [1], [0, 0, 1, 1], [], []>, transpose_lhs_hint = false} : vector<1x128xf32>, vector<128x128xf32>, vector<1x128xf32> -> vector<1x128xf32>
      %get3A_153 = arith.constant 0 : index
      %get3A_154 = arith.constant 0 : index
      %get3A_155 = vector.load %arg12[%get3A_153, %get3A_154] : memref<1x128xf32, #tpu.memory_space<vmem>>, vector<1x128xf32>
      %add3A_156 = arith.addf %dot_general3A_152, %get3A_155 : vector<1x128xf32>
      %swap3A_157 = arith.constant 0 : index
      %swap3A_158 = arith.constant 0 : index
      %swap3A_159 = vector.load %arg13[%swap3A_157, %swap3A_158] : memref<1x128xf32, #tpu.memory_space<vmem>>, vector<1x128xf32>
      tpu.vector_store %arg13[%swap3A_157, %swap3A_158], %add3A_156 {strides = array<i32>} : memref<1x128xf32, #tpu.memory_space<vmem>>, vector<1x128xf32>,
    } else {
    }
    return
  }
  func.func @transform_0(%arg0: i32) -> (i32, i32) {
    %c0_i32 = arith.constant 0 : i32
    %c0_i32_0 = arith.constant 0 : i32
    return %arg0, %c0_i32 : i32, i32
  }
  func.func @transform_1(%arg0: i32) -> (i32, i32) {
    %c0_i32 = arith.constant 0 : i32
    %c0_i32_0 = arith.constant 0 : i32
    return %arg0, %c0_i32 : i32, i32
  }
  func.func @transform_2(%arg0: i32) -> (i32, i32) {
    %c0_i32 = arith.constant 0 : i32
    %c0_i32_0 = arith.constant 0 : i32
    return %arg0, %c0_i32 : i32, i32
  }
  func.func @transform_3(%arg0: i32) -> (i32, i32, i32) {
    %c0_i32 = arith.constant 0 : i32
    %c0_i32_0 = arith.constant 0 : i32
    %c0_i32_1 = arith.constant 0 : i32
    return %c0_i32, %arg0, %c0_i32_0 : i32, i32, i32
  }
  func.func @transform_4(%arg0: i32) -> (i32, i32, i32) {
    %c0_i32 = arith.constant 0 : i32
    %c0_i32_0 = arith.constant 0 : i32
    %c0_i32_1 = arith.constant 0 : i32
    return %c0_i32, %arg0, %c0_i32_0 : i32, i32, i32
  }
  func.func @transform_5(%arg0: i32) -> (i32, i32, i32) {
    %c0_i32 = arith.constant 0 : i32
    %c0_i32_0 = arith.constant 0 : i32
    %c0_i32_1 = arith.constant 0 : i32
    return %c0_i32, %arg0, %c0_i32_0 : i32, i32, i32
  }
  func.func @transform_6(%arg0: i32) -> (i32, i32) {
    %c0_i32 = arith.constant 0 : i32
    %c0_i32_0 = arith.constant 0 : i32
    %c0_i32_1 = arith.constant 0 : i32
    return %c0_i32, %c0_i32_0 : i32, i32
  }
  func.func @transform_7(%arg0: i32) -> (i32, i32) {
    %c0_i32 = arith.constant 0 : i32
    %c0_i32_0 = arith.constant 0 : i32
    %c0_i32_1 = arith.constant 0 : i32
    return %c0_i32, %c0_i32_0 : i32, i32
  }
  func.func @transform_8(%arg0: i32) -> (i32, i32) {
    %c0_i32 = arith.constant 0 : i32
    %c0_i32_0 = arith.constant 0 : i32
    %c0_i32_1 = arith.constant 0 : i32
    return %c0_i32, %c0_i32_0 : i32, i32
  }
  func.func @transform_9(%arg0: i32) -> (i32, i32) {
    %c0_i32 = arith.constant 0 : i32
    %c0_i32_0 = arith.constant 0 : i32
    %c0_i32_1 = arith.constant 0 : i32
    return %c0_i32, %c0_i32_0 : i32, i32
  }
  func.func @transform_10(%arg0: i32) -> (i32, i32) {
    %c0_i32 = arith.constant 0 : i32
    %c0_i32_0 = arith.constant 0 : i32
    %c0_i32_1 = arith.constant 0 : i32
    return %c0_i32, %c0_i32_0 : i32, i32
  }
  func.func @transform_11(%arg0: i32) -> (i32, i32) {
    %c0_i32 = arith.constant 0 : i32
    %c0_i32_0 = arith.constant 0 : i32
    %c0_i32_1 = arith.constant 0 : i32
    return %c0_i32, %c0_i32_0 : i32, i32
  }
  func.func @transform_12(%arg0: i32) -> (i32, i32) {
    %c0_i32 = arith.constant 0 : i32
    %c0_i32_0 = arith.constant 0 : i32
    %c0_i32_1 = arith.constant 0 : i32
    return %c0_i32, %c0_i32_0 : i32, i32
  }
}

</mosaic_0001>

<sc_bundles>
// kernel: kernel.10.cloned.1.call-start
scs
__scs_entry_jumppad:
0x0: {  	(pc) =	sbr.rel $0x88, $3  }
0x1: {  	(tag) =	ssettag $0x0;
	lr =	simm.s32 $0x1  }
0x2: {  	[smem:$0x3F92] =	sst lr;
	_ =	strace $0xD0000000  }
0x3: {  	_ = 	snop  }
0x4: {  	_ = 	snop  }
0x5: {  	_ = 	snop  }
0x6: {  	_ = 	snop  }
0x7: {  	_ = 	snop  }
__scs_overlays_trampoline_lowered:
0x8: {  	[smem:$0x3FA1] =	sst s0  }
0x9: {  	[smem:$0x3FA2] =	sst s1  }
0xa: {  	[smem:$0x3FA3] =	sst s2  }
0xb: {  	[smem:$0x3FA4] =	sst s3  }
0xc: {  	[smem:$0x3FA5] =	sst s4  }
0xd: {  	[smem:$0x3FA6] =	sst s5  }
0xe: {  	[smem:$0x3FA7] =	sst s6  }
0xf: {  	[smem:$0x3FA8] =	sst s7  }
0x10: {  	[smem:$0x3FA9] =	sst s8  }
0x11: {  	[smem:$0x3FAA] =	sst s9;
	s0 =	simm.s32 @!p0 $0x0  }
0x12: {  	s1 =	sld [smem:$0x3F90];
	s0 =	simm.s32 @p0 $0x1  }
0x13: {  	[smem:$0x3FAB] =	sst s0;
	s0 =	simm.s32 @!p1 $0x0  }
0x14: {  	s2 =	sld [smem:$0x3F8F];
	s0 =	simm.s32 @p1 $0x1  }
0x15: {  	[smem:$0x3FAC] =	sst s0;
	s0 =	simm.s32 @!p2 $0x0  }
0x16: {  	s3 =	sld [smem:$0x3FDB];
	s0 =	simm.s32 @p2 $0x1  }
0x17: {  	s4 =	simm.s32 $0x1BF5;
	[smem:$0x3FAE] =	sst s0  }
0x18: {  	s0 =	sld [smem:$0x3F91];
	_ =	swait.ge [sflag:s4], $0x0  }
0x19: {  	s7 =	sld [smem:$0x3F92]  }
0x1a: {  	s8 =	sadd.s32 $0xFFFFE003, lr  }
0x1b: {  	s9 =	sadd.s32 $0xFFFFFEF7, lr;
	s5 =	simm.s32 $0xFFFFFFFF;
	p2 =	slt.u32 s8, $0xFFFFF086  }
0x1c: {  	p1 =	slt.u32 s9, $0xF7A;
	s5 =	simm.s32 @!p2 $0x0  }
0x1d: {  	s5 =	simm.s32 @p1 $0x1;
	p0 =	seq.s32 s7, s2  }
0x1e: {  	s7 =	smul.u32 @!p0 $0xF7A, s2;
	p2 =	seq.s32 @!p0 s5, $0x0  }
0x1f: {  	s9 =	smul.u32 $0xF7A, s1;
	s8 =	simm.s32 @!p0 $0x1BF5;
	p2 =	por !p2, p0  }
0x20: {  	[sflag:s8] =	ssyncset.s32 @!p0 $0xFFFFF086;
	s6 =	sadd.s32 @!p0 s3, s7;
	s7 =	simm.s32 @!p0 $0x108  }
0x21: {  	s3 =	sadd.s32 s3, s9;
	s6 =	sadd.s32 @!p0 $0x88, s6;
	s7 =	simm.s32 @p2 $0x1082  }
0x22: {  	[simem:s7], [sflag:s8] =	dma.local @!p0 [hbm:s6], $0xF7A  }
0x23: {  	s9 =	sor.u32 $0xD0000000, s2;
	s6 =	simm.s32 $0x108;
	_ =	swait.ge @!p0 [sflag:s8], $0x0  }
0x24: {  	s3 =	sadd.s32 $0x88, s3;
	s6 =	simm.s32 @!p1 $0x1082;
	[sflag:s4] =	ssyncset.s32 $0xFFFFF086  }
0x25: {  	[simem:s6], [sflag:s4] =	dma.local [hbm:s3], $0xF7A  }
0x26: {  	[smem:$0x3F92] =	sst s1;
	(tag) =	ssettag s2;
	_ =	strace s9  }
0x27: {  	s1 =	sld [smem:$0x3FA2]  }
0x28: {  	s2 =	sld [smem:$0x3FA3]  }
0x29: {  	s4 =	sld [smem:$0x3FA5]  }
0x2a: {  	p0 =	seq.s32 s5, $0x0;
	s5 =	sld [smem:$0x3FA6]  }
0x2b: {  	s6 =	sld [smem:$0x3FA7]  }
0x2c: {  	s7 =	sld [smem:$0x3FA8]  }
0x2d: {  	s3 =	simm.s32 $0x108;
	s8 =	sld [smem:$0x3FA9]  }
0x2e: {  	s3 =	simm.s32 @!p0 $0x1082;
	s9 =	sld [smem:$0x3FAA]  }
0x2f: {  	lr =	sadd.s32 s0, s3;
	s0 =	sld [smem:$0x3FA1]  }
0x30: {  	s3 =	sld [smem:$0x3FA4]  }
0x31: {  	[smem:$0x3FAD] =	sst s10  }
0x32: {  	s10 =	sld [smem:$0x3FAB];
	_ =	sdelay $0x3  }
0x33: {  	p0 =	seq.s32 s10, $0x1;
	s10 =	sld [smem:$0x3FAD];
	_ =	sdelay $0x3  }
0x34: {  	[smem:$0x3FAD] =	sst s10  }
0x35: {  	s10 =	sld [smem:$0x3FAC];
	_ =	sdelay $0x3  }
0x36: {  	p1 =	seq.s32 s10, $0x1;
	s10 =	sld [smem:$0x3FAD];
	_ =	sdelay $0x3  }
0x37: {  	[smem:$0x3FAD] =	sst s10  }
0x38: {  	s10 =	sld [smem:$0x3FAE]  }
0x39: {  	_ = 	snop;
	(pc) =	sbr.ind lr, $3  }
0x3a: {  	_ = 	snop  }
0x3b: {  	_ = 	snop  }
0x3c: {  	p2 =	seq.s32 s10, $0x1;
	s10 =	sld [smem:$0x3FAD]  }
0x3d: {  	_ =	shalt  }
0x3e: {  	_ =	shalt  }
0x3f: {  	_ =	shalt  }
0x40: {  	_ =	shalt  }
0x41: {  	_ =	shalt  }
0x42: {  	_ =	shalt  }
0x43: {  	_ =	shalt  }
0x44: {  	_ =	shalt  }
0x45: {  	_ =	shalt  }
0x46: {  	_ =	shalt  }
0x47: {  	_ =	shalt  }
0x48: {  	_ =	shalt  }
0x49: {  	_ =	shalt  }
0x4a: {  	_ =	shalt  }
0x4b: {  	_ =	shalt  }
0x4c: {  	_ =	shalt  }
0x4d: {  	_ =	shalt  }
0x4e: {  	_ =	shalt  }
0x4f: {  	_ =	shalt  }
0x50: {  	_ =	shalt  }
0x51: {  	_ =	shalt  }
0x52: {  	_ =	shalt  }
0x53: {  	_ =	shalt  }
0x54: {  	_ =	shalt  }
0x55: {  	_ =	shalt  }
0x56: {  	_ =	shalt  }
0x57: {  	_ =	shalt  }
0x58: {  	_ =	shalt  }
0x59: {  	_ =	shalt  }
0x5a: {  	_ =	shalt  }
0x5b: {  	_ =	shalt  }
0x5c: {  	_ =	shalt  }
0x5d: {  	_ =	shalt  }
0x5e: {  	_ =	shalt  }
0x5f: {  	_ =	shalt  }
0x60: {  	_ =	shalt  }
0x61: {  	_ =	shalt  }
0x62: {  	_ =	shalt  }
0x63: {  	_ =	shalt  }
0x64: {  	_ =	shalt  }
0x65: {  	_ =	shalt  }
0x66: {  	_ =	shalt  }
0x67: {  	_ =	shalt  }
0x68: {  	_ =	shalt  }
0x69: {  	_ =	shalt  }
0x6a: {  	_ =	shalt  }
0x6b: {  	_ =	shalt  }
0x6c: {  	_ =	shalt  }
0x6d: {  	_ =	shalt  }
0x6e: {  	_ =	shalt  }
0x6f: {  	_ =	shalt  }
0x70: {  	_ =	shalt  }
0x71: {  	_ =	shalt  }
0x72: {  	_ =	shalt  }
0x73: {  	_ =	shalt  }
0x74: {  	_ =	shalt  }
0x75: {  	_ =	shalt  }
0x76: {  	_ =	shalt  }
0x77: {  	_ =	shalt  }
0x78: {  	_ =	shalt  }
0x79: {  	_ =	shalt  }
0x7a: {  	_ =	shalt  }
0x7b: {  	_ =	shalt  }
0x7c: {  	_ =	shalt  }
0x7d: {  	_ =	shalt  }
0x7e: {  	_ =	shalt  }
0x7f: {  	_ =	shalt  }
0x80: {  	_ =	shalt  }
0x81: {  	_ =	shalt  }
0x82: {  	_ =	shalt  }
0x83: {  	_ =	shalt  }
0x84: {  	_ =	shalt  }
0x85: {  	_ =	shalt  }
0x86: {  	_ =	shalt  }
0x87: {  	_ =	shalt  }
.Lfunc_end0:
.L_simem_size_0:
called_computation.1_lowered:
.L_overlay_start_0:
0x88: {  	s2 =	sld [smem:$0x3FD9]  }
0x89: {  	s3 =	sld [smem:$0x3FFE];
	_ =	sdelay $0x1  }
0x8a: {  	s1 =	srdreg.scid  }
0x8b: {  	s0 =	sand.u32 $0x1, s1  }
0x8c: {  	s17 =	sshll.u32 s0, $0xA;
	s2 =	sadd.s32 s3, s2  }
0x8d: {  	s2 =	sadd.s32 s2, s17  }
0x8e: {  	[smem:$0x3FB9] =	sst s2  }
0x8f: {  	_ = 	snop  }
0x90: {  	(tm) =	ssettm $0x1  }
0x91: {  	s18 =	sld [smem:$0x3FFB];
	_ =	sdelay $0x3  }
0x92: {  	_ =	strace s18  }
0x93: {  	s2 =	sld [smem:$0x3FFC];
	_ =	sdelay $0x3  }
0x94: {  	_ =	strace s2  }
0x95: {  	s2 =	sld [smem:$0x3FFD];
	_ =	sdelay $0x3  }
0x96: {  	_ =	strace s2  }
0x97: {  	_ =	strace $0x8FFFFFFF  }
0x98: {  	s19 =	sld [smem:$0x3FDB];
	_ =	sdelay $0x1  }
0x99: {  	s20 =	simm.s32 $_scs_section_size  }
0x9a: {  	s4 =	simm.s32 $_size__tile_overlayer_lowered;
	s5 =	simm.s32 $_tile_overlayer_lowered  }
0x9b: {  	s6 =	simm.s32 $0x1BFF;
	s21 =	sshll.u32 s5, $0x1;
	s3 =	sadd.s32 s20, s19  }
0x9c: {  	s22 =	simm.s32 $0x0;
	s4 =	sshll.u32 s4, $0x1;
	s5 =	sadd.s32 s21, s3  }
0x9d: {  	[timem:s22], [sflag:s6] =	dma.local [hbm:s5], s4  }
0x9e: {  	_ =	swait.ge [sflag:s6], s4  }
0x9f: {  	s4 =	ssub.s32 $0x0, s4;
	[sflag:s6] =	ssyncset.done $0x0  }
0xa0: {  	[sflag:s6] =	ssyncadd.s32 s4;
	_ =	sdelay $0x1  }
0xa1: {  	s23 =	simm.s32 $0x1B8B  }
0xa2: {  	_ =	swait.ge [sflag:s23], $0x1  }
0xa3: {  	[sflag:s23] =	ssyncset.done $0x0  }
0xa4: {  	[sflag:s23] =	ssyncadd.s32 $0xFFFFFFFF  }
0xa5: {  	s4 =	sld [smem:$0x0]  }
0xa6: {  	s5 =	sand.u32 $0xFFFFFFFE, s1  }
0xa7: {  	p0 =	sne.s32 s1, s5  }
0xa8: {  	s5 =	sshll.u32 @p0 s5, $0xE  }
0xa9: {  	s5 =	sadd.s32 @p0 $0x11B8D, s5;
	s6 =	sshll.u32 @p0 s4, $0x11  }
0xaa: {  	s5 =	sor.u32 @p0 s6, s5  }
0xab: {  	[sflag:s5] =	ssyncadd.remote.s32 @p0 $0x1;
	_ =	sdelay $0x1  }
0xac: {  	s5 =	simm.s32 @p0 $0x1B8D  }
0xad: {  	_ =	swait.eq @p0 [sflag:s5], $0x1  }
0xae: {  	[sflag:s5] =	ssyncadd.s32 @p0 $0xFFFFFFFF  }
0xaf: {  	s6 =	sshll.u32 @!p0 s1, $0xE  }
0xb0: {  	s6 =	sor.u32 @!p0 $0x4000, s6;
	s5 =	simm.s32 @!p0 $0x1B8D  }
0xb1: {  	s4 =	sshll.u32 @!p0 s4, $0x11;
	s6 =	sadd.s32 @!p0 $0x11B8D, s6;
	_ =	swait.eq @!p0 [sflag:s5], $0x1  }
0xb2: {  	s4 =	sor.u32 @!p0 s4, s6;
	[sflag:s5] =	ssyncadd.s32 @!p0 $0xFFFFFFFF  }
0xb3: {  	s25 =	simm.s32 $0x1B8E;
	s24 =	sld [smem:$0x3FFE];
	[sflag:s4] =	ssyncadd.remote.s32 @!p0 $0x1  }
0xb4: {  	s26 =	simm.s32 $execute0_lowered;
	[smem:$0x3FD2] =	sst s25  }
0xb5: {  	s5 =	sshll.u32 s26, $0x1;
	_ =	strace $0x80000049;
	[dreg:$0x1] =	wrdreg $0xFFFFFFFF  }
0xb6: {  	s28 =	simm.s32 $_size_execute0_lowered;
	s3 =	sadd.s32 s3, s5;
	[dreg:$0x0] =	wrdreg $0x0  }
0xb7: {  	s5 =	sshll.u32 s28, $0x1;
	[dreg:$0x2] =	wrdreg s3  }
0xb8: {  	[dreg:$0x3] =	wrdreg s5  }
0xb9: {  	[dreg:$0x4] =	wrdreg $0xC0  }
0xba: {  	_ =	task [dreg:s22], $0x5FFFF  }
0xbb: {  	[dreg:$0x1] =	wrdreg $0xFFFFFFFF  }
0xbc: {  	[dreg:$0x0] =	wrdreg $0x60  }
0xbd: {  	[dreg:$0x2] =	wrdreg s24  }
0xbe: {  	[dreg:$0x3] =	wrdreg $0x17D400  }
0xbf: {  	[dreg:$0x4] =	wrdreg $0x105400  }
0xc0: {  	[dreg:$0x5] =	wrdreg $0xA  }
0xc1: {  	_ =	task.clear_ibuf [dreg:s22], $0x6FFFF;
	_ =	strace $0x90000049  }
0xc2: {  	s29 =	simm.s32 $0xA;
	_ =	strace $0x8000004B  }
0xc3: {  	_ =	swait.ge [sflag:s29], $0x1  }
0xc4: {  	[sflag:s29] =	ssyncadd.s32 $0xFFFFFFFF  }
0xc5: {  	_ =	strace $0x9000004B  }
0xc6: {  	_ =	sfence  }
0xc7: {  	s30 =	sld [smem:$0x0];
	_ =	sdelay $0x2  }
0xc8: {  	s31 =	sshll.u32 s1, $0xD;
	s1 =	sshrl.u32 s1, $0x2  }
0xc9: {  	s4 =	sand.u32 $0x4000, s31;
	s1 =	sadd.s32 s1, s30  }
0xca: {  	s0 =	sor.u32 s4, s0;
	s1 =	sshll.u32 s1, $0x11  }
0xcb: {  	s0 =	sor.u32 s1, s0  }
0xcc: {  	s0 =	sadd.s32 $0x8F2B, s0  }
0xcd: {  	[sflag:s0] =	ssyncadd.remote.s32 $0x1  }
0xce: {  	_ =	sfence.sel $0xFFFF  }
0xcf: {  	[dreg:$0x0] =	wrdreg $0xFFFFFFFF;
	(pc) =	sbr.abs _section_cstart, $3  }
0xd0: {  	[dreg:$0x1] =	wrdreg $0xFFFFFFFF  }
0xd1: {  	_ =	task.clear_ibuf [dreg:s22], $0x2FFFF;
	_ =	strace $0x9FFFFFFF  }
0xd2: {  	(tm) =	ssettm $0x7FFFFFFF  }
0xd3: {  	_ =	shalt  }
tec
execute0_lowered:
.L_overlay_start_1:
0x0: {  	(tag) =	ssettag $0x1  }
0x1: {  	s0 =	rddreg [dreg:$0x0]  }
0x2: {  	s1 =	rddreg [dreg:$0x1]  }
0x3: {  	s3 =	rddreg [dreg:$0x2];
	s4 =	simm.s32 $0x0  }
0x4: {  	s18 =	stileid.u32;
	s6 =	srdreg.scid;
	s28 =	simm.s32 $0x3D40  }
0x5: {  	s29 =	simm.s32 $0x4140;
	s30 =	simm.s32 $0x3F40;
	s31 =	simm.s32 $0x4340  }
0x6: {  	[smem:$0x7FF] =	sst s4;
	s2 =	smul.u32 $0x7800, s18;
	s7 =	sadd.s32 $0x9600, s0  }
0x7: {  	s5 =	sadd.s32 $0x5FC00, s0;
	s6 =	sand.u32 $0x1, s6;
	s8 =	sadd.s32 $0x1DC00, s0  }
0x8: {  	s11 =	sadd.s32 $0x9C00, s0;
	s12 =	sadd.s32 $0x31C00, s0;
	s15 =	smul.u32 $0x280, s18  }
0x9: {  	s13 =	sshll.u32 s18, $0x1;
	s16 =	smul.u32 $0xA000, s18;
	_ =	strace $0x8000004A  }
0xa: {  	s10 =	smul.u32 $0xF000, s6;
	[dreg:$0x4] =	wrdreg s12;
	s22 =	ssub.s32 $0x2, s6  }
0xb: {  	s13 =	sor.u32 s6, s13;
	s17 =	smul.u32 $0x5000, s6;
	p0 =	sne.s32 s6, $0x0  }
0xc: {  	s6 =	simm.s32 $0x4540;
	s9 =	sshrl.u32 s2, $0x3;
	s14 =	sshrl.u32 s22, $0x1  }
0xd: {  	s23 =	sadd.s32 s2, s1;
	s13 =	smul.u32 $0x5000, s13;
	s24 =	sshrl.u32 s15, $0x3  }
0xe: {  	s15 =	sadd.s32 $0x140, s15;
	s12 =	sadd.s32 s9, s0;
	s0 =	sadd.s32 s10, s0  }
0xf: {  	s10 =	ssub.s32 s22, s14;
	[dreg:$0x5] =	wrdreg s23;
	s14 =	sadd.s32 s7, s24  }
0x10: {  	s25 =	sshrl.u32 s15, $0x3;
	s26 =	smul.u32 $0xC0, s15;
	s20 =	sadd.s32 s17, s16  }
0x11: {  	s24 =	sshll.u32 s18, $0x6;
	[dreg:$0x6] =	wrdreg s14;
	s7 =	sadd.s32 s7, s25  }
0x12: {  	s13 =	sshrl.u32 s13, $0x3;
	s22 =	sor.u32 $0x600, s20;
	s16 =	sor.u32 $0x400, s20  }
0x13: {  	s18 =	sor.u32 $0x1C06, s24;
	s0 =	sadd.s32 $0x65C00, s0;
	[dreg:$0x7] =	wrdreg s7  }
0x14: {  	s15 =	sadd.s32 s8, s13;
	s19 =	sor.u32 $0x40, s13;
	s13 =	sadd.s32 s11, s13  }
0x15: {  	s23 =	sshrl.u32 s16, $0x3;
	s25 =	sshrl.u32 s26, $0x2;
	s26 =	sadd.s32 $0x83C00, s12  }
0x16: {  	s24 =	sadd.s32 s9, s0;
	s0 =	simm.s32 $0x2;
	[dreg:$0x8] =	wrdreg s15  }
0x17: {  	s7 =	simm.s32 $0x3;
	s9 =	simm.s32 $0x4;
	[dreg:$0x9] =	wrdreg s13  }
0x18: {  	s21 =	sadd.s32 s8, s19;
	s14 =	sadd.s32 s11, s19;
	s13 =	sshrl.u32 s22, $0x3  }
0x19: {  	s16 =	sadd.s32 s23, s11;
	s17 =	sadd.s32 s23, s8;
	s19 =	sadd.s32 s2, s3  }
0x1a: {  	s2 =	sadd.s32 s25, s3;
	[dreg:$0xd] =	wrdreg s26;
	s22 =	smax.u32 s10, $0x1  }
0x1b: {  	s23 =	simm.s32 $0x6;
	s25 =	simm.s32 $0x140;
	[dreg:$0xa] =	wrdreg s21  }
0x1c: {  	s26 =	simm.s32 $0x1;
	s10 =	simm.s32 $0x5;
	[dreg:$0xb] =	wrdreg s14  }
0x1d: {  	s14 =	sadd.s32 s13, s11;
	s15 =	sadd.s32 s13, s8;
	[dreg:$0xc] =	wrdreg s2  }
0x1e: {  	s2 =	simm.s32 $0x200;
	s8 =	simm.s32 $0xA540;
	s11 =	simm.s32 $0x0  }
.LBB2_1:
0x1f: {  	s12 =	rddreg [dreg:$0x5]  }
0x20: {  	s13 =	rddreg [dreg:$0x4];
	s12 =	sshrl.u32 s12, $0x3  }
0x21: {  	[spmem:s12], [sflag:s18] =	dma.local [hbm:s13], $0xF00  }
0x22: {  	_ =	swait.ge [sflag:s23], $0xF00  }
0x23: {  	[sflag:s23] =	ssyncset.done $0x0  }
0x24: {  	s20 =	rddreg [dreg:$0x6];
	[sflag:s23] =	ssyncadd.s32 $0xFFFFF100  }
0x25: {  	[tilespmem:s4], [sflag:$0x6] =	stream.linear.gather [hbm4b:s20+s4], $0x140, $0x38;
	[tilespmem:$0x1F540] =	vst v63  }
0x26: {  	_ =	swait.ge [sflag:s23], $0x140  }
0x27: {  	[sflag:s23] =	ssyncset.done $0x0  }
0x28: {  	[sflag:s23] =	ssyncadd.s32 $0xFFFFFEC0  }
0x29: {  	[tilespmem:s25], [sflag:$0x1] =	stream.indirect.gather [hbm4b:s5+s25], $0x30, s4, s25, $0xb8;
	[tilespmem:$0x1F540] =	vst v63  }
0x2a: {  	_ =	swait.ge [sflag:s26], $0x3C00  }
0x2b: {  	[sflag:s26] =	ssyncset.done $0x0  }
0x2c: {  	[sflag:s26] =	ssyncadd.s32 $0xFFFFC400  }
0x2d: {  	[spmem:s19] =	stream.linear.scatter [tilespmem:s25], [sflag:$0x6], $0x3C00, $0x38;
	[tilespmem:$0x1F540] =	vst v63  }
0x2e: {  	_ =	swait.ge [sflag:s23], $0x3C00  }
0x2f: {  	[sflag:s23] =	ssyncset.done $0x0  }
0x30: {  	s21 =	rddreg [dreg:$0x7];
	[sflag:s23] =	ssyncadd.s32 $0xFFFFC400  }
0x31: {  	[tilespmem:s4], [sflag:$0x6] =	stream.linear.gather [hbm4b:s21+s4], $0x140, $0x38;
	[tilespmem:$0x1F540] =	vst v63  }
0x32: {  	_ =	swait.ge [sflag:s23], $0x140  }
0x33: {  	[sflag:s23] =	ssyncset.done $0x0  }
0x34: {  	[sflag:s23] =	ssyncadd.s32 $0xFFFFFEC0  }
0x35: {  	[tilespmem:s25], [sflag:$0x1] =	stream.indirect.gather [hbm4b:s5+s25], $0x30, s4, s25, $0xb8;
	[tilespmem:$0x1F540] =	vst v63  }
0x36: {  	_ =	swait.ge [sflag:s26], $0x3C00  }
0x37: {  	[sflag:s26] =	ssyncset.done $0x0  }
0x38: {  	s20 =	rddreg [dreg:$0xc];
	[sflag:s26] =	ssyncadd.s32 $0xFFFFC400  }
0x39: {  	[spmem:s20] =	stream.linear.scatter [tilespmem:s25], [sflag:$0x6], $0x3C00, $0x38;
	[tilespmem:$0x1F540] =	vst v63  }
0x3a: {  	_ =	swait.ge [sflag:s23], $0x3C00  }
0x3b: {  	[sflag:s23] =	ssyncset.done $0x0  }
0x3c: {  	s13 =	sshrl.u32 @!p0 s19, $0x3;
	s20 =	rddreg [dreg:$0xd];
	[sflag:s23] =	ssyncadd.s32 $0xFFFFC400  }
0x3d: {  	[hbm:s20], [sflag:s18] =	dma.local @!p0 [spmem:s13], $0xF00  }
0x3e: {  	s13 =	simm.s32 @!p0 $0x6  }
0x3f: {  	_ =	swait.ge @!p0 [sflag:s13], $0xF00  }
0x40: {  	[sflag:s13] =	ssyncset.done @!p0 $0x0  }
0x41: {  	[sflag:s13] =	ssyncadd.s32 @!p0 $0xFFFFF100  }
0x42: {  	[bflag:$0x0] =	sbarrier.arrive $0xFFFF  }
0x43: {  	s21 =	rddreg [dreg:$0x8]  }
0x44: {  	[tilespmem:s28], [sflag:$0x2] =	stream.linear.gather [hbm4b:s21+s4], $0x200, $0x38;
	[tilespmem:$0x1F540] =	vst v63  }
0x45: {  	s20 =	rddreg [dreg:$0x9]  }
0x46: {  	[tilespmem:s29], [sflag:$0x2] =	stream.linear.gather [hbm4b:s20+s4], $0x200, $0x38;
	[tilespmem:$0x1F540] =	vst v63  }
0x47: {  	s21 =	rddreg [dreg:$0xa]  }
0x48: {  	[tilespmem:s30], [sflag:$0x3] =	stream.linear.gather [hbm4b:s21+s4], $0x200, $0x38;
	[tilespmem:$0x1F540] =	vst v63  }
0x49: {  	s20 =	rddreg [dreg:$0xb]  }
0x4a: {  	[tilespmem:s31], [sflag:$0x3] =	stream.linear.gather [hbm4b:s20+s4], $0x200, $0x38;
	[tilespmem:$0x1F540] =	vst v63  }
0x4b: {  	_ =	swait.ge [sflag:s0], $0x200  }
0x4c: {  	[sflag:s0] =	ssyncset.done $0x0  }
0x4d: {  	[sflag:s0] =	ssyncadd.s32 $0xFFFFFE00  }
0x4e: {  	_ =	swait.ge [sflag:s0], $0x200  }
0x4f: {  	[sflag:s0] =	ssyncset.done $0x0  }
0x50: {  	[sflag:s0] =	ssyncadd.s32 $0xFFFFFE00  }
0x51: {  	[tilespmem:s6], [sflag:$0x4] =	stream.indirect.gather [spmem:s3], $0x30, s28, s2, $0xb8;
	[tilespmem:$0x1F540] =	vst v63  }
0x52: {  	_ =	swait.ge [sflag:s7], $0x200  }
0x53: {  	[sflag:s7] =	ssyncset.done $0x0  }
0x54: {  	[sflag:s7] =	ssyncadd.s32 $0xFFFFFE00  }
0x55: {  	_ =	swait.ge [sflag:s7], $0x200  }
0x56: {  	[sflag:s7] =	ssyncset.done $0x0  }
0x57: {  	[sflag:s7] =	ssyncadd.s32 $0xFFFFFE00  }
0x58: {  	[tilespmem:s8], [sflag:$0x5] =	stream.indirect.gather [spmem:s3], $0x30, s30, s2, $0xb8;
	[tilespmem:$0x1F540] =	vst v63  }
0x59: {  	_ =	swait.ge [sflag:s9], $0x6000  }
0x5a: {  	[sflag:s9] =	ssyncset.done $0x0  }
0x5b: {  	[sflag:s9] =	ssyncadd.s32 $0xFFFFA000  }
0x5c: {  	[spmem:s1] =	stream.indirect.scatter.add.f32 [tilespmem:s6], [sflag:$0x6], $0x30, s29, s2, $0xb8;
	[tilespmem:$0x1F540] =	vst v63  }
0x5d: {  	_ =	swait.ge [sflag:s23], $0x6000  }
0x5e: {  	[sflag:s23] =	ssyncset.done $0x0  }
0x5f: {  	s21 =	sadd.s32 $0x0, s17;
	[sflag:s23] =	ssyncadd.s32 $0xFFFFA000  }
0x60: {  	[tilespmem:s28], [sflag:$0x2] =	stream.linear.gather [hbm4b:s21+s4], $0x200, $0x38;
	[tilespmem:$0x1F540] =	vst v63  }
0x61: {  	s20 =	sadd.s32 $0x0, s16  }
0x62: {  	[tilespmem:s29], [sflag:$0x2] =	stream.linear.gather [hbm4b:s20+s4], $0x200, $0x38;
	[tilespmem:$0x1F540] =	vst v63  }
0x63: {  	_ =	swait.ge [sflag:s0], $0x200  }
0x64: {  	[sflag:s0] =	ssyncset.done $0x0  }
0x65: {  	[sflag:s0] =	ssyncadd.s32 $0xFFFFFE00  }
0x66: {  	_ =	swait.ge [sflag:s0], $0x200  }
0x67: {  	[sflag:s0] =	ssyncset.done $0x0  }
0x68: {  	[sflag:s0] =	ssyncadd.s32 $0xFFFFFE00  }
0x69: {  	[tilespmem:s6], [sflag:$0x4] =	stream.indirect.gather [spmem:s3], $0x30, s28, s2, $0xb8;
	[tilespmem:$0x1F540] =	vst v63  }
0x6a: {  	_ =	swait.ge [sflag:s10], $0x6000  }
0x6b: {  	[sflag:s10] =	ssyncset.done $0x0  }
0x6c: {  	[sflag:s10] =	ssyncadd.s32 $0xFFFFA000  }
0x6d: {  	[spmem:s1] =	stream.indirect.scatter.add.f32 [tilespmem:s8], [sflag:$0x6], $0x30, s31, s2, $0xb8;
	[tilespmem:$0x1F540] =	vst v63  }
0x6e: {  	_ =	swait.ge [sflag:s23], $0x6000  }
0x6f: {  	s13 =	simm.s32 $0x80;
	[sflag:s23] =	ssyncset.done $0x0  }
0x70: {  	s21 =	sadd.s32 $0x0, s15;
	s20 =	sadd.s32 $0x0, s14;
	[sflag:s23] =	ssyncadd.s32 $0xFFFFA000  }
0x71: {  	[tilespmem:s30], [sflag:$0x3] =	stream.linear.gather [hbm4b:s21+s4], $0x200, $0x38;
	[tilespmem:$0x1F540] =	vst v63  }
.LBB2_2:
0x72: {  	[tilespmem:s31], [sflag:$0x3] =	stream.linear.gather [hbm4b:s20+s4], $0x200, $0x38;
	[tilespmem:$0x1F540] =	vst v63  }
0x73: {  	s20 =	smov.u32 s13  }
0x74: {  	p1 =	sne.s32 s13, $0x900;
	s13 =	sadd.s32 $0x80, s13;
	_ =	swait.ge [sflag:s7], $0x200  }
0x75: {  	[sflag:s7] =	ssyncset.done $0x0  }
0x76: {  	[sflag:s7] =	ssyncadd.s32 $0xFFFFFE00  }
0x77: {  	_ =	swait.ge [sflag:s7], $0x200  }
0x78: {  	[sflag:s7] =	ssyncset.done $0x0  }
0x79: {  	[sflag:s7] =	ssyncadd.s32 $0xFFFFFE00  }
0x7a: {  	[tilespmem:s8], [sflag:$0x5] =	stream.indirect.gather [spmem:s3], $0x30, s30, s2, $0xb8;
	[tilespmem:$0x1F540] =	vst v63  }
0x7b: {  	_ =	swait.ge [sflag:s9], $0x6000  }
0x7c: {  	[sflag:s9] =	ssyncset.done $0x0  }
0x7d: {  	[sflag:s9] =	ssyncadd.s32 $0xFFFFA000  }
0x7e: {  	[spmem:s1] =	stream.indirect.scatter.add.f32 [tilespmem:s6], [sflag:$0x6], $0x30, s29, s2, $0xb8;
	[tilespmem:$0x1F540] =	vst v63  }
0x7f: {  	_ =	swait.ge [sflag:s23], $0x6000  }
0x80: {  	[sflag:s23] =	ssyncset.done $0x0  }
0x81: {  	s21 =	sadd.s32 s20, s17;
	[sflag:s23] =	ssyncadd.s32 $0xFFFFA000  }
0x82: {  	[tilespmem:s28], [sflag:$0x2] =	stream.linear.gather [hbm4b:s21+s4], $0x200, $0x38;
	[tilespmem:$0x1F540] =	vst v63  }
0x83: {  	s21 =	sadd.s32 s20, s16  }
0x84: {  	[tilespmem:s29], [sflag:$0x2] =	stream.linear.gather [hbm4b:s21+s4], $0x200, $0x38;
	[tilespmem:$0x1F540] =	vst v63  }
0x85: {  	_ =	swait.ge [sflag:s0], $0x200  }
0x86: {  	[sflag:s0] =	ssyncset.done $0x0  }
0x87: {  	[sflag:s0] =	ssyncadd.s32 $0xFFFFFE00  }
0x88: {  	_ =	swait.ge [sflag:s0], $0x200  }
0x89: {  	[sflag:s0] =	ssyncset.done $0x0  }
0x8a: {  	[sflag:s0] =	ssyncadd.s32 $0xFFFFFE00  }
0x8b: {  	[tilespmem:s6], [sflag:$0x4] =	stream.indirect.gather [spmem:s3], $0x30, s28, s2, $0xb8;
	[tilespmem:$0x1F540] =	vst v63  }
0x8c: {  	_ =	swait.ge [sflag:s10], $0x6000  }
0x8d: {  	[sflag:s10] =	ssyncset.done $0x0  }
0x8e: {  	[sflag:s10] =	ssyncadd.s32 $0xFFFFA000  }
0x8f: {  	[spmem:s1] =	stream.indirect.scatter.add.f32 [tilespmem:s8], [sflag:$0x6], $0x30, s31, s2, $0xb8;
	[tilespmem:$0x1F540] =	vst v63  }
.Ltmp0:
0x90: {  	_ =	swait.ge [sflag:s23], $0x6000;
	(pc) =	sbr.rel @p1 .LBB2_2-.Ltmp0, $4  }
0x91: {  	[sflag:s23] =	ssyncset.done $0x0  }
0x92: {  	s21 =	sadd.s32 s20, s15;
	[sflag:s23] =	ssyncadd.s32 $0xFFFFA000  }
0x93: {  	[tilespmem:s30], [sflag:$0x3] =	stream.linear.gather [hbm4b:s21+s4], $0x200, $0x38;
	[tilespmem:$0x1F540] =	vst v63  }
0x94: {  	s20 =	sadd.s32 s20, s14  }
0x95: {  	[tilespmem:s31], [sflag:$0x3] =	stream.linear.gather [hbm4b:s20+s4], $0x200, $0x38;
	[tilespmem:$0x1F540] =	vst v63  }
0x96: {  	_ =	swait.ge [sflag:s7], $0x200  }
0x97: {  	[sflag:s7] =	ssyncset.done $0x0  }
0x98: {  	[sflag:s7] =	ssyncadd.s32 $0xFFFFFE00  }
0x99: {  	_ =	swait.ge [sflag:s7], $0x200  }
0x9a: {  	[sflag:s7] =	ssyncset.done $0x0  }
0x9b: {  	[sflag:s7] =	ssyncadd.s32 $0xFFFFFE00  }
0x9c: {  	[tilespmem:s8], [sflag:$0x5] =	stream.indirect.gather [spmem:s3], $0x30, s30, s2, $0xb8;
	[tilespmem:$0x1F540] =	vst v63  }
0x9d: {  	_ =	swait.ge [sflag:s9], $0x6000  }
0x9e: {  	[sflag:s9] =	ssyncset.done $0x0  }
0x9f: {  	[sflag:s9] =	ssyncadd.s32 $0xFFFFA000  }
0xa0: {  	[spmem:s1] =	stream.indirect.scatter.add.f32 [tilespmem:s6], [sflag:$0x6], $0x30, s29, s2, $0xb8;
	[tilespmem:$0x1F540] =	vst v63  }
0xa1: {  	_ =	swait.ge [sflag:s23], $0x6000  }
0xa2: {  	[sflag:s23] =	ssyncset.done $0x0  }
0xa3: {  	[sflag:s23] =	ssyncadd.s32 $0xFFFFA000  }
0xa4: {  	_ =	swait.ge [sflag:s10], $0x6000  }
0xa5: {  	[sflag:s10] =	ssyncset.done $0x0  }
0xa6: {  	[sflag:s10] =	ssyncadd.s32 $0xFFFFA000  }
0xa7: {  	[spmem:s1] =	stream.indirect.scatter.add.f32 [tilespmem:s8], [sflag:$0x6], $0x30, s31, s2, $0xb8;
	[tilespmem:$0x1F540] =	vst v63  }
0xa8: {  	_ =	swait.ge [sflag:s23], $0x6000  }
0xa9: {  	s11 =	sadd.s32 $0x1, s11;
	[sflag:s23] =	ssyncset.done $0x0  }
0xaa: {  	p1 =	sne.s32 s11, s22;
	[sflag:s23] =	ssyncadd.s32 $0xFFFFA000  }
.Ltmp1:
0xab: {  	[bflag:$0x0] =	sbarrier.arrive $0xFFFF;
	(pc) =	sbr.rel @p1 .LBB2_1-.Ltmp1, $4  }
0xac: {  	[hbm:s24], [sflag:s18] =	dma.local [spmem:s12], $0xF00  }
0xad: {  	_ =	swait.ge [sflag:s23], $0xF00  }
0xae: {  	[sflag:s23] =	ssyncset.done $0x0  }
0xaf: {  	[sflag:s23] =	ssyncadd.s32 $0xFFFFF100  }
0xb0: {  	_ =	sfence.sel $0x180000  }
0xb1: {  	[bflag:$0x0] =	sbarrier.arrive $0xFFFF  }
0xb2: {  	_ =	strace $0x9000004A  }
0xb3: {  	s0 =	stileid.u32;
	[bflag:$0x2] =	sbarrier.arrive $0xFFFF  }
0xb4: {  	p0 =	sne.s32 s0, $0x0;
	s0 =	rddreg [dreg:$0x3]  }
0xb5: {  	s0 =	sadd.s32 @!p0 $0x100000, s0  }
0xb6: {  	[sflag:s0] =	ssyncadd.tile.s32 @!p0 $0x1;
	_ =	shalt  }
.Lfunc_end2:
_tile_overlayer_lowered:
.L_overlay_start_2:
0xb7: {  	(tag) =	ssettag $0x2  }
0xb8: {  	s0 =	rddreg [dreg:$0x0];
	s2 =	stileid.u32  }
0xb9: {  	s1 =	rddreg [dreg:$0x1];
	p0 =	sne.s32 s2, $0x0  }
0xba: {  	s3 =	rddreg [dreg:$0x2];
	[bflag:$0x3] =	sbarrier.arrive $0xFFFF;
	s2 =	simm.s32 @!p0 $0x1C06  }
0xbb: {  	[timem:s3], [sflag:s2] =	dma.local @!p0 [hbm:s0], s1  }
0xbc: {  	s0 =	simm.s32 @!p0 $0x6  }
0xbd: {  	_ =	swait.ge @!p0 [sflag:s0], s1  }
0xbe: {  	s1 =	ssub.s32 @!p0 $0x0, s1;
	[sflag:s0] =	ssyncset.done @!p0 $0x0  }
0xbf: {  	[sflag:s0] =	ssyncadd.s32 @!p0 s1  }
0xc0: {  	[bflag:$0x3] =	sbarrier.arrive $0xFFFF  }
0xc1: {  	_ =	shalt  }

// kernel: kernel.13.cloned.1.call-start
scs
__scs_entry_jumppad:
0x0: {  	(pc) =	sbr.rel $0x88, $3  }
0x1: {  	(tag) =	ssettag $0x0;
	lr =	simm.s32 $0x1  }
0x2: {  	[smem:$0x3F92] =	sst lr;
	_ =	strace $0xD0000000  }
0x3: {  	_ = 	snop  }
0x4: {  	_ = 	snop  }
0x5: {  	_ = 	snop  }
0x6: {  	_ = 	snop  }
0x7: {  	_ = 	snop  }
__scs_overlays_trampoline_lowered:
0x8: {  	[smem:$0x3FA1] =	sst s0  }
0x9: {  	[smem:$0x3FA2] =	sst s1  }
0xa: {  	[smem:$0x3FA3] =	sst s2  }
0xb: {  	[smem:$0x3FA4] =	sst s3  }
0xc: {  	[smem:$0x3FA5] =	sst s4  }
0xd: {  	[smem:$0x3FA6] =	sst s5  }
0xe: {  	[smem:$0x3FA7] =	sst s6  }
0xf: {  	[smem:$0x3FA8] =	sst s7  }
0x10: {  	[smem:$0x3FA9] =	sst s8  }
0x11: {  	[smem:$0x3FAA] =	sst s9;
	s0 =	simm.s32 @!p0 $0x0  }
0x12: {  	s1 =	sld [smem:$0x3F90];
	s0 =	simm.s32 @p0 $0x1  }
0x13: {  	[smem:$0x3FAB] =	sst s0;
	s0 =	simm.s32 @!p1 $0x0  }
0x14: {  	s2 =	sld [smem:$0x3F8F];
	s0 =	simm.s32 @p1 $0x1  }
0x15: {  	[smem:$0x3FAC] =	sst s0;
	s0 =	simm.s32 @!p2 $0x0  }
0x16: {  	s3 =	sld [smem:$0x3FDB];
	s0 =	simm.s32 @p2 $0x1  }
0x17: {  	s4 =	simm.s32 $0x1BF5;
	[smem:$0x3FAE] =	sst s0  }
0x18: {  	s0 =	sld [smem:$0x3F91];
	_ =	swait.ge [sflag:s4], $0x0  }
0x19: {  	s7 =	sld [smem:$0x3F92]  }
0x1a: {  	s8 =	sadd.s32 $0xFFFFE003, lr  }
0x1b: {  	s9 =	sadd.s32 $0xFFFFFEF7, lr;
	s5 =	simm.s32 $0xFFFFFFFF;
	p2 =	slt.u32 s8, $0xFFFFF086  }
0x1c: {  	p1 =	slt.u32 s9, $0xF7A;
	s5 =	simm.s32 @!p2 $0x0  }
0x1d: {  	s5 =	simm.s32 @p1 $0x1;
	p0 =	seq.s32 s7, s2  }
0x1e: {  	s7 =	smul.u32 @!p0 $0xF7A, s2;
	p2 =	seq.s32 @!p0 s5, $0x0  }
0x1f: {  	s9 =	smul.u32 $0xF7A, s1;
	s8 =	simm.s32 @!p0 $0x1BF5;
	p2 =	por !p2, p0  }
0x20: {  	[sflag:s8] =	ssyncset.s32 @!p0 $0xFFFFF086;
	s6 =	sadd.s32 @!p0 s3, s7;
	s7 =	simm.s32 @!p0 $0x108  }
0x21: {  	s3 =	sadd.s32 s3, s9;
	s6 =	sadd.s32 @!p0 $0x88, s6;
	s7 =	simm.s32 @p2 $0x1082  }
0x22: {  	[simem:s7], [sflag:s8] =	dma.local @!p0 [hbm:s6], $0xF7A  }
0x23: {  	s9 =	sor.u32 $0xD0000000, s2;
	s6 =	simm.s32 $0x108;
	_ =	swait.ge @!p0 [sflag:s8], $0x0  }
0x24: {  	s3 =	sadd.s32 $0x88, s3;
	s6 =	simm.s32 @!p1 $0x1082;
	[sflag:s4] =	ssyncset.s32 $0xFFFFF086  }
0x25: {  	[simem:s6], [sflag:s4] =	dma.local [hbm:s3], $0xF7A  }
0x26: {  	[smem:$0x3F92] =	sst s1;
	(tag) =	ssettag s2;
	_ =	strace s9  }
0x27: {  	s1 =	sld [smem:$0x3FA2]  }
0x28: {  	s2 =	sld [smem:$0x3FA3]  }
0x29: {  	s4 =	sld [smem:$0x3FA5]  }
0x2a: {  	p0 =	seq.s32 s5, $0x0;
	s5 =	sld [smem:$0x3FA6]  }
0x2b: {  	s6 =	sld [smem:$0x3FA7]  }
0x2c: {  	s7 =	sld [smem:$0x3FA8]  }
0x2d: {  	s3 =	simm.s32 $0x108;
	s8 =	sld [smem:$0x3FA9]  }
0x2e: {  	s3 =	simm.s32 @!p0 $0x1082;
	s9 =	sld [smem:$0x3FAA]  }
0x2f: {  	lr =	sadd.s32 s0, s3;
	s0 =	sld [smem:$0x3FA1]  }
0x30: {  	s3 =	sld [smem:$0x3FA4]  }
0x31: {  	[smem:$0x3FAD] =	sst s10  }
0x32: {  	s10 =	sld [smem:$0x3FAB];
	_ =	sdelay $0x3  }
0x33: {  	p0 =	seq.s32 s10, $0x1;
	s10 =	sld [smem:$0x3FAD];
	_ =	sdelay $0x3  }
0x34: {  	[smem:$0x3FAD] =	sst s10  }
0x35: {  	s10 =	sld [smem:$0x3FAC];
	_ =	sdelay $0x3  }
0x36: {  	p1 =	seq.s32 s10, $0x1;
	s10 =	sld [smem:$0x3FAD];
	_ =	sdelay $0x3  }
0x37: {  	[smem:$0x3FAD] =	sst s10  }
0x38: {  	s10 =	sld [smem:$0x3FAE]  }
0x39: {  	_ = 	snop;
	(pc) =	sbr.ind lr, $3  }
0x3a: {  	_ = 	snop  }
0x3b: {  	_ = 	snop  }
0x3c: {  	p2 =	seq.s32 s10, $0x1;
	s10 =	sld [smem:$0x3FAD]  }
0x3d: {  	_ =	shalt  }
0x3e: {  	_ =	shalt  }
0x3f: {  	_ =	shalt  }
0x40: {  	_ =	shalt  }
0x41: {  	_ =	shalt  }
0x42: {  	_ =	shalt  }
0x43: {  	_ =	shalt  }
0x44: {  	_ =	shalt  }
0x45: {  	_ =	shalt  }
0x46: {  	_ =	shalt  }
0x47: {  	_ =	shalt  }
0x48: {  	_ =	shalt  }
0x49: {  	_ =	shalt  }
0x4a: {  	_ =	shalt  }
0x4b: {  	_ =	shalt  }
0x4c: {  	_ =	shalt  }
0x4d: {  	_ =	shalt  }
0x4e: {  	_ =	shalt  }
0x4f: {  	_ =	shalt  }
0x50: {  	_ =	shalt  }
0x51: {  	_ =	shalt  }
0x52: {  	_ =	shalt  }
0x53: {  	_ =	shalt  }
0x54: {  	_ =	shalt  }
0x55: {  	_ =	shalt  }
0x56: {  	_ =	shalt  }
0x57: {  	_ =	shalt  }
0x58: {  	_ =	shalt  }
0x59: {  	_ =	shalt  }
0x5a: {  	_ =	shalt  }
0x5b: {  	_ =	shalt  }
0x5c: {  	_ =	shalt  }
0x5d: {  	_ =	shalt  }
0x5e: {  	_ =	shalt  }
0x5f: {  	_ =	shalt  }
0x60: {  	_ =	shalt  }
0x61: {  	_ =	shalt  }
0x62: {  	_ =	shalt  }
0x63: {  	_ =	shalt  }
0x64: {  	_ =	shalt  }
0x65: {  	_ =	shalt  }
0x66: {  	_ =	shalt  }
0x67: {  	_ =	shalt  }
0x68: {  	_ =	shalt  }
0x69: {  	_ =	shalt  }
0x6a: {  	_ =	shalt  }
0x6b: {  	_ =	shalt  }
0x6c: {  	_ =	shalt  }
0x6d: {  	_ =	shalt  }
0x6e: {  	_ =	shalt  }
0x6f: {  	_ =	shalt  }
0x70: {  	_ =	shalt  }
0x71: {  	_ =	shalt  }
0x72: {  	_ =	shalt  }
0x73: {  	_ =	shalt  }
0x74: {  	_ =	shalt  }
0x75: {  	_ =	shalt  }
0x76: {  	_ =	shalt  }
0x77: {  	_ =	shalt  }
0x78: {  	_ =	shalt  }
0x79: {  	_ =	shalt  }
0x7a: {  	_ =	shalt  }
0x7b: {  	_ =	shalt  }
0x7c: {  	_ =	shalt  }
0x7d: {  	_ =	shalt  }
0x7e: {  	_ =	shalt  }
0x7f: {  	_ =	shalt  }
0x80: {  	_ =	shalt  }
0x81: {  	_ =	shalt  }
0x82: {  	_ =	shalt  }
0x83: {  	_ =	shalt  }
0x84: {  	_ =	shalt  }
0x85: {  	_ =	shalt  }
0x86: {  	_ =	shalt  }
0x87: {  	_ =	shalt  }
.Lfunc_end0:
.L_simem_size_0:
called_computation.2_lowered:
.L_overlay_start_0:
0x88: {  	s2 =	sld [smem:$0x3FD9]  }
0x89: {  	s3 =	sld [smem:$0x3FFE];
	_ =	sdelay $0x1  }
0x8a: {  	s1 =	srdreg.scid  }
0x8b: {  	s0 =	sand.u32 $0x1, s1  }
0x8c: {  	s16 =	sshll.u32 s0, $0xA;
	s2 =	sadd.s32 s3, s2  }
0x8d: {  	s2 =	sadd.s32 s2, s16  }
0x8e: {  	[smem:$0x3FB9] =	sst s2  }
0x8f: {  	_ = 	snop  }
0x90: {  	(tm) =	ssettm $0x1  }
0x91: {  	s17 =	sld [smem:$0x3FFB];
	_ =	sdelay $0x3  }
0x92: {  	_ =	strace s17  }
0x93: {  	s2 =	sld [smem:$0x3FFC];
	_ =	sdelay $0x3  }
0x94: {  	_ =	strace s2  }
0x95: {  	s2 =	sld [smem:$0x3FFD];
	_ =	sdelay $0x3  }
0x96: {  	_ =	strace s2  }
0x97: {  	_ =	strace $0x8FFFFFFF  }
0x98: {  	s18 =	sld [smem:$0x3FDB];
	_ =	sdelay $0x1  }
0x99: {  	s19 =	simm.s32 $_scs_section_size  }
0x9a: {  	s4 =	simm.s32 $_size__tile_overlayer_lowered;
	s5 =	simm.s32 $_tile_overlayer_lowered  }
0x9b: {  	s22 =	simm.s32 $0x1BFF;
	s21 =	sshll.u32 s5, $0x1;
	s2 =	sadd.s32 s19, s18  }
0x9c: {  	s6 =	simm.s32 $0x0;
	s20 =	sshll.u32 s4, $0x1;
	s4 =	sadd.s32 s21, s2  }
0x9d: {  	[timem:s6], [sflag:s22] =	dma.local [hbm:s4], s20  }
0x9e: {  	_ =	swait.ge [sflag:s22], s20  }
0x9f: {  	s3 =	ssub.s32 $0x0, s20;
	[sflag:s22] =	ssyncset.done $0x0  }
0xa0: {  	[sflag:s22] =	ssyncadd.s32 s3;
	_ =	sdelay $0x1  }
0xa1: {  	s23 =	simm.s32 $0x1B8B  }
0xa2: {  	_ =	swait.ge [sflag:s23], $0x1  }
0xa3: {  	[sflag:s23] =	ssyncset.done $0x0  }
0xa4: {  	s25 =	simm.s32 $0x1B8E;
	s24 =	sld [smem:$0x3FFE];
	[sflag:s23] =	ssyncadd.s32 $0xFFFFFFFF  }
0xa5: {  	s26 =	simm.s32 $execute0_lowered;
	[smem:$0x3FD2] =	sst s25  }
0xa6: {  	s4 =	sshll.u32 s26, $0x1;
	_ =	strace $0x80000046;
	[dreg:$0x1] =	wrdreg $0xFFFFFFFF  }
0xa7: {  	s28 =	simm.s32 $_size_execute0_lowered;
	s2 =	sadd.s32 s2, s4;
	[dreg:$0x0] =	wrdreg $0x0  }
0xa8: {  	s4 =	sshll.u32 s28, $0x1;
	[dreg:$0x2] =	wrdreg s2  }
0xa9: {  	[dreg:$0x3] =	wrdreg s4  }
0xaa: {  	[dreg:$0x4] =	wrdreg $0xC0  }
0xab: {  	_ =	task [dreg:s6], $0x5FFFF  }
0xac: {  	[dreg:$0x1] =	wrdreg $0xFFFFFFFF  }
0xad: {  	[dreg:$0x0] =	wrdreg $0x60  }
0xae: {  	[dreg:$0x2] =	wrdreg s24  }
0xaf: {  	[dreg:$0x3] =	wrdreg $0x17D400  }
0xb0: {  	[dreg:$0x4] =	wrdreg $0x105400  }
0xb1: {  	[dreg:$0x5] =	wrdreg $0xB  }
0xb2: {  	_ =	task.clear_ibuf [dreg:s6], $0x6FFFF;
	_ =	strace $0x90000046  }
0xb3: {  	s29 =	simm.s32 $0xB;
	_ =	strace $0x80000048  }
0xb4: {  	_ =	swait.ge [sflag:s29], $0x1  }
0xb5: {  	[sflag:s29] =	ssyncadd.s32 $0xFFFFFFFF  }
0xb6: {  	_ =	strace $0x90000048  }
0xb7: {  	_ =	sfence  }
0xb8: {  	s30 =	sld [smem:$0x0];
	_ =	sdelay $0x2  }
0xb9: {  	s31 =	sshll.u32 s1, $0xD;
	s1 =	sshrl.u32 s1, $0x2  }
0xba: {  	s3 =	sand.u32 $0x4000, s31;
	s1 =	sadd.s32 s1, s30  }
0xbb: {  	s0 =	sor.u32 s3, s0;
	s1 =	sshll.u32 s1, $0x11  }
0xbc: {  	s0 =	sor.u32 s1, s0  }
0xbd: {  	s0 =	sadd.s32 $0x8F2B, s0  }
0xbe: {  	[sflag:s0] =	ssyncadd.remote.s32 $0x1  }
0xbf: {  	_ =	sfence.sel $0xFFFF  }
0xc0: {  	[dreg:$0x0] =	wrdreg $0xFFFFFFFF;
	(pc) =	sbr.abs _section_cstart, $3  }
0xc1: {  	[dreg:$0x1] =	wrdreg $0xFFFFFFFF  }
0xc2: {  	_ =	task.clear_ibuf [dreg:s6], $0x2FFFF;
	_ =	strace $0x9FFFFFFF  }
0xc3: {  	(tm) =	ssettm $0x7FFFFFFF  }
tec
execute0_lowered:
.L_overlay_start_1:
0x0: {  	(tag) =	ssettag $0x1  }
0x1: {  	s0 =	rddreg [dreg:$0x0]  }
0x2: {  	s1 =	rddreg [dreg:$0x1]  }
0x3: {  	s3 =	rddreg [dreg:$0x2];
	s4 =	simm.s32 $0x0  }
0x4: {  	s18 =	stileid.u32;
	s6 =	srdreg.scid;
	s28 =	simm.s32 $0x3D40  }
0x5: {  	s29 =	simm.s32 $0x4140;
	s30 =	simm.s32 $0x3F40;
	s31 =	simm.s32 $0x4340  }
0x6: {  	[smem:$0x7FF] =	sst s4;
	s2 =	smul.u32 $0x7800, s18;
	s7 =	sadd.s32 $0x9600, s0  }
0x7: {  	s5 =	sadd.s32 $0x3600, s0;
	s6 =	sand.u32 $0x1, s6;
	s8 =	sadd.s32 $0x1DC00, s0  }
0x8: {  	s11 =	sadd.s32 $0x9C00, s0;
	s12 =	sadd.s32 $0x31C00, s0;
	s15 =	smul.u32 $0x280, s18  }
0x9: {  	s13 =	sshll.u32 s18, $0x1;
	s16 =	smul.u32 $0xA000, s18;
	_ =	strace $0x80000047  }
0xa: {  	s10 =	smul.u32 $0xF000, s6;
	[dreg:$0x4] =	wrdreg s12;
	s22 =	ssub.s32 $0x2, s6  }
0xb: {  	s13 =	sor.u32 s6, s13;
	s17 =	smul.u32 $0x5000, s6;
	p0 =	sne.s32 s6, $0x0  }
0xc: {  	s6 =	simm.s32 $0x4540;
	s9 =	sshrl.u32 s2, $0x3;
	s14 =	sshrl.u32 s22, $0x1  }
0xd: {  	s23 =	sadd.s32 s2, s1;
	s13 =	smul.u32 $0x5000, s13;
	s24 =	sshrl.u32 s15, $0x3  }
0xe: {  	s15 =	sadd.s32 $0x140, s15;
	s12 =	sadd.s32 s9, s0;
	s0 =	sadd.s32 s10, s0  }
0xf: {  	s10 =	ssub.s32 s22, s14;
	[dreg:$0x5] =	wrdreg s23;
	s14 =	sadd.s32 s7, s24  }
0x10: {  	s25 =	sshrl.u32 s15, $0x3;
	s26 =	smul.u32 $0xC0, s15;
	s20 =	sadd.s32 s17, s16  }
0x11: {  	s24 =	sshll.u32 s18, $0x6;
	[dreg:$0x6] =	wrdreg s14;
	s7 =	sadd.s32 s7, s25  }
0x12: {  	s13 =	sshrl.u32 s13, $0x3;
	s22 =	sor.u32 $0x600, s20;
	s16 =	sor.u32 $0x400, s20  }
0x13: {  	s18 =	sor.u32 $0x1C06, s24;
	s0 =	sadd.s32 $0x32C00, s0;
	[dreg:$0x7] =	wrdreg s7  }
0x14: {  	s15 =	sadd.s32 s8, s13;
	s19 =	sor.u32 $0x40, s13;
	s13 =	sadd.s32 s11, s13  }
0x15: {  	s23 =	sshrl.u32 s16, $0x3;
	s25 =	sshrl.u32 s26, $0x2;
	s26 =	sadd.s32 $0x50C00, s12  }
0x16: {  	s24 =	sadd.s32 s9, s0;
	s0 =	simm.s32 $0x2;
	[dreg:$0x8] =	wrdreg s15  }
0x17: {  	s7 =	simm.s32 $0x3;
	s9 =	simm.s32 $0x4;
	[dreg:$0x9] =	wrdreg s13  }
0x18: {  	s21 =	sadd.s32 s8, s19;
	s14 =	sadd.s32 s11, s19;
	s13 =	sshrl.u32 s22, $0x3  }
0x19: {  	s16 =	sadd.s32 s23, s11;
	s17 =	sadd.s32 s23, s8;
	s19 =	sadd.s32 s2, s3  }
0x1a: {  	s2 =	sadd.s32 s25, s3;
	[dreg:$0xd] =	wrdreg s26;
	s22 =	smax.u32 s10, $0x1  }
0x1b: {  	s23 =	simm.s32 $0x6;
	s25 =	simm.s32 $0x140;
	[dreg:$0xa] =	wrdreg s21  }
0x1c: {  	s26 =	simm.s32 $0x1;
	s10 =	simm.s32 $0x5;
	[dreg:$0xb] =	wrdreg s14  }
0x1d: {  	s14 =	sadd.s32 s13, s11;
	s15 =	sadd.s32 s13, s8;
	[dreg:$0xc] =	wrdreg s2  }
0x1e: {  	s2 =	simm.s32 $0x200;
	s8 =	simm.s32 $0xA540;
	s11 =	simm.s32 $0x0  }
.LBB2_1:
0x1f: {  	s12 =	rddreg [dreg:$0x5]  }
0x20: {  	s13 =	rddreg [dreg:$0x4];
	s12 =	sshrl.u32 s12, $0x3  }
0x21: {  	[spmem:s12], [sflag:s18] =	dma.local [hbm:s13], $0xF00  }
0x22: {  	_ =	swait.ge [sflag:s23], $0xF00  }
0x23: {  	[sflag:s23] =	ssyncset.done $0x0  }
0x24: {  	s20 =	rddreg [dreg:$0x6];
	[sflag:s23] =	ssyncadd.s32 $0xFFFFF100  }
0x25: {  	[tilespmem:s4], [sflag:$0x6] =	stream.linear.gather [hbm4b:s20+s4], $0x140, $0x38;
	[tilespmem:$0x1F540] =	vst v63  }
0x26: {  	_ =	swait.ge [sflag:s23], $0x140  }
0x27: {  	[sflag:s23] =	ssyncset.done $0x0  }
0x28: {  	[sflag:s23] =	ssyncadd.s32 $0xFFFFFEC0  }
0x29: {  	[tilespmem:s25], [sflag:$0x1] =	stream.indirect.gather [hbm4b:s5+s25], $0x30, s4, s25, $0xb8;
	[tilespmem:$0x1F540] =	vst v63  }
0x2a: {  	_ =	swait.ge [sflag:s26], $0x3C00  }
0x2b: {  	[sflag:s26] =	ssyncset.done $0x0  }
0x2c: {  	[sflag:s26] =	ssyncadd.s32 $0xFFFFC400  }
0x2d: {  	[spmem:s19] =	stream.linear.scatter [tilespmem:s25], [sflag:$0x6], $0x3C00, $0x38;
	[tilespmem:$0x1F540] =	vst v63  }
0x2e: {  	_ =	swait.ge [sflag:s23], $0x3C00  }
0x2f: {  	[sflag:s23] =	ssyncset.done $0x0  }
0x30: {  	s21 =	rddreg [dreg:$0x7];
	[sflag:s23] =	ssyncadd.s32 $0xFFFFC400  }
0x31: {  	[tilespmem:s4], [sflag:$0x6] =	stream.linear.gather [hbm4b:s21+s4], $0x140, $0x38;
	[tilespmem:$0x1F540] =	vst v63  }
0x32: {  	_ =	swait.ge [sflag:s23], $0x140  }
0x33: {  	[sflag:s23] =	ssyncset.done $0x0  }
0x34: {  	[sflag:s23] =	ssyncadd.s32 $0xFFFFFEC0  }
0x35: {  	[tilespmem:s25], [sflag:$0x1] =	stream.indirect.gather [hbm4b:s5+s25], $0x30, s4, s25, $0xb8;
	[tilespmem:$0x1F540] =	vst v63  }
0x36: {  	_ =	swait.ge [sflag:s26], $0x3C00  }
0x37: {  	[sflag:s26] =	ssyncset.done $0x0  }
0x38: {  	s20 =	rddreg [dreg:$0xc];
	[sflag:s26] =	ssyncadd.s32 $0xFFFFC400  }
0x39: {  	[spmem:s20] =	stream.linear.scatter [tilespmem:s25], [sflag:$0x6], $0x3C00, $0x38;
	[tilespmem:$0x1F540] =	vst v63  }
0x3a: {  	_ =	swait.ge [sflag:s23], $0x3C00  }
0x3b: {  	[sflag:s23] =	ssyncset.done $0x0  }
0x3c: {  	s13 =	sshrl.u32 @!p0 s19, $0x3;
	s20 =	rddreg [dreg:$0xd];
	[sflag:s23] =	ssyncadd.s32 $0xFFFFC400  }
0x3d: {  	[hbm:s20], [sflag:s18] =	dma.local @!p0 [spmem:s13], $0xF00  }
0x3e: {  	s13 =	simm.s32 @!p0 $0x6  }
0x3f: {  	_ =	swait.ge @!p0 [sflag:s13], $0xF00  }
0x40: {  	[sflag:s13] =	ssyncset.done @!p0 $0x0  }
0x41: {  	[sflag:s13] =	ssyncadd.s32 @!p0 $0xFFFFF100  }
0x42: {  	[bflag:$0x0] =	sbarrier.arrive $0xFFFF  }
0x43: {  	s21 =	rddreg [dreg:$0x8]  }
0x44: {  	[tilespmem:s28], [sflag:$0x2] =	stream.linear.gather [hbm4b:s21+s4], $0x200, $0x38;
	[tilespmem:$0x1F540] =	vst v63  }
0x45: {  	s20 =	rddreg [dreg:$0x9]  }
0x46: {  	[tilespmem:s29], [sflag:$0x2] =	stream.linear.gather [hbm4b:s20+s4], $0x200, $0x38;
	[tilespmem:$0x1F540] =	vst v63  }
0x47: {  	s21 =	rddreg [dreg:$0xa]  }
0x48: {  	[tilespmem:s30], [sflag:$0x3] =	stream.linear.gather [hbm4b:s21+s4], $0x200, $0x38;
	[tilespmem:$0x1F540] =	vst v63  }
0x49: {  	s20 =	rddreg [dreg:$0xb]  }
0x4a: {  	[tilespmem:s31], [sflag:$0x3] =	stream.linear.gather [hbm4b:s20+s4], $0x200, $0x38;
	[tilespmem:$0x1F540] =	vst v63  }
0x4b: {  	_ =	swait.ge [sflag:s0], $0x200  }
0x4c: {  	[sflag:s0] =	ssyncset.done $0x0  }
0x4d: {  	[sflag:s0] =	ssyncadd.s32 $0xFFFFFE00  }
0x4e: {  	_ =	swait.ge [sflag:s0], $0x200  }
0x4f: {  	[sflag:s0] =	ssyncset.done $0x0  }
0x50: {  	[sflag:s0] =	ssyncadd.s32 $0xFFFFFE00  }
0x51: {  	[tilespmem:s6], [sflag:$0x4] =	stream.indirect.gather [spmem:s3], $0x30, s28, s2, $0xb8;
	[tilespmem:$0x1F540] =	vst v63  }
0x52: {  	_ =	swait.ge [sflag:s7], $0x200  }
0x53: {  	[sflag:s7] =	ssyncset.done $0x0  }
0x54: {  	[sflag:s7] =	ssyncadd.s32 $0xFFFFFE00  }
0x55: {  	_ =	swait.ge [sflag:s7], $0x200  }
0x56: {  	[sflag:s7] =	ssyncset.done $0x0  }
0x57: {  	[sflag:s7] =	ssyncadd.s32 $0xFFFFFE00  }
0x58: {  	[tilespmem:s8], [sflag:$0x5] =	stream.indirect.gather [spmem:s3], $0x30, s30, s2, $0xb8;
	[tilespmem:$0x1F540] =	vst v63  }
0x59: {  	_ =	swait.ge [sflag:s9], $0x6000  }
0x5a: {  	[sflag:s9] =	ssyncset.done $0x0  }
0x5b: {  	[sflag:s9] =	ssyncadd.s32 $0xFFFFA000  }
0x5c: {  	[spmem:s1] =	stream.indirect.scatter.add.f32 [tilespmem:s6], [sflag:$0x6], $0x30, s29, s2, $0xb8;
	[tilespmem:$0x1F540] =	vst v63  }
0x5d: {  	_ =	swait.ge [sflag:s23], $0x6000  }
0x5e: {  	[sflag:s23] =	ssyncset.done $0x0  }
0x5f: {  	s21 =	sadd.s32 $0x0, s17;
	[sflag:s23] =	ssyncadd.s32 $0xFFFFA000  }
0x60: {  	[tilespmem:s28], [sflag:$0x2] =	stream.linear.gather [hbm4b:s21+s4], $0x200, $0x38;
	[tilespmem:$0x1F540] =	vst v63  }
0x61: {  	s20 =	sadd.s32 $0x0, s16  }
0x62: {  	[tilespmem:s29], [sflag:$0x2] =	stream.linear.gather [hbm4b:s20+s4], $0x200, $0x38;
	[tilespmem:$0x1F540] =	vst v63  }
0x63: {  	_ =	swait.ge [sflag:s0], $0x200  }
0x64: {  	[sflag:s0] =	ssyncset.done $0x0  }
0x65: {  	[sflag:s0] =	ssyncadd.s32 $0xFFFFFE00  }
0x66: {  	_ =	swait.ge [sflag:s0], $0x200  }
0x67: {  	[sflag:s0] =	ssyncset.done $0x0  }
0x68: {  	[sflag:s0] =	ssyncadd.s32 $0xFFFFFE00  }
0x69: {  	[tilespmem:s6], [sflag:$0x4] =	stream.indirect.gather [spmem:s3], $0x30, s28, s2, $0xb8;
	[tilespmem:$0x1F540] =	vst v63  }
0x6a: {  	_ =	swait.ge [sflag:s10], $0x6000  }
0x6b: {  	[sflag:s10] =	ssyncset.done $0x0  }
0x6c: {  	[sflag:s10] =	ssyncadd.s32 $0xFFFFA000  }
0x6d: {  	[spmem:s1] =	stream.indirect.scatter.add.f32 [tilespmem:s8], [sflag:$0x6], $0x30, s31, s2, $0xb8;
	[tilespmem:$0x1F540] =	vst v63  }
0x6e: {  	_ =	swait.ge [sflag:s23], $0x6000  }
0x6f: {  	s13 =	simm.s32 $0x80;
	[sflag:s23] =	ssyncset.done $0x0  }
0x70: {  	s21 =	sadd.s32 $0x0, s15;
	s20 =	sadd.s32 $0x0, s14;
	[sflag:s23] =	ssyncadd.s32 $0xFFFFA000  }
0x71: {  	[tilespmem:s30], [sflag:$0x3] =	stream.linear.gather [hbm4b:s21+s4], $0x200, $0x38;
	[tilespmem:$0x1F540] =	vst v63  }
.LBB2_2:
0x72: {  	[tilespmem:s31], [sflag:$0x3] =	stream.linear.gather [hbm4b:s20+s4], $0x200, $0x38;
	[tilespmem:$0x1F540] =	vst v63  }
0x73: {  	s20 =	smov.u32 s13  }
0x74: {  	p1 =	sne.s32 s13, $0x900;
	s13 =	sadd.s32 $0x80, s13;
	_ =	swait.ge [sflag:s7], $0x200  }
0x75: {  	[sflag:s7] =	ssyncset.done $0x0  }
0x76: {  	[sflag:s7] =	ssyncadd.s32 $0xFFFFFE00  }
0x77: {  	_ =	swait.ge [sflag:s7], $0x200  }
0x78: {  	[sflag:s7] =	ssyncset.done $0x0  }
0x79: {  	[sflag:s7] =	ssyncadd.s32 $0xFFFFFE00  }
0x7a: {  	[tilespmem:s8], [sflag:$0x5] =	stream.indirect.gather [spmem:s3], $0x30, s30, s2, $0xb8;
	[tilespmem:$0x1F540] =	vst v63  }
0x7b: {  	_ =	swait.ge [sflag:s9], $0x6000  }
0x7c: {  	[sflag:s9] =	ssyncset.done $0x0  }
0x7d: {  	[sflag:s9] =	ssyncadd.s32 $0xFFFFA000  }
0x7e: {  	[spmem:s1] =	stream.indirect.scatter.add.f32 [tilespmem:s6], [sflag:$0x6], $0x30, s29, s2, $0xb8;
	[tilespmem:$0x1F540] =	vst v63  }
0x7f: {  	_ =	swait.ge [sflag:s23], $0x6000  }
0x80: {  	[sflag:s23] =	ssyncset.done $0x0  }
0x81: {  	s21 =	sadd.s32 s20, s17;
	[sflag:s23] =	ssyncadd.s32 $0xFFFFA000  }
0x82: {  	[tilespmem:s28], [sflag:$0x2] =	stream.linear.gather [hbm4b:s21+s4], $0x200, $0x38;
	[tilespmem:$0x1F540] =	vst v63  }
0x83: {  	s21 =	sadd.s32 s20, s16  }
0x84: {  	[tilespmem:s29], [sflag:$0x2] =	stream.linear.gather [hbm4b:s21+s4], $0x200, $0x38;
	[tilespmem:$0x1F540] =	vst v63  }
0x85: {  	_ =	swait.ge [sflag:s0], $0x200  }
0x86: {  	[sflag:s0] =	ssyncset.done $0x0  }
0x87: {  	[sflag:s0] =	ssyncadd.s32 $0xFFFFFE00  }
0x88: {  	_ =	swait.ge [sflag:s0], $0x200  }
0x89: {  	[sflag:s0] =	ssyncset.done $0x0  }
0x8a: {  	[sflag:s0] =	ssyncadd.s32 $0xFFFFFE00  }
0x8b: {  	[tilespmem:s6], [sflag:$0x4] =	stream.indirect.gather [spmem:s3], $0x30, s28, s2, $0xb8;
	[tilespmem:$0x1F540] =	vst v63  }
0x8c: {  	_ =	swait.ge [sflag:s10], $0x6000  }
0x8d: {  	[sflag:s10] =	ssyncset.done $0x0  }
0x8e: {  	[sflag:s10] =	ssyncadd.s32 $0xFFFFA000  }
0x8f: {  	[spmem:s1] =	stream.indirect.scatter.add.f32 [tilespmem:s8], [sflag:$0x6], $0x30, s31, s2, $0xb8;
	[tilespmem:$0x1F540] =	vst v63  }
.Ltmp0:
0x90: {  	_ =	swait.ge [sflag:s23], $0x6000;
	(pc) =	sbr.rel @p1 .LBB2_2-.Ltmp0, $4  }
0x91: {  	[sflag:s23] =	ssyncset.done $0x0  }
0x92: {  	s21 =	sadd.s32 s20, s15;
	[sflag:s23] =	ssyncadd.s32 $0xFFFFA000  }
0x93: {  	[tilespmem:s30], [sflag:$0x3] =	stream.linear.gather [hbm4b:s21+s4], $0x200, $0x38;
	[tilespmem:$0x1F540] =	vst v63  }
0x94: {  	s20 =	sadd.s32 s20, s14  }
0x95: {  	[tilespmem:s31], [sflag:$0x3] =	stream.linear.gather [hbm4b:s20+s4], $0x200, $0x38;
	[tilespmem:$0x1F540] =	vst v63  }
0x96: {  	_ =	swait.ge [sflag:s7], $0x200  }
0x97: {  	[sflag:s7] =	ssyncset.done $0x0  }
0x98: {  	[sflag:s7] =	ssyncadd.s32 $0xFFFFFE00  }
0x99: {  	_ =	swait.ge [sflag:s7], $0x200  }
0x9a: {  	[sflag:s7] =	ssyncset.done $0x0  }
0x9b: {  	[sflag:s7] =	ssyncadd.s32 $0xFFFFFE00  }
0x9c: {  	[tilespmem:s8], [sflag:$0x5] =	stream.indirect.gather [spmem:s3], $0x30, s30, s2, $0xb8;
	[tilespmem:$0x1F540] =	vst v63  }
0x9d: {  	_ =	swait.ge [sflag:s9], $0x6000  }
0x9e: {  	[sflag:s9] =	ssyncset.done $0x0  }
0x9f: {  	[sflag:s9] =	ssyncadd.s32 $0xFFFFA000  }
0xa0: {  	[spmem:s1] =	stream.indirect.scatter.add.f32 [tilespmem:s6], [sflag:$0x6], $0x30, s29, s2, $0xb8;
	[tilespmem:$0x1F540] =	vst v63  }
0xa1: {  	_ =	swait.ge [sflag:s23], $0x6000  }
0xa2: {  	[sflag:s23] =	ssyncset.done $0x0  }
0xa3: {  	[sflag:s23] =	ssyncadd.s32 $0xFFFFA000  }
0xa4: {  	_ =	swait.ge [sflag:s10], $0x6000  }
0xa5: {  	[sflag:s10] =	ssyncset.done $0x0  }
0xa6: {  	[sflag:s10] =	ssyncadd.s32 $0xFFFFA000  }
0xa7: {  	[spmem:s1] =	stream.indirect.scatter.add.f32 [tilespmem:s8], [sflag:$0x6], $0x30, s31, s2, $0xb8;
	[tilespmem:$0x1F540] =	vst v63  }
0xa8: {  	_ =	swait.ge [sflag:s23], $0x6000  }
0xa9: {  	s11 =	sadd.s32 $0x1, s11;
	[sflag:s23] =	ssyncset.done $0x0  }
0xaa: {  	p1 =	sne.s32 s11, s22;
	[sflag:s23] =	ssyncadd.s32 $0xFFFFA000  }
.Ltmp1:
0xab: {  	[bflag:$0x0] =	sbarrier.arrive $0xFFFF;
	(pc) =	sbr.rel @p1 .LBB2_1-.Ltmp1, $4  }
0xac: {  	[hbm:s24], [sflag:s18] =	dma.local [spmem:s12], $0xF00  }
0xad: {  	_ =	swait.ge [sflag:s23], $0xF00  }
0xae: {  	[sflag:s23] =	ssyncset.done $0x0  }
0xaf: {  	[sflag:s23] =	ssyncadd.s32 $0xFFFFF100  }
0xb0: {  	_ =	sfence.sel $0x180000  }
0xb1: {  	[bflag:$0x0] =	sbarrier.arrive $0xFFFF  }
0xb2: {  	_ =	strace $0x90000047  }
0xb3: {  	s0 =	stileid.u32;
	[bflag:$0x2] =	sbarrier.arrive $0xFFFF  }
0xb4: {  	p0 =	sne.s32 s0, $0x0;
	s0 =	rddreg [dreg:$0x3]  }
0xb5: {  	s0 =	sadd.s32 @!p0 $0x100000, s0  }
0xb6: {  	[sflag:s0] =	ssyncadd.tile.s32 @!p0 $0x1;
	_ =	shalt  }
.Lfunc_end2:
_tile_overlayer_lowered:
.L_overlay_start_2:
0xb7: {  	(tag) =	ssettag $0x2  }
0xb8: {  	s0 =	rddreg [dreg:$0x0];
	s2 =	stileid.u32  }
0xb9: {  	s1 =	rddreg [dreg:$0x1];
	p0 =	sne.s32 s2, $0x0  }
0xba: {  	s3 =	rddreg [dreg:$0x2];
	[bflag:$0x3] =	sbarrier.arrive $0xFFFF;
	s2 =	simm.s32 @!p0 $0x1C06  }
0xbb: {  	[timem:s3], [sflag:s2] =	dma.local @!p0 [hbm:s0], s1  }
0xbc: {  	s0 =	simm.s32 @!p0 $0x6  }
0xbd: {  	_ =	swait.ge @!p0 [sflag:s0], s1  }
0xbe: {  	s1 =	ssub.s32 @!p0 $0x0, s1;
	[sflag:s0] =	ssyncset.done @!p0 $0x0  }
0xbf: {  	[sflag:s0] =	ssyncadd.s32 @!p0 s1  }
0xc0: {  	[bflag:$0x3] =	sbarrier.arrive $0xFFFF  }
0xc1: {  	_ =	shalt  }

// kernel: kernel.7.cloned.1.call-start
scs
__scs_entry_jumppad:
0x0: {  	(pc) =	sbr.rel $0x88, $3  }
0x1: {  	(tag) =	ssettag $0x0;
	lr =	simm.s32 $0x1  }
0x2: {  	[smem:$0x3F92] =	sst lr;
	_ =	strace $0xD0000000  }
0x3: {  	_ = 	snop  }
0x4: {  	_ = 	snop  }
0x5: {  	_ = 	snop  }
0x6: {  	_ = 	snop  }
0x7: {  	_ = 	snop  }
__scs_overlays_trampoline_lowered:
0x8: {  	[smem:$0x3FA1] =	sst s0  }
0x9: {  	[smem:$0x3FA2] =	sst s1  }
0xa: {  	[smem:$0x3FA3] =	sst s2  }
0xb: {  	[smem:$0x3FA4] =	sst s3  }
0xc: {  	[smem:$0x3FA5] =	sst s4  }
0xd: {  	[smem:$0x3FA6] =	sst s5  }
0xe: {  	[smem:$0x3FA7] =	sst s6  }
0xf: {  	[smem:$0x3FA8] =	sst s7  }
0x10: {  	[smem:$0x3FA9] =	sst s8  }
0x11: {  	[smem:$0x3FAA] =	sst s9;
	s0 =	simm.s32 @!p0 $0x0  }
0x12: {  	s1 =	sld [smem:$0x3F90];
	s0 =	simm.s32 @p0 $0x1  }
0x13: {  	[smem:$0x3FAB] =	sst s0;
	s0 =	simm.s32 @!p1 $0x0  }
0x14: {  	s2 =	sld [smem:$0x3F8F];
	s0 =	simm.s32 @p1 $0x1  }
0x15: {  	[smem:$0x3FAC] =	sst s0;
	s0 =	simm.s32 @!p2 $0x0  }
0x16: {  	s3 =	sld [smem:$0x3FDB];
	s0 =	simm.s32 @p2 $0x1  }
0x17: {  	s4 =	simm.s32 $0x1BF5;
	[smem:$0x3FAE] =	sst s0  }
0x18: {  	s0 =	sld [smem:$0x3F91];
	_ =	swait.ge [sflag:s4], $0x0  }
0x19: {  	s7 =	sld [smem:$0x3F92]  }
0x1a: {  	s8 =	sadd.s32 $0xFFFFE003, lr  }
0x1b: {  	s9 =	sadd.s32 $0xFFFFFEF7, lr;
	s5 =	simm.s32 $0xFFFFFFFF;
	p2 =	slt.u32 s8, $0xFFFFF086  }
0x1c: {  	p1 =	slt.u32 s9, $0xF7A;
	s5 =	simm.s32 @!p2 $0x0  }
0x1d: {  	s5 =	simm.s32 @p1 $0x1;
	p0 =	seq.s32 s7, s2  }
0x1e: {  	s7 =	smul.u32 @!p0 $0xF7A, s2;
	p2 =	seq.s32 @!p0 s5, $0x0  }
0x1f: {  	s9 =	smul.u32 $0xF7A, s1;
	s8 =	simm.s32 @!p0 $0x1BF5;
	p2 =	por !p2, p0  }
0x20: {  	[sflag:s8] =	ssyncset.s32 @!p0 $0xFFFFF086;
	s6 =	sadd.s32 @!p0 s3, s7;
	s7 =	simm.s32 @!p0 $0x108  }
0x21: {  	s3 =	sadd.s32 s3, s9;
	s6 =	sadd.s32 @!p0 $0x88, s6;
	s7 =	simm.s32 @p2 $0x1082  }
0x22: {  	[simem:s7], [sflag:s8] =	dma.local @!p0 [hbm:s6], $0xF7A  }
0x23: {  	s9 =	sor.u32 $0xD0000000, s2;
	s6 =	simm.s32 $0x108;
	_ =	swait.ge @!p0 [sflag:s8], $0x0  }
0x24: {  	s3 =	sadd.s32 $0x88, s3;
	s6 =	simm.s32 @!p1 $0x1082;
	[sflag:s4] =	ssyncset.s32 $0xFFFFF086  }
0x25: {  	[simem:s6], [sflag:s4] =	dma.local [hbm:s3], $0xF7A  }
0x26: {  	[smem:$0x3F92] =	sst s1;
	(tag) =	ssettag s2;
	_ =	strace s9  }
0x27: {  	s1 =	sld [smem:$0x3FA2]  }
0x28: {  	s2 =	sld [smem:$0x3FA3]  }
0x29: {  	s4 =	sld [smem:$0x3FA5]  }
0x2a: {  	p0 =	seq.s32 s5, $0x0;
	s5 =	sld [smem:$0x3FA6]  }
0x2b: {  	s6 =	sld [smem:$0x3FA7]  }
0x2c: {  	s7 =	sld [smem:$0x3FA8]  }
0x2d: {  	s3 =	simm.s32 $0x108;
	s8 =	sld [smem:$0x3FA9]  }
0x2e: {  	s3 =	simm.s32 @!p0 $0x1082;
	s9 =	sld [smem:$0x3FAA]  }
0x2f: {  	lr =	sadd.s32 s0, s3;
	s0 =	sld [smem:$0x3FA1]  }
0x30: {  	s3 =	sld [smem:$0x3FA4]  }
0x31: {  	[smem:$0x3FAD] =	sst s10  }
0x32: {  	s10 =	sld [smem:$0x3FAB];
	_ =	sdelay $0x3  }
0x33: {  	p0 =	seq.s32 s10, $0x1;
	s10 =	sld [smem:$0x3FAD];
	_ =	sdelay $0x3  }
0x34: {  	[smem:$0x3FAD] =	sst s10  }
0x35: {  	s10 =	sld [smem:$0x3FAC];
	_ =	sdelay $0x3  }
0x36: {  	p1 =	seq.s32 s10, $0x1;
	s10 =	sld [smem:$0x3FAD];
	_ =	sdelay $0x3  }
0x37: {  	[smem:$0x3FAD] =	sst s10  }
0x38: {  	s10 =	sld [smem:$0x3FAE]  }
0x39: {  	_ = 	snop;
	(pc) =	sbr.ind lr, $3  }
0x3a: {  	_ = 	snop  }
0x3b: {  	_ = 	snop  }
0x3c: {  	p2 =	seq.s32 s10, $0x1;
	s10 =	sld [smem:$0x3FAD]  }
0x3d: {  	_ =	shalt  }
0x3e: {  	_ =	shalt  }
0x3f: {  	_ =	shalt  }
0x40: {  	_ =	shalt  }
0x41: {  	_ =	shalt  }
0x42: {  	_ =	shalt  }
0x43: {  	_ =	shalt  }
0x44: {  	_ =	shalt  }
0x45: {  	_ =	shalt  }
0x46: {  	_ =	shalt  }
0x47: {  	_ =	shalt  }
0x48: {  	_ =	shalt  }
0x49: {  	_ =	shalt  }
0x4a: {  	_ =	shalt  }
0x4b: {  	_ =	shalt  }
0x4c: {  	_ =	shalt  }
0x4d: {  	_ =	shalt  }
0x4e: {  	_ =	shalt  }
0x4f: {  	_ =	shalt  }
0x50: {  	_ =	shalt  }
0x51: {  	_ =	shalt  }
0x52: {  	_ =	shalt  }
0x53: {  	_ =	shalt  }
0x54: {  	_ =	shalt  }
0x55: {  	_ =	shalt  }
0x56: {  	_ =	shalt  }
0x57: {  	_ =	shalt  }
0x58: {  	_ =	shalt  }
0x59: {  	_ =	shalt  }
0x5a: {  	_ =	shalt  }
0x5b: {  	_ =	shalt  }
0x5c: {  	_ =	shalt  }
0x5d: {  	_ =	shalt  }
0x5e: {  	_ =	shalt  }
0x5f: {  	_ =	shalt  }
0x60: {  	_ =	shalt  }
0x61: {  	_ =	shalt  }
0x62: {  	_ =	shalt  }
0x63: {  	_ =	shalt  }
0x64: {  	_ =	shalt  }
0x65: {  	_ =	shalt  }
0x66: {  	_ =	shalt  }
0x67: {  	_ =	shalt  }
0x68: {  	_ =	shalt  }
0x69: {  	_ =	shalt  }
0x6a: {  	_ =	shalt  }
0x6b: {  	_ =	shalt  }
0x6c: {  	_ =	shalt  }
0x6d: {  	_ =	shalt  }
0x6e: {  	_ =	shalt  }
0x6f: {  	_ =	shalt  }
0x70: {  	_ =	shalt  }
0x71: {  	_ =	shalt  }
0x72: {  	_ =	shalt  }
0x73: {  	_ =	shalt  }
0x74: {  	_ =	shalt  }
0x75: {  	_ =	shalt  }
0x76: {  	_ =	shalt  }
0x77: {  	_ =	shalt  }
0x78: {  	_ =	shalt  }
0x79: {  	_ =	shalt  }
0x7a: {  	_ =	shalt  }
0x7b: {  	_ =	shalt  }
0x7c: {  	_ =	shalt  }
0x7d: {  	_ =	shalt  }
0x7e: {  	_ =	shalt  }
0x7f: {  	_ =	shalt  }
0x80: {  	_ =	shalt  }
0x81: {  	_ =	shalt  }
0x82: {  	_ =	shalt  }
0x83: {  	_ =	shalt  }
0x84: {  	_ =	shalt  }
0x85: {  	_ =	shalt  }
0x86: {  	_ =	shalt  }
0x87: {  	_ =	shalt  }
.Lfunc_end0:
.L_simem_size_0:
called_computation_lowered:
.L_overlay_start_0:
0x88: {  	s2 =	sld [smem:$0x3FD9]  }
0x89: {  	s3 =	sld [smem:$0x3FFE];
	_ =	sdelay $0x1  }
0x8a: {  	s1 =	srdreg.scid  }
0x8b: {  	s0 =	sand.u32 $0x1, s1  }
0x8c: {  	s17 =	sshll.u32 s0, $0xA;
	s2 =	sadd.s32 s3, s2  }
0x8d: {  	s2 =	sadd.s32 s2, s17  }
0x8e: {  	[smem:$0x3FB9] =	sst s2  }
0x8f: {  	_ = 	snop  }
0x90: {  	(tm) =	ssettm $0x1  }
0x91: {  	s18 =	sld [smem:$0x3FFB];
	_ =	sdelay $0x3  }
0x92: {  	_ =	strace s18  }
0x93: {  	s2 =	sld [smem:$0x3FFC];
	_ =	sdelay $0x3  }
0x94: {  	_ =	strace s2  }
0x95: {  	s2 =	sld [smem:$0x3FFD];
	_ =	sdelay $0x3  }
0x96: {  	_ =	strace s2  }
0x97: {  	_ =	strace $0x8FFFFFFF  }
0x98: {  	s19 =	sld [smem:$0x3FDB];
	_ =	sdelay $0x1  }
0x99: {  	s20 =	simm.s32 $_scs_section_size  }
0x9a: {  	s4 =	simm.s32 $_size__tile_overlayer_lowered;
	s5 =	simm.s32 $_tile_overlayer_lowered  }
0x9b: {  	s6 =	simm.s32 $0x1BFF;
	s21 =	sshll.u32 s5, $0x1;
	s3 =	sadd.s32 s20, s19  }
0x9c: {  	s22 =	simm.s32 $0x0;
	s4 =	sshll.u32 s4, $0x1;
	s5 =	sadd.s32 s21, s3  }
0x9d: {  	[timem:s22], [sflag:s6] =	dma.local [hbm:s5], s4  }
0x9e: {  	_ =	swait.ge [sflag:s6], s4  }
0x9f: {  	s4 =	ssub.s32 $0x0, s4;
	[sflag:s6] =	ssyncset.done $0x0  }
0xa0: {  	[sflag:s6] =	ssyncadd.s32 s4;
	_ =	sdelay $0x1  }
0xa1: {  	s23 =	simm.s32 $0x1B8B  }
0xa2: {  	_ =	swait.ge [sflag:s23], $0x1  }
0xa3: {  	[sflag:s23] =	ssyncset.done $0x0  }
0xa4: {  	[sflag:s23] =	ssyncadd.s32 $0xFFFFFFFF  }
0xa5: {  	s4 =	sld [smem:$0x0]  }
0xa6: {  	s5 =	sand.u32 $0xFFFFFFFE, s1  }
0xa7: {  	p0 =	sne.s32 s1, s5  }
0xa8: {  	s5 =	sshll.u32 @p0 s5, $0xE  }
0xa9: {  	s5 =	sadd.s32 @p0 $0x11B8D, s5;
	s6 =	sshll.u32 @p0 s4, $0x11  }
0xaa: {  	s5 =	sor.u32 @p0 s6, s5  }
0xab: {  	[sflag:s5] =	ssyncadd.remote.s32 @p0 $0x1;
	_ =	sdelay $0x1  }
0xac: {  	s5 =	simm.s32 @p0 $0x1B8D  }
0xad: {  	_ =	swait.eq @p0 [sflag:s5], $0x1  }
0xae: {  	[sflag:s5] =	ssyncadd.s32 @p0 $0xFFFFFFFF  }
0xaf: {  	s6 =	sshll.u32 @!p0 s1, $0xE  }
0xb0: {  	s6 =	sor.u32 @!p0 $0x4000, s6;
	s5 =	simm.s32 @!p0 $0x1B8D  }
0xb1: {  	s4 =	sshll.u32 @!p0 s4, $0x11;
	s6 =	sadd.s32 @!p0 $0x11B8D, s6;
	_ =	swait.eq @!p0 [sflag:s5], $0x1  }
0xb2: {  	s4 =	sor.u32 @!p0 s4, s6;
	[sflag:s5] =	ssyncadd.s32 @!p0 $0xFFFFFFFF  }
0xb3: {  	s25 =	simm.s32 $0x1B8E;
	s24 =	sld [smem:$0x3FFE];
	[sflag:s4] =	ssyncadd.remote.s32 @!p0 $0x1  }
0xb4: {  	s26 =	simm.s32 $execute0_lowered;
	[smem:$0x3FD2] =	sst s25  }
0xb5: {  	s5 =	sshll.u32 s26, $0x1;
	_ =	strace $0x8000004C;
	[dreg:$0x1] =	wrdreg $0xFFFFFFFF  }
0xb6: {  	s28 =	simm.s32 $_size_execute0_lowered;
	s3 =	sadd.s32 s3, s5;
	[dreg:$0x0] =	wrdreg $0x0  }
0xb7: {  	s5 =	sshll.u32 s28, $0x1;
	[dreg:$0x2] =	wrdreg s3  }
0xb8: {  	[dreg:$0x3] =	wrdreg s5  }
0xb9: {  	[dreg:$0x4] =	wrdreg $0xC0  }
0xba: {  	_ =	task [dreg:s22], $0x5FFFF  }
0xbb: {  	[dreg:$0x1] =	wrdreg $0xFFFFFFFF  }
0xbc: {  	[dreg:$0x0] =	wrdreg $0x60  }
0xbd: {  	[dreg:$0x2] =	wrdreg s24  }
0xbe: {  	[dreg:$0x3] =	wrdreg $0x17D400  }
0xbf: {  	[dreg:$0x4] =	wrdreg $0x105400  }
0xc0: {  	[dreg:$0x5] =	wrdreg $0x9  }
0xc1: {  	_ =	task.clear_ibuf [dreg:s22], $0x6FFFF;
	_ =	strace $0x9000004C  }
0xc2: {  	s29 =	simm.s32 $0x9;
	_ =	strace $0x8000004E  }
0xc3: {  	_ =	swait.ge [sflag:s29], $0x1  }
0xc4: {  	[sflag:s29] =	ssyncadd.s32 $0xFFFFFFFF  }
0xc5: {  	_ =	strace $0x9000004E  }
0xc6: {  	_ =	sfence  }
0xc7: {  	s30 =	sld [smem:$0x0];
	_ =	sdelay $0x2  }
0xc8: {  	s31 =	sshll.u32 s1, $0xD;
	s1 =	sshrl.u32 s1, $0x2  }
0xc9: {  	s4 =	sand.u32 $0x4000, s31;
	s1 =	sadd.s32 s1, s30  }
0xca: {  	s0 =	sor.u32 s4, s0;
	s1 =	sshll.u32 s1, $0x11  }
0xcb: {  	s0 =	sor.u32 s1, s0  }
0xcc: {  	s0 =	sadd.s32 $0x8F2B, s0  }
0xcd: {  	[sflag:s0] =	ssyncadd.remote.s32 $0x1  }
0xce: {  	_ =	sfence.sel $0xFFFF  }
0xcf: {  	[dreg:$0x0] =	wrdreg $0xFFFFFFFF;
	(pc) =	sbr.abs _section_cstart, $3  }
0xd0: {  	[dreg:$0x1] =	wrdreg $0xFFFFFFFF  }
0xd1: {  	_ =	task.clear_ibuf [dreg:s22], $0x2FFFF;
	_ =	strace $0x9FFFFFFF  }
0xd2: {  	(tm) =	ssettm $0x7FFFFFFF  }
0xd3: {  	_ =	shalt  }
tec
execute0_lowered:
.L_overlay_start_1:
0x0: {  	(tag) =	ssettag $0x1  }
0x1: {  	s0 =	rddreg [dreg:$0x0]  }
0x2: {  	s1 =	rddreg [dreg:$0x1]  }
0x3: {  	s3 =	rddreg [dreg:$0x2];
	s4 =	simm.s32 $0x0  }
0x4: {  	s18 =	stileid.u32;
	s6 =	srdreg.scid;
	s28 =	simm.s32 $0x3D40  }
0x5: {  	s29 =	simm.s32 $0x4140;
	s30 =	simm.s32 $0x3F40;
	s31 =	simm.s32 $0x4340  }
0x6: {  	[smem:$0x7FF] =	sst s4;
	s2 =	smul.u32 $0x7800, s18;
	s7 =	sadd.s32 $0x9600, s0  }
0x7: {  	s5 =	sadd.s32 $0x92C00, s0;
	s6 =	sand.u32 $0x1, s6;
	s8 =	sadd.s32 $0x1DC00, s0  }
0x8: {  	s11 =	sadd.s32 $0x9C00, s0;
	s12 =	sadd.s32 $0x31C00, s0;
	s15 =	smul.u32 $0x280, s18  }
0x9: {  	s13 =	sshll.u32 s18, $0x1;
	s16 =	smul.u32 $0xA000, s18;
	_ =	strace $0x8000004D  }
0xa: {  	s10 =	smul.u32 $0xF000, s6;
	[dreg:$0x4] =	wrdreg s12;
	s22 =	ssub.s32 $0x2, s6  }
0xb: {  	s13 =	sor.u32 s6, s13;
	s17 =	smul.u32 $0x5000, s6;
	p0 =	sne.s32 s6, $0x0  }
0xc: {  	s6 =	simm.s32 $0x4540;
	s9 =	sshrl.u32 s2, $0x3;
	s14 =	sshrl.u32 s22, $0x1  }
0xd: {  	s23 =	sadd.s32 s2, s1;
	s13 =	smul.u32 $0x5000, s13;
	s24 =	sshrl.u32 s15, $0x3  }
0xe: {  	s15 =	sadd.s32 $0x140, s15;
	s12 =	sadd.s32 s9, s0;
	s0 =	sadd.s32 s10, s0  }
0xf: {  	s10 =	ssub.s32 s22, s14;
	[dreg:$0x5] =	wrdreg s23;
	s14 =	sadd.s32 s7, s24  }
0x10: {  	s25 =	sshrl.u32 s15, $0x3;
	s26 =	smul.u32 $0xC0, s15;
	s20 =	sadd.s32 s17, s16  }
0x11: {  	s24 =	sshll.u32 s18, $0x6;
	[dreg:$0x6] =	wrdreg s14;
	s7 =	sadd.s32 s7, s25  }
0x12: {  	s13 =	sshrl.u32 s13, $0x3;
	s22 =	sor.u32 $0x600, s20;
	s16 =	sor.u32 $0x400, s20  }
0x13: {  	s18 =	sor.u32 $0x1C06, s24;
	s0 =	sadd.s32 $0x98C00, s0;
	[dreg:$0x7] =	wrdreg s7  }
0x14: {  	s15 =	sadd.s32 s8, s13;
	s19 =	sor.u32 $0x40, s13;
	s13 =	sadd.s32 s11, s13  }
0x15: {  	s23 =	sshrl.u32 s16, $0x3;
	s25 =	sshrl.u32 s26, $0x2;
	s26 =	sadd.s32 $0xB6C00, s12  }
0x16: {  	s24 =	sadd.s32 s9, s0;
	s0 =	simm.s32 $0x2;
	[dreg:$0x8] =	wrdreg s15  }
0x17: {  	s7 =	simm.s32 $0x3;
	s9 =	simm.s32 $0x4;
	[dreg:$0x9] =	wrdreg s13  }
0x18: {  	s21 =	sadd.s32 s8, s19;
	s14 =	sadd.s32 s11, s19;
	s13 =	sshrl.u32 s22, $0x3  }
0x19: {  	s16 =	sadd.s32 s23, s11;
	s17 =	sadd.s32 s23, s8;
	s19 =	sadd.s32 s2, s3  }
0x1a: {  	s2 =	sadd.s32 s25, s3;
	[dreg:$0xd] =	wrdreg s26;
	s22 =	smax.u32 s10, $0x1  }
0x1b: {  	s23 =	simm.s32 $0x6;
	s25 =	simm.s32 $0x140;
	[dreg:$0xa] =	wrdreg s21  }
0x1c: {  	s26 =	simm.s32 $0x1;
	s10 =	simm.s32 $0x5;
	[dreg:$0xb] =	wrdreg s14  }
0x1d: {  	s14 =	sadd.s32 s13, s11;
	s15 =	sadd.s32 s13, s8;
	[dreg:$0xc] =	wrdreg s2  }
0x1e: {  	s2 =	simm.s32 $0x200;
	s8 =	simm.s32 $0xA540;
	s11 =	simm.s32 $0x0  }
.LBB2_1:
0x1f: {  	s12 =	rddreg [dreg:$0x5]  }
0x20: {  	s13 =	rddreg [dreg:$0x4];
	s12 =	sshrl.u32 s12, $0x3  }
0x21: {  	[spmem:s12], [sflag:s18] =	dma.local [hbm:s13], $0xF00  }
0x22: {  	_ =	swait.ge [sflag:s23], $0xF00  }
0x23: {  	[sflag:s23] =	ssyncset.done $0x0  }
0x24: {  	s20 =	rddreg [dreg:$0x6];
	[sflag:s23] =	ssyncadd.s32 $0xFFFFF100  }
0x25: {  	[tilespmem:s4], [sflag:$0x6] =	stream.linear.gather [hbm4b:s20+s4], $0x140, $0x38;
	[tilespmem:$0x1F540] =	vst v63  }
0x26: {  	_ =	swait.ge [sflag:s23], $0x140  }
0x27: {  	[sflag:s23] =	ssyncset.done $0x0  }
0x28: {  	[sflag:s23] =	ssyncadd.s32 $0xFFFFFEC0  }
0x29: {  	[tilespmem:s25], [sflag:$0x1] =	stream.indirect.gather [hbm4b:s5+s25], $0x30, s4, s25, $0xb8;
	[tilespmem:$0x1F540] =	vst v63  }
0x2a: {  	_ =	swait.ge [sflag:s26], $0x3C00  }
0x2b: {  	[sflag:s26] =	ssyncset.done $0x0  }
0x2c: {  	[sflag:s26] =	ssyncadd.s32 $0xFFFFC400  }
0x2d: {  	[spmem:s19] =	stream.linear.scatter [tilespmem:s25], [sflag:$0x6], $0x3C00, $0x38;
	[tilespmem:$0x1F540] =	vst v63  }
0x2e: {  	_ =	swait.ge [sflag:s23], $0x3C00  }
0x2f: {  	[sflag:s23] =	ssyncset.done $0x0  }
0x30: {  	s21 =	rddreg [dreg:$0x7];
	[sflag:s23] =	ssyncadd.s32 $0xFFFFC400  }
0x31: {  	[tilespmem:s4], [sflag:$0x6] =	stream.linear.gather [hbm4b:s21+s4], $0x140, $0x38;
	[tilespmem:$0x1F540] =	vst v63  }
0x32: {  	_ =	swait.ge [sflag:s23], $0x140  }
0x33: {  	[sflag:s23] =	ssyncset.done $0x0  }
0x34: {  	[sflag:s23] =	ssyncadd.s32 $0xFFFFFEC0  }
0x35: {  	[tilespmem:s25], [sflag:$0x1] =	stream.indirect.gather [hbm4b:s5+s25], $0x30, s4, s25, $0xb8;
	[tilespmem:$0x1F540] =	vst v63  }
0x36: {  	_ =	swait.ge [sflag:s26], $0x3C00  }
0x37: {  	[sflag:s26] =	ssyncset.done $0x0  }
0x38: {  	s20 =	rddreg [dreg:$0xc];
	[sflag:s26] =	ssyncadd.s32 $0xFFFFC400  }
0x39: {  	[spmem:s20] =	stream.linear.scatter [tilespmem:s25], [sflag:$0x6], $0x3C00, $0x38;
	[tilespmem:$0x1F540] =	vst v63  }
0x3a: {  	_ =	swait.ge [sflag:s23], $0x3C00  }
0x3b: {  	[sflag:s23] =	ssyncset.done $0x0  }
0x3c: {  	s13 =	sshrl.u32 @!p0 s19, $0x3;
	s20 =	rddreg [dreg:$0xd];
	[sflag:s23] =	ssyncadd.s32 $0xFFFFC400  }
0x3d: {  	[hbm:s20], [sflag:s18] =	dma.local @!p0 [spmem:s13], $0xF00  }
0x3e: {  	s13 =	simm.s32 @!p0 $0x6  }
0x3f: {  	_ =	swait.ge @!p0 [sflag:s13], $0xF00  }
0x40: {  	[sflag:s13] =	ssyncset.done @!p0 $0x0  }
0x41: {  	[sflag:s13] =	ssyncadd.s32 @!p0 $0xFFFFF100  }
0x42: {  	[bflag:$0x0] =	sbarrier.arrive $0xFFFF  }
0x43: {  	s21 =	rddreg [dreg:$0x8]  }
0x44: {  	[tilespmem:s28], [sflag:$0x2] =	stream.linear.gather [hbm4b:s21+s4], $0x200, $0x38;
	[tilespmem:$0x1F540] =	vst v63  }
0x45: {  	s20 =	rddreg [dreg:$0x9]  }
0x46: {  	[tilespmem:s29], [sflag:$0x2] =	stream.linear.gather [hbm4b:s20+s4], $0x200, $0x38;
	[tilespmem:$0x1F540] =	vst v63  }
0x47: {  	s21 =	rddreg [dreg:$0xa]  }
0x48: {  	[tilespmem:s30], [sflag:$0x3] =	stream.linear.gather [hbm4b:s21+s4], $0x200, $0x38;
	[tilespmem:$0x1F540] =	vst v63  }
0x49: {  	s20 =	rddreg [dreg:$0xb]  }
0x4a: {  	[tilespmem:s31], [sflag:$0x3] =	stream.linear.gather [hbm4b:s20+s4], $0x200, $0x38;
	[tilespmem:$0x1F540] =	vst v63  }
0x4b: {  	_ =	swait.ge [sflag:s0], $0x200  }
0x4c: {  	[sflag:s0] =	ssyncset.done $0x0  }
0x4d: {  	[sflag:s0] =	ssyncadd.s32 $0xFFFFFE00  }
0x4e: {  	_ =	swait.ge [sflag:s0], $0x200  }
0x4f: {  	[sflag:s0] =	ssyncset.done $0x0  }
0x50: {  	[sflag:s0] =	ssyncadd.s32 $0xFFFFFE00  }
0x51: {  	[tilespmem:s6], [sflag:$0x4] =	stream.indirect.gather [spmem:s3], $0x30, s28, s2, $0xb8;
	[tilespmem:$0x1F540] =	vst v63  }
0x52: {  	_ =	swait.ge [sflag:s7], $0x200  }
0x53: {  	[sflag:s7] =	ssyncset.done $0x0  }
0x54: {  	[sflag:s7] =	ssyncadd.s32 $0xFFFFFE00  }
0x55: {  	_ =	swait.ge [sflag:s7], $0x200  }
0x56: {  	[sflag:s7] =	ssyncset.done $0x0  }
0x57: {  	[sflag:s7] =	ssyncadd.s32 $0xFFFFFE00  }
0x58: {  	[tilespmem:s8], [sflag:$0x5] =	stream.indirect.gather [spmem:s3], $0x30, s30, s2, $0xb8;
	[tilespmem:$0x1F540] =	vst v63  }
0x59: {  	_ =	swait.ge [sflag:s9], $0x6000  }
0x5a: {  	[sflag:s9] =	ssyncset.done $0x0  }
0x5b: {  	[sflag:s9] =	ssyncadd.s32 $0xFFFFA000  }
0x5c: {  	[spmem:s1] =	stream.indirect.scatter.add.f32 [tilespmem:s6], [sflag:$0x6], $0x30, s29, s2, $0xb8;
	[tilespmem:$0x1F540] =	vst v63  }
0x5d: {  	_ =	swait.ge [sflag:s23], $0x6000  }
0x5e: {  	[sflag:s23] =	ssyncset.done $0x0  }
0x5f: {  	s21 =	sadd.s32 $0x0, s17;
	[sflag:s23] =	ssyncadd.s32 $0xFFFFA000  }
0x60: {  	[tilespmem:s28], [sflag:$0x2] =	stream.linear.gather [hbm4b:s21+s4], $0x200, $0x38;
	[tilespmem:$0x1F540] =	vst v63  }
0x61: {  	s20 =	sadd.s32 $0x0, s16  }
0x62: {  	[tilespmem:s29], [sflag:$0x2] =	stream.linear.gather [hbm4b:s20+s4], $0x200, $0x38;
	[tilespmem:$0x1F540] =	vst v63  }
0x63: {  	_ =	swait.ge [sflag:s0], $0x200  }
0x64: {  	[sflag:s0] =	ssyncset.done $0x0  }
0x65: {  	[sflag:s0] =	ssyncadd.s32 $0xFFFFFE00  }
0x66: {  	_ =	swait.ge [sflag:s0], $0x200  }
0x67: {  	[sflag:s0] =	ssyncset.done $0x0  }
0x68: {  	[sflag:s0] =	ssyncadd.s32 $0xFFFFFE00  }
0x69: {  	[tilespmem:s6], [sflag:$0x4] =	stream.indirect.gather [spmem:s3], $0x30, s28, s2, $0xb8;
	[tilespmem:$0x1F540] =	vst v63  }
0x6a: {  	_ =	swait.ge [sflag:s10], $0x6000  }
0x6b: {  	[sflag:s10] =	ssyncset.done $0x0  }
0x6c: {  	[sflag:s10] =	ssyncadd.s32 $0xFFFFA000  }
0x6d: {  	[spmem:s1] =	stream.indirect.scatter.add.f32 [tilespmem:s8], [sflag:$0x6], $0x30, s31, s2, $0xb8;
	[tilespmem:$0x1F540] =	vst v63  }
0x6e: {  	_ =	swait.ge [sflag:s23], $0x6000  }
0x6f: {  	s13 =	simm.s32 $0x80;
	[sflag:s23] =	ssyncset.done $0x0  }
0x70: {  	s21 =	sadd.s32 $0x0, s15;
	s20 =	sadd.s32 $0x0, s14;
	[sflag:s23] =	ssyncadd.s32 $0xFFFFA000  }
0x71: {  	[tilespmem:s30], [sflag:$0x3] =	stream.linear.gather [hbm4b:s21+s4], $0x200, $0x38;
	[tilespmem:$0x1F540] =	vst v63  }
.LBB2_2:
0x72: {  	[tilespmem:s31], [sflag:$0x3] =	stream.linear.gather [hbm4b:s20+s4], $0x200, $0x38;
	[tilespmem:$0x1F540] =	vst v63  }
0x73: {  	s20 =	smov.u32 s13  }
0x74: {  	p1 =	sne.s32 s13, $0x900;
	s13 =	sadd.s32 $0x80, s13;
	_ =	swait.ge [sflag:s7], $0x200  }
0x75: {  	[sflag:s7] =	ssyncset.done $0x0  }
0x76: {  	[sflag:s7] =	ssyncadd.s32 $0xFFFFFE00  }
0x77: {  	_ =	swait.ge [sflag:s7], $0x200  }
0x78: {  	[sflag:s7] =	ssyncset.done $0x0  }
0x79: {  	[sflag:s7] =	ssyncadd.s32 $0xFFFFFE00  }
0x7a: {  	[tilespmem:s8], [sflag:$0x5] =	stream.indirect.gather [spmem:s3], $0x30, s30, s2, $0xb8;
	[tilespmem:$0x1F540] =	vst v63  }
0x7b: {  	_ =	swait.ge [sflag:s9], $0x6000  }
0x7c: {  	[sflag:s9] =	ssyncset.done $0x0  }
0x7d: {  	[sflag:s9] =	ssyncadd.s32 $0xFFFFA000  }
0x7e: {  	[spmem:s1] =	stream.indirect.scatter.add.f32 [tilespmem:s6], [sflag:$0x6], $0x30, s29, s2, $0xb8;
	[tilespmem:$0x1F540] =	vst v63  }
0x7f: {  	_ =	swait.ge [sflag:s23], $0x6000  }
0x80: {  	[sflag:s23] =	ssyncset.done $0x0  }
0x81: {  	s21 =	sadd.s32 s20, s17;
	[sflag:s23] =	ssyncadd.s32 $0xFFFFA000  }
0x82: {  	[tilespmem:s28], [sflag:$0x2] =	stream.linear.gather [hbm4b:s21+s4], $0x200, $0x38;
	[tilespmem:$0x1F540] =	vst v63  }
0x83: {  	s21 =	sadd.s32 s20, s16  }
0x84: {  	[tilespmem:s29], [sflag:$0x2] =	stream.linear.gather [hbm4b:s21+s4], $0x200, $0x38;
	[tilespmem:$0x1F540] =	vst v63  }
0x85: {  	_ =	swait.ge [sflag:s0], $0x200  }
0x86: {  	[sflag:s0] =	ssyncset.done $0x0  }
0x87: {  	[sflag:s0] =	ssyncadd.s32 $0xFFFFFE00  }
0x88: {  	_ =	swait.ge [sflag:s0], $0x200  }
0x89: {  	[sflag:s0] =	ssyncset.done $0x0  }
0x8a: {  	[sflag:s0] =	ssyncadd.s32 $0xFFFFFE00  }
0x8b: {  	[tilespmem:s6], [sflag:$0x4] =	stream.indirect.gather [spmem:s3], $0x30, s28, s2, $0xb8;
	[tilespmem:$0x1F540] =	vst v63  }
0x8c: {  	_ =	swait.ge [sflag:s10], $0x6000  }
0x8d: {  	[sflag:s10] =	ssyncset.done $0x0  }
0x8e: {  	[sflag:s10] =	ssyncadd.s32 $0xFFFFA000  }
0x8f: {  	[spmem:s1] =	stream.indirect.scatter.add.f32 [tilespmem:s8], [sflag:$0x6], $0x30, s31, s2, $0xb8;
	[tilespmem:$0x1F540] =	vst v63  }
.Ltmp0:
0x90: {  	_ =	swait.ge [sflag:s23], $0x6000;
	(pc) =	sbr.rel @p1 .LBB2_2-.Ltmp0, $4  }
0x91: {  	[sflag:s23] =	ssyncset.done $0x0  }
0x92: {  	s21 =	sadd.s32 s20, s15;
	[sflag:s23] =	ssyncadd.s32 $0xFFFFA000  }
0x93: {  	[tilespmem:s30], [sflag:$0x3] =	stream.linear.gather [hbm4b:s21+s4], $0x200, $0x38;
	[tilespmem:$0x1F540] =	vst v63  }
0x94: {  	s20 =	sadd.s32 s20, s14  }
0x95: {  	[tilespmem:s31], [sflag:$0x3] =	stream.linear.gather [hbm4b:s20+s4], $0x200, $0x38;
	[tilespmem:$0x1F540] =	vst v63  }
0x96: {  	_ =	swait.ge [sflag:s7], $0x200  }
0x97: {  	[sflag:s7] =	ssyncset.done $0x0  }
0x98: {  	[sflag:s7] =	ssyncadd.s32 $0xFFFFFE00  }
0x99: {  	_ =	swait.ge [sflag:s7], $0x200  }
0x9a: {  	[sflag:s7] =	ssyncset.done $0x0  }
0x9b: {  	[sflag:s7] =	ssyncadd.s32 $0xFFFFFE00  }
0x9c: {  	[tilespmem:s8], [sflag:$0x5] =	stream.indirect.gather [spmem:s3], $0x30, s30, s2, $0xb8;
	[tilespmem:$0x1F540] =	vst v63  }
0x9d: {  	_ =	swait.ge [sflag:s9], $0x6000  }
0x9e: {  	[sflag:s9] =	ssyncset.done $0x0  }
0x9f: {  	[sflag:s9] =	ssyncadd.s32 $0xFFFFA000  }
0xa0: {  	[spmem:s1] =	stream.indirect.scatter.add.f32 [tilespmem:s6], [sflag:$0x6], $0x30, s29, s2, $0xb8;
	[tilespmem:$0x1F540] =	vst v63  }
0xa1: {  	_ =	swait.ge [sflag:s23], $0x6000  }
0xa2: {  	[sflag:s23] =	ssyncset.done $0x0  }
0xa3: {  	[sflag:s23] =	ssyncadd.s32 $0xFFFFA000  }
0xa4: {  	_ =	swait.ge [sflag:s10], $0x6000  }
0xa5: {  	[sflag:s10] =	ssyncset.done $0x0  }
0xa6: {  	[sflag:s10] =	ssyncadd.s32 $0xFFFFA000  }
0xa7: {  	[spmem:s1] =	stream.indirect.scatter.add.f32 [tilespmem:s8], [sflag:$0x6], $0x30, s31, s2, $0xb8;
	[tilespmem:$0x1F540] =	vst v63  }
0xa8: {  	_ =	swait.ge [sflag:s23], $0x6000  }
0xa9: {  	s11 =	sadd.s32 $0x1, s11;
	[sflag:s23] =	ssyncset.done $0x0  }
0xaa: {  	p1 =	sne.s32 s11, s22;
	[sflag:s23] =	ssyncadd.s32 $0xFFFFA000  }
.Ltmp1:
0xab: {  	[bflag:$0x0] =	sbarrier.arrive $0xFFFF;
	(pc) =	sbr.rel @p1 .LBB2_1-.Ltmp1, $4  }
0xac: {  	[hbm:s24], [sflag:s18] =	dma.local [spmem:s12], $0xF00  }
0xad: {  	_ =	swait.ge [sflag:s23], $0xF00  }
0xae: {  	[sflag:s23] =	ssyncset.done $0x0  }
0xaf: {  	[sflag:s23] =	ssyncadd.s32 $0xFFFFF100  }
0xb0: {  	_ =	sfence.sel $0x180000  }
0xb1: {  	[bflag:$0x0] =	sbarrier.arrive $0xFFFF  }
0xb2: {  	_ =	strace $0x9000004D  }
0xb3: {  	s0 =	stileid.u32;
	[bflag:$0x2] =	sbarrier.arrive $0xFFFF  }
0xb4: {  	p0 =	sne.s32 s0, $0x0;
	s0 =	rddreg [dreg:$0x3]  }
0xb5: {  	s0 =	sadd.s32 @!p0 $0x100000, s0  }
0xb6: {  	[sflag:s0] =	ssyncadd.tile.s32 @!p0 $0x1;
	_ =	shalt  }
.Lfunc_end2:
_tile_overlayer_lowered:
.L_overlay_start_2:
0xb7: {  	(tag) =	ssettag $0x2  }
0xb8: {  	s0 =	rddreg [dreg:$0x0];
	s2 =	stileid.u32  }
0xb9: {  	s1 =	rddreg [dreg:$0x1];
	p0 =	sne.s32 s2, $0x0  }
0xba: {  	s3 =	rddreg [dreg:$0x2];
	[bflag:$0x3] =	sbarrier.arrive $0xFFFF;
	s2 =	simm.s32 @!p0 $0x1C06  }
0xbb: {  	[timem:s3], [sflag:s2] =	dma.local @!p0 [hbm:s0], s1  }
0xbc: {  	s0 =	simm.s32 @!p0 $0x6  }
0xbd: {  	_ =	swait.ge @!p0 [sflag:s0], s1  }
0xbe: {  	s1 =	ssub.s32 @!p0 $0x0, s1;
	[sflag:s0] =	ssyncset.done @!p0 $0x0  }
0xbf: {  	[sflag:s0] =	ssyncadd.s32 @!p0 s1  }
0xc0: {  	[bflag:$0x3] =	sbarrier.arrive $0xFFFF  }
0xc1: {  	_ =	shalt  }

</sc_bundles>
